<compile_context>
chip_gen: v7x
topology: tpu7x:2x2x1
jax: 0.10.2.dev20260603
libtpu: 0.0.44.dev20260713+nightly
codegen_flags: <defaults>
</compile_context>

<pallas_src>
import functools

import jax
import jax.numpy as jnp
from jax import lax
from jax.experimental import pallas as pl
from jax.experimental.pallas import tpu as pltpu
from jax.experimental.pallas import tpu_sc as plsc

N = 10000
E = 320000
H = 128

NW = 32
CH = 128
NCHUNK = 80
EPW = CH * NCHUNK
EPAD = NW * EPW
NT = 10112
RPS = NT // 16

NB = 1000
GRID = N // NB

_mesh = plsc.VectorSubcoreMesh(core_axis_name="c", subcore_axis_name="s",
                               num_cores=2, num_subcores=16)



@functools.partial(
    pl.kernel,
    out_type=jax.ShapeDtypeStruct((2, NT, H), jnp.float32),
    mesh=_mesh,
    scratch_types=[
        pltpu.VMEM((NCHUNK, CH), jnp.int32),
        pltpu.VMEM((NCHUNK, CH), jnp.int32),
        pltpu.VMEM((CH, H), jnp.float32),
        pltpu.VMEM_SHARED((NT, H), jnp.float32),
        pltpu.SemaphoreType.DMA,
    ],
)
def _deg_kernel(src_hbm, dst_hbm, ones_src_hbm, ones_dst_hbm, zeros_hbm,
                out_hbm, src_v, dst_v, ones_v, table, sems):
    c = lax.axis_index("c")
    s = lax.axis_index("s")
    wid = c * 16 + s
    pltpu.sync_copy(src_hbm.at[wid], src_v)
    pltpu.sync_copy(dst_hbm.at[wid], dst_v)
    pltpu.sync_copy(ones_src_hbm, ones_v)
    pltpu.sync_copy(zeros_hbm, table.at[pl.ds(s * RPS, RPS)])
    plsc.subcore_barrier()

    DEPTH = 4

    def scatter_pass(idx_v):
        def body(j, carry):
            pltpu.async_copy(ones_v, table.at[idx_v.at[j]], sems, add=True)

            @pl.when(j >= DEPTH)
            def _():
                pltpu.make_async_copy(ones_v, table.at[idx_v.at[j]],
                                      sems).wait()
            return carry

        lax.fori_loop(0, NCHUNK, body, 0)
        for _ in range(DEPTH):
            pltpu.make_async_copy(ones_v, table.at[idx_v.at[0]], sems).wait()

    scatter_pass(src_v)
    pltpu.sync_copy(ones_dst_hbm, ones_v)
    scatter_pass(dst_v)
    plsc.subcore_barrier()
    pltpu.sync_copy(table.at[pl.ds(s * RPS, RPS)],
                    out_hbm.at[c].at[pl.ds(s * RPS, RPS)])


HC = NCHUNK // 2


@functools.partial(
    pl.kernel,
    out_type=jax.ShapeDtypeStruct((2, NT, H), jnp.float32),
    mesh=_mesh,
    scratch_types=[
        pltpu.VMEM((HC, CH), jnp.int32),
        pltpu.VMEM((HC, CH), jnp.int32),
        pltpu.VMEM((2 * CH, H), jnp.float32),
        pltpu.VMEM_SHARED((NT, H), jnp.float32),
        pltpu.SemaphoreType.DMA,
        pltpu.SemaphoreType.DMA,
    ],
)
def _spmm_kernel(z_hbm, src_hbm, dst_hbm, zeros_hbm, out_hbm,
                 src_v, dst_v, rows_v, table, semg, sems):
    c = lax.axis_index("c")
    s = lax.axis_index("s")
    wid = c * 16 + s
    pltpu.sync_copy(zeros_hbm, table.at[pl.ds(s * RPS, RPS)])
    plsc.subcore_barrier()

    for h in range(2):
        pltpu.sync_copy(src_hbm.at[wid].at[pl.ds(h * HC, HC)], src_v)
        pltpu.sync_copy(dst_hbm.at[wid].at[pl.ds(h * HC, HC)], dst_v)
        pltpu.async_copy(z_hbm.at[src_v.at[0]], rows_v.at[pl.ds(0, CH)], semg)

        def body(j, carry):
            b = (j % 2) * CH
            buf = rows_v.at[pl.ds(b, CH)]

            @pl.when(j + 1 < HC)
            def _():
                nbuf = rows_v.at[pl.ds(CH - b, CH)]

                @pl.when(j >= 1)
                def _():
                    pltpu.make_async_copy(
                        nbuf, table.at[dst_v.at[j]], sems).wait()
                pltpu.async_copy(z_hbm.at[src_v.at[j + 1]], nbuf, semg)

            pltpu.make_async_copy(z_hbm.at[src_v.at[j]], buf, semg).wait()
            pltpu.async_copy(buf, table.at[dst_v.at[j]], sems, add=True)
            return carry

        lax.fori_loop(0, HC, body, 0)
        for _ in range(2):
            pltpu.make_async_copy(rows_v.at[pl.ds(0, CH)],
                                  table.at[dst_v.at[0]], sems).wait()

    plsc.subcore_barrier()
    pltpu.sync_copy(table.at[pl.ds(s * RPS, RPS)],
                    out_hbm.at[c].at[pl.ds(s * RPS, RPS)])



def _prep_body(deg_ref, xin_ref, z_ref, no_ref, ni_ref):
    dsrc = deg_ref[0, :, 0:1] + deg_ref[1, :, 0:1]
    ddst = deg_ref[0, :, H - 1:H] + deg_ref[1, :, H - 1:H]
    no = lax.rsqrt(jnp.maximum(dsrc, 1.0))
    ni = lax.rsqrt(jnp.maximum(ddst, 1.0))
    no_ref[...] = no
    ni_ref[...] = ni
    z_ref[...] = xin_ref[...] * no


def _prep_call(deg, xin):
    return pl.pallas_call(
        _prep_body,
        grid=(GRID,),
        in_specs=[
            pl.BlockSpec((2, NB, H), lambda i: (0, i, 0)),
            pl.BlockSpec((NB, H), lambda i: (i, 0)),
        ],
        out_specs=[
            pl.BlockSpec((NB, H), lambda i: (i, 0)),
            pl.BlockSpec((NB, 1), lambda i: (i, 0)),
            pl.BlockSpec((NB, 1), lambda i: (i, 0)),
        ],
        out_shape=[
            jax.ShapeDtypeStruct((N, H), jnp.float32),
            jax.ShapeDtypeStruct((N, 1), jnp.float32),
            jax.ShapeDtypeStruct((N, 1), jnp.float32),
        ],
    )(deg, xin)


def _layer_body(p_ref, ni_ref, no_ref, w_ref, b_ref,
                z_ref, rs_ref, rm_ref, sacc, macc):
    i = pl.program_id(0)
    agg = (p_ref[0] + p_ref[1]) * ni_ref[...]
    x = jnp.dot(agg, w_ref[...], preferred_element_type=jnp.float32)
    x = jnp.maximum(x + b_ref[...], 0.0)
    z_ref[...] = x * no_ref[...]
    ps = jnp.sum(x, axis=0, keepdims=True)
    pm = jnp.max(x, axis=0, keepdims=True)

    @pl.when(i == 0)
    def _():
        sacc[...] = ps
        macc[...] = pm

    @pl.when(i > 0)
    def _():
        sacc[...] += ps
        macc[...] = jnp.maximum(macc[...], pm)

    @pl.when(i == pl.num_programs(0) - 1)
    def _():
        rs_ref[...] = sacc[...]
        rm_ref[...] = macc[...]


def _layer_call(partials, norm_in, norm_out, w, b):
    return pl.pallas_call(
        _layer_body,
        grid=(GRID,),
        in_specs=[
            pl.BlockSpec((2, NB, H), lambda i: (0, i, 0)),
            pl.BlockSpec((NB, 1), lambda i: (i, 0)),
            pl.BlockSpec((NB, 1), lambda i: (i, 0)),
            pl.BlockSpec((H, H), lambda i: (0, 0)),
            pl.BlockSpec((1, H), lambda i: (0, 0)),
        ],
        out_specs=[
            pl.BlockSpec((NB, H), lambda i: (i, 0)),
            pl.BlockSpec((1, H), lambda i: (0, 0)),
            pl.BlockSpec((1, H), lambda i: (0, 0)),
        ],
        out_shape=[
            jax.ShapeDtypeStruct((N, H), jnp.float32),
            jax.ShapeDtypeStruct((1, H), jnp.float32),
            jax.ShapeDtypeStruct((1, H), jnp.float32),
        ],
        scratch_shapes=[
            pltpu.VMEM((1, H), jnp.float32),
            pltpu.VMEM((1, H), jnp.float32),
        ],
    )(partials, norm_in, norm_out, w, b)


def _head_body(inpc_ref, wc_ref, rs1, rm1, rs2, rm2, rs3, rm3,
               w1c_ref, w1s_ref, w1m_ref, bm1_ref, wm2_ref, bm2_ref, wm3_ref,
               out_ref):
    embed = jnp.maximum(
        jnp.dot(inpc_ref[...], wc_ref[...], preferred_element_type=jnp.float32),
        0.0)
    fn = jnp.float32(N)
    hs = (jnp.maximum(rs1[...] / fn, 0.0)
          + jnp.maximum(rs2[...] / fn, 0.0)
          + jnp.maximum(rs3[...] / fn, 0.0))
    hm = (jnp.maximum(rm1[...], 0.0) + jnp.maximum(rm2[...], 0.0)
          + jnp.maximum(rm3[...], 0.0))
    h = (jnp.dot(embed, w1c_ref[...], preferred_element_type=jnp.float32)
         + jnp.dot(hs, w1s_ref[...], preferred_element_type=jnp.float32)
         + jnp.dot(hm, w1m_ref[...], preferred_element_type=jnp.float32)
         + bm1_ref[...])
    h = jnp.maximum(h, 0.0)
    h = jnp.maximum(
        jnp.dot(h, wm2_ref[...], preferred_element_type=jnp.float32)
        + bm2_ref[...], 0.0)
    out_ref[...] = jnp.dot(h, wm3_ref[...], preferred_element_type=jnp.float32,
                           precision=lax.Precision.HIGHEST)


def _head_call(inp_c, wc, rs1, rm1, rs2, rm2, rs3, rm3,
               w1c, w1s, w1m, bm1, wm2, bm2, wm3):
    return pl.pallas_call(
        _head_body,
        out_shape=jax.ShapeDtypeStruct((1, 1), jnp.float32),
    )(inp_c, wc, rs1, rm1, rs2, rm2, rs3, rm3,
      w1c, w1s, w1m, bm1, wm2, bm2, wm3)



def kernel(inp_c, inp_n, edge_index, W1, b1, W2, b2, W3, b3,
           Wc, Wm1, bm1, Wm2, bm2, Wm3):
    src = edge_index[0]
    dst = edge_index[1]
    pad = EPAD - E
    junk = N + (jnp.arange(pad, dtype=jnp.int32) % (NT - N))
    src_p = jnp.concatenate(
        [src, jnp.zeros((pad,), jnp.int32)]).reshape(NW, NCHUNK, CH)
    dst_p = jnp.concatenate([dst, junk]).reshape(NW, NCHUNK, CH)
    src_deg_p = jnp.concatenate([src, junk]).reshape(NW, NCHUNK, CH)

    col = jnp.arange(H, dtype=jnp.float32)
    ones_src = jnp.tile(jnp.where(col < 64, 1.0, 0.0)[None, :], (CH, 1))
    ones_dst = jnp.tile(jnp.where(col < 64, 0.0, 1.0)[None, :], (CH, 1))
    zeros_h = jnp.zeros((RPS, H), jnp.float32)

    deg = _deg_kernel(src_deg_p, dst_p, ones_src, ones_dst, zeros_h)
    z, norm_out, norm_in = _prep_call(deg, inp_n)

    readouts = []
    for w, b in ((W1, b1), (W2, b2), (W3, b3)):
        partials = _spmm_kernel(z, src_p, dst_p, zeros_h)
        z, rs, rm = _layer_call(partials, norm_in, norm_out,
                                w, b.reshape(1, H))
        readouts += [rs, rm]

    w1c = Wm1[:64]
    w1s = Wm1[64:64 + H]
    w1m = Wm1[64 + H:]
    return _head_call(inp_c, Wc, *readouts,
                      w1c, w1s, w1m, bm1.reshape(1, -1),
                      Wm2, bm2.reshape(1, -1), Wm3)

# --- scband reference (transcript-rebuilt; emitter-appended) ---
"""Pipeline reference for scband-gnn-ori-9534827397530 (READ-ONLY COPY).

The authoritative reference and input builder live on the scoring server;
editing this copy changes nothing except your own understanding.
"""

import jax, jax.numpy as jnp
import numpy as np

N = 10000
E = 320000
D_IN = 128
H = 128
C_IN = 64
C_EMB = 64
HAZ = 128
OUT = 1
FUSION = 2 * H + C_EMB  # 320


def setup_inputs(seed: int = 0) -> dict:
    key = jax.random.key(seed)
    ks = jax.random.split(key, 16)
    inp_c = jax.random.normal(ks[0], (1, C_IN), dtype=jnp.float32)
    inp_n = jax.random.normal(ks[1], (N, D_IN), dtype=jnp.float32)
    edge_index = jax.random.randint(ks[2], (2, E), 0, N, dtype=jnp.int32)
    s = 0.05
    W1 = jax.random.normal(ks[3], (D_IN, H), dtype=jnp.float32) * s
    b1 = jnp.zeros((H,), dtype=jnp.float32)
    W2 = jax.random.normal(ks[4], (H, H), dtype=jnp.float32) * s
    b2 = jnp.zeros((H,), dtype=jnp.float32)
    W3 = jax.random.normal(ks[5], (H, H), dtype=jnp.float32) * s
    b3 = jnp.zeros((H,), dtype=jnp.float32)
    Wc = jax.random.normal(ks[6], (C_IN, C_EMB), dtype=jnp.float32) * s
    Wm1 = jax.random.normal(ks[7], (FUSION, HAZ), dtype=jnp.float32) * s
    bm1 = jnp.zeros((HAZ,), dtype=jnp.float32)
    Wm2 = jax.random.normal(ks[8], (HAZ, HAZ // 2), dtype=jnp.float32) * s
    bm2 = jnp.zeros((HAZ // 2,), dtype=jnp.float32)
    Wm3 = jax.random.normal(ks[9], (HAZ // 2, OUT), dtype=jnp.float32) * s
    return {"inp_c": inp_c, "inp_n": inp_n, "edge_index": edge_index,
            "W1": W1, "b1": b1, "W2": W2, "b2": b2, "W3": W3, "b3": b3,
            "Wc": Wc, "Wm1": Wm1, "bm1": bm1, "Wm2": Wm2, "bm2": bm2, "Wm3": Wm3}


def _graph_conv(x, src, dst, W, b):
    # DGL GraphConv with norm='both': D_out^{-1/2} gather-sum D_in^{-1/2}, then Linear
    ones = jnp.ones((E,), dtype=jnp.float32)
    deg_out = jax.ops.segment_sum(ones, src, num_segments=N)
    deg_in = jax.ops.segment_sum(ones, dst, num_segments=N)
    norm_out = jnp.power(jnp.clip(deg_out, 1.0, None), -0.5)
    norm_in = jnp.power(jnp.clip(deg_in, 1.0, None), -0.5)
    h = x * norm_out[:, None]
    msg = jnp.take(h, src, axis=0)
    agg = jax.ops.segment_sum(msg, dst, num_segments=N)
    agg = agg * norm_in[:, None]
    return agg @ W + b


def _readout_both(x):
    # AvgPooling + MaxPooling over a single graph -> [1, 2H]
    return jnp.concatenate([jnp.mean(x, axis=0, keepdims=True),
                            jnp.max(x, axis=0, keepdims=True)], axis=-1)


def reference(inp_c, inp_n, edge_index, W1, b1, W2, b2, W3, b3, Wc, Wm1, bm1, Wm2, bm2, Wm3):
    src = edge_index[0]
    dst = edge_index[1]
    embed = jax.nn.relu(inp_c @ Wc)
    x = jax.nn.relu(_graph_conv(inp_n, src, dst, W1, b1))
    x1 = _readout_both(x)
    x = jax.nn.relu(_graph_conv(x, src, dst, W2, b2))
    x2 = _readout_both(x)
    x = jax.nn.relu(_graph_conv(x, src, dst, W3, b3))
    x3 = _readout_both(x)
    hg = jax.nn.relu(x1) + jax.nn.relu(x2) + jax.nn.relu(x3)
    fusion = jnp.concatenate([embed, hg], axis=1)
    h = jax.nn.relu(fusion @ Wm1 + bm1)
    h = jax.nn.relu(h @ Wm2 + bm2)
    out = h @ Wm3  # out_dim == 1 -> Identity (no sigmoid)
    return out

if __name__ == "__main__":
    import jax
    _d = setup_inputs()
    print(jax.jit(kernel)(*tuple(_d.values())))

</pallas_src>

<mosaic_0001>
#map = affine_map<(d0, d1) -> (0, 0)>
#map1 = affine_map<(d0, d1) -> (0, 0, 0)>
module attributes {stable_mosaic.version = 14 : i64} {
  func.func @_spmm_kernel(%arg0: i32, %arg1: i32, %arg2: memref<10000x128xf32, #tpu.memory_space<hbm>>, %arg3: memref<32x80x128xi32, #tpu.memory_space<hbm>>, %arg4: memref<32x80x128xi32, #tpu.memory_space<hbm>>, %arg5: memref<632x128xf32, #tpu.memory_space<hbm>>, %arg6: memref<2x10112x128xf32, #tpu.memory_space<hbm>>, %arg7: memref<40x128xi32, #tpu.memory_space<vmem>>, %arg8: memref<40x128xi32, #tpu.memory_space<vmem>>, %arg9: memref<256x128xf32, #tpu.memory_space<vmem>>, %arg10: memref<10112x128xf32, #tpu.memory_space<vmem_shared>>, %arg11: memref<!tpu.dma_semaphore, #tpu.memory_space<semaphore_mem>>, %arg12: memref<!tpu.dma_semaphore, #tpu.memory_space<semaphore_mem>>) attributes {dimension_semantics = [#tpu.dimension_semantics<core_parallel>, #tpu.dimension_semantics<subcore_parallel>], iteration_bounds = array<i64: 2, 16>, scalar_prefetch = 0 : i64, scratch_operands = 6 : i64, tpu.core_type = #tpu.core_type<sc_vector_subcore>, window_params = [{transform_indices = #map}, {transform_indices = #map1}, {transform_indices = #map1}, {transform_indices = #map}, {transform_indices = #map1}]} {
    %mul3A = arith.constant 16 : i32
    %mul3A_0 = arith.muli %arg0, %mul3A : i32
    %add3A = arith.addi %mul3A_0, %arg1 : i32
    %mul3A_1 = arith.constant 632 : i32
    %mul3A_2 = arith.muli %arg1, %mul3A_1 : i32
    "tpu.region"() ({
      %run_scoped3A = tpu.sem_alloc : memref<!tpu.dma_semaphore, #tpu.memory_space<semaphore_mem>>
      %dma_start3A_77 = arith.constant 0 : i32
      %dma_start3A_78 = tpu.memref_slice %arg10[%mul3A_2, %dma_start3A_77] : memref<10112x128xf32, #tpu.memory_space<vmem_shared>> -> memref<632x128xf32, #tpu.memory_space<vmem_shared>>
      tpu.enqueue_dma source(%arg5 : memref<632x128xf32, #tpu.memory_space<hbm>>) target(%dma_start3A_78 : memref<632x128xf32, #tpu.memory_space<vmem_shared>>) target_semaphore(%run_scoped3A : memref<!tpu.dma_semaphore, #tpu.memory_space<semaphore_mem>>)
      %dma_wait3A_79 = arith.constant 0 : i32
      %dma_wait3A_80 = tpu.memref_slice %arg10[%mul3A_2, %dma_wait3A_79] : memref<10112x128xf32, #tpu.memory_space<vmem_shared>> -> memref<632x128xf32, #tpu.memory_space<vmem_shared>>
      tpu.wait_dma2 semaphore(%run_scoped3A : memref<!tpu.dma_semaphore, #tpu.memory_space<semaphore_mem>>) src(%arg5 : memref<632x128xf32, #tpu.memory_space<hbm>>) dst(%dma_wait3A_80 : memref<632x128xf32, #tpu.memory_space<vmem_shared>>)
      tpu.yield
    }) : () -> ()
    %barrier3A = arith.constant 0 : index
    tpu.barrier barrier_id(%barrier3A)
    "tpu.region"() ({
      %run_scoped3A = tpu.sem_alloc : memref<!tpu.dma_semaphore, #tpu.memory_space<semaphore_mem>>
      %dma_start3A_77 = arith.constant 0 : i32
      %dma_start3A_78 = arith.constant 0 : i32
      %dma_start3A_79 = tpu.memref_slice %arg3[%add3A, %dma_start3A_77, %dma_start3A_78] : memref<32x80x128xi32, #tpu.memory_space<hbm>> -> memref<1x80x128xi32, #tpu.memory_space<hbm>>
      %dma_start3A_80 = tpu.memref_squeeze %dma_start3A_79 : memref<1x80x128xi32, #tpu.memory_space<hbm>> -> memref<80x128xi32, #tpu.memory_space<hbm>>
      %dma_start3A_81 = arith.constant 0 : i32
      %dma_start3A_82 = arith.constant 0 : i32
      %dma_start3A_83 = tpu.memref_slice %dma_start3A_80[%dma_start3A_81, %dma_start3A_82] : memref<80x128xi32, #tpu.memory_space<hbm>> -> memref<40x128xi32, #tpu.memory_space<hbm>>
      %dma_start3A_84 = arith.constant 0 : i32
      %dma_start3A_85 = arith.constant 0 : i32
      %dma_start3A_86 = tpu.memref_slice %arg3[%add3A, %dma_start3A_84, %dma_start3A_85] : memref<32x80x128xi32, #tpu.memory_space<hbm>> -> memref<1x80x128xi32, #tpu.memory_space<hbm>>
      %dma_start3A_87 = tpu.memref_squeeze %dma_start3A_86 : memref<1x80x128xi32, #tpu.memory_space<hbm>> -> memref<80x128xi32, #tpu.memory_space<hbm>>
      %dma_start3A_88 = arith.constant 0 : i32
      %dma_start3A_89 = arith.constant 0 : i32
      %dma_start3A_90 = tpu.memref_slice %dma_start3A_87[%dma_start3A_88, %dma_start3A_89] : memref<80x128xi32, #tpu.memory_space<hbm>> -> memref<40x128xi32, #tpu.memory_space<hbm>>
      tpu.enqueue_dma source(%dma_start3A_90 : memref<40x128xi32, #tpu.memory_space<hbm>>) target(%arg7 : memref<40x128xi32, #tpu.memory_space<vmem>>) target_semaphore(%run_scoped3A : memref<!tpu.dma_semaphore, #tpu.memory_space<semaphore_mem>>)
      %dma_wait3A_91 = arith.constant 0 : i32
      %dma_wait3A_92 = arith.constant 0 : i32
      %dma_wait3A_93 = tpu.memref_slice %arg3[%add3A, %dma_wait3A_91, %dma_wait3A_92] : memref<32x80x128xi32, #tpu.memory_space<hbm>> -> memref<1x80x128xi32, #tpu.memory_space<hbm>>
      %dma_wait3A_94 = tpu.memref_squeeze %dma_wait3A_93 : memref<1x80x128xi32, #tpu.memory_space<hbm>> -> memref<80x128xi32, #tpu.memory_space<hbm>>
      %dma_wait3A_95 = arith.constant 0 : i32
      %dma_wait3A_96 = arith.constant 0 : i32
      %dma_wait3A_97 = tpu.memref_slice %dma_wait3A_94[%dma_wait3A_95, %dma_wait3A_96] : memref<80x128xi32, #tpu.memory_space<hbm>> -> memref<40x128xi32, #tpu.memory_space<hbm>>
      %dma_wait3A_98 = arith.constant 0 : i32
      %dma_wait3A_99 = arith.constant 0 : i32
      %dma_wait3A_100 = tpu.memref_slice %arg3[%add3A, %dma_wait3A_98, %dma_wait3A_99] : memref<32x80x128xi32, #tpu.memory_space<hbm>> -> memref<1x80x128xi32, #tpu.memory_space<hbm>>
      %dma_wait3A_101 = tpu.memref_squeeze %dma_wait3A_100 : memref<1x80x128xi32, #tpu.memory_space<hbm>> -> memref<80x128xi32, #tpu.memory_space<hbm>>
      %dma_wait3A_102 = arith.constant 0 : i32
      %dma_wait3A_103 = arith.constant 0 : i32
      %dma_wait3A_104 = tpu.memref_slice %dma_wait3A_101[%dma_wait3A_102, %dma_wait3A_103] : memref<80x128xi32, #tpu.memory_space<hbm>> -> memref<40x128xi32, #tpu.memory_space<hbm>>
      tpu.wait_dma2 semaphore(%run_scoped3A : memref<!tpu.dma_semaphore, #tpu.memory_space<semaphore_mem>>) src(%dma_wait3A_104 : memref<40x128xi32, #tpu.memory_space<hbm>>) dst(%arg7 : memref<40x128xi32, #tpu.memory_space<vmem>>)
      tpu.yield
    }) : () -> ()
    "tpu.region"() ({
      %run_scoped3A = tpu.sem_alloc : memref<!tpu.dma_semaphore, #tpu.memory_space<semaphore_mem>>
      %dma_start3A_77 = arith.constant 0 : i32
      %dma_start3A_78 = arith.constant 0 : i32
      %dma_start3A_79 = tpu.memref_slice %arg4[%add3A, %dma_start3A_77, %dma_start3A_78] : memref<32x80x128xi32, #tpu.memory_space<hbm>> -> memref<1x80x128xi32, #tpu.memory_space<hbm>>
      %dma_start3A_80 = tpu.memref_squeeze %dma_start3A_79 : memref<1x80x128xi32, #tpu.memory_space<hbm>> -> memref<80x128xi32, #tpu.memory_space<hbm>>
      %dma_start3A_81 = arith.constant 0 : i32
      %dma_start3A_82 = arith.constant 0 : i32
      %dma_start3A_83 = tpu.memref_slice %dma_start3A_80[%dma_start3A_81, %dma_start3A_82] : memref<80x128xi32, #tpu.memory_space<hbm>> -> memref<40x128xi32, #tpu.memory_space<hbm>>
      %dma_start3A_84 = arith.constant 0 : i32
      %dma_start3A_85 = arith.constant 0 : i32
      %dma_start3A_86 = tpu.memref_slice %arg4[%add3A, %dma_start3A_84, %dma_start3A_85] : memref<32x80x128xi32, #tpu.memory_space<hbm>> -> memref<1x80x128xi32, #tpu.memory_space<hbm>>
      %dma_start3A_87 = tpu.memref_squeeze %dma_start3A_86 : memref<1x80x128xi32, #tpu.memory_space<hbm>> -> memref<80x128xi32, #tpu.memory_space<hbm>>
      %dma_start3A_88 = arith.constant 0 : i32
      %dma_start3A_89 = arith.constant 0 : i32
      %dma_start3A_90 = tpu.memref_slice %dma_start3A_87[%dma_start3A_88, %dma_start3A_89] : memref<80x128xi32, #tpu.memory_space<hbm>> -> memref<40x128xi32, #tpu.memory_space<hbm>>
      tpu.enqueue_dma source(%dma_start3A_90 : memref<40x128xi32, #tpu.memory_space<hbm>>) target(%arg8 : memref<40x128xi32, #tpu.memory_space<vmem>>) target_semaphore(%run_scoped3A : memref<!tpu.dma_semaphore, #tpu.memory_space<semaphore_mem>>)
      %dma_wait3A_91 = arith.constant 0 : i32
      %dma_wait3A_92 = arith.constant 0 : i32
      %dma_wait3A_93 = tpu.memref_slice %arg4[%add3A, %dma_wait3A_91, %dma_wait3A_92] : memref<32x80x128xi32, #tpu.memory_space<hbm>> -> memref<1x80x128xi32, #tpu.memory_space<hbm>>
      %dma_wait3A_94 = tpu.memref_squeeze %dma_wait3A_93 : memref<1x80x128xi32, #tpu.memory_space<hbm>> -> memref<80x128xi32, #tpu.memory_space<hbm>>
      %dma_wait3A_95 = arith.constant 0 : i32
      %dma_wait3A_96 = arith.constant 0 : i32
      %dma_wait3A_97 = tpu.memref_slice %dma_wait3A_94[%dma_wait3A_95, %dma_wait3A_96] : memref<80x128xi32, #tpu.memory_space<hbm>> -> memref<40x128xi32, #tpu.memory_space<hbm>>
      %dma_wait3A_98 = arith.constant 0 : i32
      %dma_wait3A_99 = arith.constant 0 : i32
      %dma_wait3A_100 = tpu.memref_slice %arg4[%add3A, %dma_wait3A_98, %dma_wait3A_99] : memref<32x80x128xi32, #tpu.memory_space<hbm>> -> memref<1x80x128xi32, #tpu.memory_space<hbm>>
      %dma_wait3A_101 = tpu.memref_squeeze %dma_wait3A_100 : memref<1x80x128xi32, #tpu.memory_space<hbm>> -> memref<80x128xi32, #tpu.memory_space<hbm>>
      %dma_wait3A_102 = arith.constant 0 : i32
      %dma_wait3A_103 = arith.constant 0 : i32
      %dma_wait3A_104 = tpu.memref_slice %dma_wait3A_101[%dma_wait3A_102, %dma_wait3A_103] : memref<80x128xi32, #tpu.memory_space<hbm>> -> memref<40x128xi32, #tpu.memory_space<hbm>>
      tpu.wait_dma2 semaphore(%run_scoped3A : memref<!tpu.dma_semaphore, #tpu.memory_space<semaphore_mem>>) src(%dma_wait3A_104 : memref<40x128xi32, #tpu.memory_space<hbm>>) dst(%arg8 : memref<40x128xi32, #tpu.memory_space<vmem>>)
      tpu.yield
    }) : () -> ()
    %dma_start3A = arith.constant 0 : i32
    %dma_start3A_3 = arith.constant 0 : i32
    %dma_start3A_4 = arith.constant 0 : i32
    %dma_start3A_5 = tpu.memref_slice %arg9[%dma_start3A_3, %dma_start3A_4] : memref<256x128xf32, #tpu.memory_space<vmem>> -> memref<128x128xf32, #tpu.memory_space<vmem>>
    %dma_start3A_6 = arith.constant 0 : i32
    %dma_start3A_7 = tpu.memref_slice %arg7[%dma_start3A, %dma_start3A_6] : memref<40x128xi32, #tpu.memory_space<vmem>> -> memref<1x128xi32, #tpu.memory_space<vmem>>
    %dma_start3A_8 = tpu.memref_squeeze %dma_start3A_7 : memref<1x128xi32, #tpu.memory_space<vmem>> -> memref<128xi32, #tpu.memory_space<vmem>>
    %dma_start3A_9 = arith.constant 0 : i32
    %dma_start3A_10 = arith.constant 0 : i32
    %dma_start3A_11 = tpu.memref_slice %arg2[%dma_start3A_9, %dma_start3A_10] : memref<10000x128xf32, #tpu.memory_space<hbm>> -> memref<10000x128xf32, #tpu.memory_space<hbm>>
    tpu.enqueue_indirect_dma source(%dma_start3A_11 : memref<10000x128xf32, #tpu.memory_space<hbm>>) target(%dma_start3A_5 : memref<128x128xf32, #tpu.memory_space<vmem>>) offsets(%dma_start3A_8 : memref<128xi32, #tpu.memory_space<vmem>>) semaphore(%arg11 : memref<!tpu.dma_semaphore, #tpu.memory_space<semaphore_mem>>)
    %scan3A = arith.constant 0 : i32
    %scan3A_12 = arith.constant 0 : i32
    %scan3A_13 = arith.constant 40 : i32
    %scan3A_14 = arith.addi %scan3A_12, %scan3A_13 : i32
    %scan3A_15 = arith.constant 1 : i32
    scf.for %scan3A_77 = %scan3A_12 to %scan3A_14 step %scan3A_15  : i32 {
      %jit3A = arith.constant 2 : i32
      %eq3A = arith.constant 0 : i32
      %eq3A_78 = arith.cmpi eq, %jit3A, %eq3A : i32
      %jit3A_79 = arith.constant 1 : i32
      %select_n3A = arith.select %eq3A_78, %jit3A_79, %jit3A : i32
      %rem3A = arith.remsi %scan3A_77, %select_n3A : i32
      %ne3A = arith.constant 0 : i32
      %ne3A_80 = arith.cmpi ne, %rem3A, %ne3A : i32
      %lt3A = arith.constant 0 : i32
      %lt3A_81 = arith.cmpi slt, %rem3A, %lt3A : i32
      %lt3A_82 = arith.constant 0 : i32
      %lt3A_83 = arith.cmpi slt, %select_n3A, %lt3A_82 : i32
      %ne3A_84 = arith.xori %lt3A_81, %lt3A_83 : i1
      %and3A = arith.andi %ne3A_84, %ne3A_80 : i1
      %add3A_85 = arith.addi %rem3A, %select_n3A : i32
      %select_n3A_86 = arith.select %and3A, %add3A_85, %rem3A : i32
      %mul3A_87 = arith.constant 128 : i32
      %mul3A_88 = arith.muli %select_n3A_86, %mul3A_87 : i32
      %add3A_89 = arith.constant 1 : i32
      %add3A_90 = arith.addi %scan3A_77, %add3A_89 : i32
      %lt3A_91 = arith.constant 40 : i32
      %lt3A_92 = arith.cmpi slt, %add3A_90, %lt3A_91 : i32
      %convert_element_type3A = arith.extui %lt3A_92 : i1 to i32
      %cond3A = arith.constant 0 : i32
      %cond3A_93 = arith.cmpi ne, %convert_element_type3A, %cond3A : i32
      scf.if %cond3A_93 {
        %sub3A = arith.constant 128 : i32
        %sub3A_110 = arith.subi %sub3A, %mul3A_88 : i32
        %ge3A = arith.constant 1 : i32
        %ge3A_111 = arith.cmpi sge, %scan3A_77, %ge3A : i32
        %convert_element_type3A_112 = arith.extui %ge3A_111 : i1 to i32
        %cond3A_113 = arith.constant 0 : i32
        %cond3A_114 = arith.cmpi ne, %convert_element_type3A_112, %cond3A_113 : i32
        scf.if %cond3A_114 {
          %dma_wait3A_125 = arith.constant 0 : i32
          %dma_wait3A_126 = tpu.memref_slice %arg9[%sub3A_110, %dma_wait3A_125] : memref<256x128xf32, #tpu.memory_space<vmem>> -> memref<128x128xf32, #tpu.memory_space<vmem>>
          %dma_wait3A_127 = arith.constant 0 : i32
          %dma_wait3A_128 = tpu.memref_slice %arg8[%scan3A_77, %dma_wait3A_127] : memref<40x128xi32, #tpu.memory_space<vmem>> -> memref<1x128xi32, #tpu.memory_space<vmem>>
          %dma_wait3A_129 = tpu.memref_squeeze %dma_wait3A_128 : memref<1x128xi32, #tpu.memory_space<vmem>> -> memref<128xi32, #tpu.memory_space<vmem>>
          %dma_wait3A_130 = arith.constant 0 : i32
          %dma_wait3A_131 = arith.constant 0 : i32
          %dma_wait3A_132 = tpu.memref_slice %arg10[%dma_wait3A_130, %dma_wait3A_131] : memref<10112x128xf32, #tpu.memory_space<vmem_shared>> -> memref<10112x128xf32, #tpu.memory_space<vmem_shared>>
          tpu.wait_indirect_dma semaphore(%arg12 : memref<!tpu.dma_semaphore, #tpu.memory_space<semaphore_mem>>) src(%dma_wait3A_126 : memref<128x128xf32, #tpu.memory_space<vmem>>) dst(%dma_wait3A_132 : memref<10112x128xf32, #tpu.memory_space<vmem_shared>>)
        } else {
        }
        %add3A_115 = arith.constant 1 : i32
        %add3A_116 = arith.addi %scan3A_77, %add3A_115 : i32
        %dma_start3A_117 = arith.constant 0 : i32
        %dma_start3A_118 = tpu.memref_slice %arg9[%sub3A_110, %dma_start3A_117] : memref<256x128xf32, #tpu.memory_space<vmem>> -> memref<128x128xf32, #tpu.memory_space<vmem>>
        %dma_start3A_119 = arith.constant 0 : i32
        %dma_start3A_120 = tpu.memref_slice %arg7[%add3A_116, %dma_start3A_119] : memref<40x128xi32, #tpu.memory_space<vmem>> -> memref<1x128xi32, #tpu.memory_space<vmem>>
        %dma_start3A_121 = tpu.memref_squeeze %dma_start3A_120 : memref<1x128xi32, #tpu.memory_space<vmem>> -> memref<128xi32, #tpu.memory_space<vmem>>
        %dma_start3A_122 = arith.constant 0 : i32
        %dma_start3A_123 = arith.constant 0 : i32
        %dma_start3A_124 = tpu.memref_slice %arg2[%dma_start3A_122, %dma_start3A_123] : memref<10000x128xf32, #tpu.memory_space<hbm>> -> memref<10000x128xf32, #tpu.memory_space<hbm>>
        tpu.enqueue_indirect_dma source(%dma_start3A_124 : memref<10000x128xf32, #tpu.memory_space<hbm>>) target(%dma_start3A_118 : memref<128x128xf32, #tpu.memory_space<vmem>>) offsets(%dma_start3A_121 : memref<128xi32, #tpu.memory_space<vmem>>) semaphore(%arg11 : memref<!tpu.dma_semaphore, #tpu.memory_space<semaphore_mem>>)
      } else {
      }
      %dma_wait3A_94 = arith.constant 0 : i32
      %dma_wait3A_95 = tpu.memref_slice %arg9[%mul3A_88, %dma_wait3A_94] : memref<256x128xf32, #tpu.memory_space<vmem>> -> memref<128x128xf32, #tpu.memory_space<vmem>>
      %dma_wait3A_96 = arith.constant 0 : i32
      %dma_wait3A_97 = tpu.memref_slice %arg7[%scan3A_77, %dma_wait3A_96] : memref<40x128xi32, #tpu.memory_space<vmem>> -> memref<1x128xi32, #tpu.memory_space<vmem>>
      %dma_wait3A_98 = tpu.memref_squeeze %dma_wait3A_97 : memref<1x128xi32, #tpu.memory_space<vmem>> -> memref<128xi32, #tpu.memory_space<vmem>>
      %dma_wait3A_99 = arith.constant 0 : i32
      %dma_wait3A_100 = arith.constant 0 : i32
      %dma_wait3A_101 = tpu.memref_slice %arg2[%dma_wait3A_99, %dma_wait3A_100] : memref<10000x128xf32, #tpu.memory_space<hbm>> -> memref<10000x128xf32, #tpu.memory_space<hbm>>
      tpu.wait_indirect_dma semaphore(%arg11 : memref<!tpu.dma_semaphore, #tpu.memory_space<semaphore_mem>>) src(%dma_wait3A_101 : memref<10000x128xf32, #tpu.memory_space<hbm>>) dst(%dma_wait3A_95 : memref<128x128xf32, #tpu.memory_space<vmem>>)
      %dma_start3A_102 = arith.constant 0 : i32
      %dma_start3A_103 = tpu.memref_slice %arg9[%mul3A_88, %dma_start3A_102] : memref<256x128xf32, #tpu.memory_space<vmem>> -> memref<128x128xf32, #tpu.memory_space<vmem>>
      %dma_start3A_104 = arith.constant 0 : i32
      %dma_start3A_105 = tpu.memref_slice %arg8[%scan3A_77, %dma_start3A_104] : memref<40x128xi32, #tpu.memory_space<vmem>> -> memref<1x128xi32, #tpu.memory_space<vmem>>
      %dma_start3A_106 = tpu.memref_squeeze %dma_start3A_105 : memref<1x128xi32, #tpu.memory_space<vmem>> -> memref<128xi32, #tpu.memory_space<vmem>>
      %dma_start3A_107 = arith.constant 0 : i32
      %dma_start3A_108 = arith.constant 0 : i32
      %dma_start3A_109 = tpu.memref_slice %arg10[%dma_start3A_107, %dma_start3A_108] : memref<10112x128xf32, #tpu.memory_space<vmem_shared>> -> memref<10112x128xf32, #tpu.memory_space<vmem_shared>>
      tpu.enqueue_indirect_dma source(%dma_start3A_103 : memref<128x128xf32, #tpu.memory_space<vmem>>) target(%dma_start3A_109 : memref<10112x128xf32, #tpu.memory_space<vmem_shared>>) offsets(%dma_start3A_106 : memref<128xi32, #tpu.memory_space<vmem>>) semaphore(%arg12 : memref<!tpu.dma_semaphore, #tpu.memory_space<semaphore_mem>>) {add = true}
    }
    %scan3A_16 = arith.constant 40 : i32
    %dma_wait3A = arith.constant 0 : i32
    %dma_wait3A_17 = arith.constant 0 : i32
    %dma_wait3A_18 = arith.constant 0 : i32
    %dma_wait3A_19 = tpu.memref_slice %arg9[%dma_wait3A_17, %dma_wait3A_18] : memref<256x128xf32, #tpu.memory_space<vmem>> -> memref<128x128xf32, #tpu.memory_space<vmem>>
    %dma_wait3A_20 = arith.constant 0 : i32
    %dma_wait3A_21 = tpu.memref_slice %arg8[%dma_wait3A, %dma_wait3A_20] : memref<40x128xi32, #tpu.memory_space<vmem>> -> memref<1x128xi32, #tpu.memory_space<vmem>>
    %dma_wait3A_22 = tpu.memref_squeeze %dma_wait3A_21 : memref<1x128xi32, #tpu.memory_space<vmem>> -> memref<128xi32, #tpu.memory_space<vmem>>
    %dma_wait3A_23 = arith.constant 0 : i32
    %dma_wait3A_24 = arith.constant 0 : i32
    %dma_wait3A_25 = tpu.memref_slice %arg10[%dma_wait3A_23, %dma_wait3A_24] : memref<10112x128xf32, #tpu.memory_space<vmem_shared>> -> memref<10112x128xf32, #tpu.memory_space<vmem_shared>>
    tpu.wait_indirect_dma semaphore(%arg12 : memref<!tpu.dma_semaphore, #tpu.memory_space<semaphore_mem>>) src(%dma_wait3A_19 : memref<128x128xf32, #tpu.memory_space<vmem>>) dst(%dma_wait3A_25 : memref<10112x128xf32, #tpu.memory_space<vmem_shared>>)
    %dma_wait3A_26 = arith.constant 0 : i32
    %dma_wait3A_27 = arith.constant 0 : i32
    %dma_wait3A_28 = arith.constant 0 : i32
    %dma_wait3A_29 = tpu.memref_slice %arg9[%dma_wait3A_27, %dma_wait3A_28] : memref<256x128xf32, #tpu.memory_space<vmem>> -> memref<128x128xf32, #tpu.memory_space<vmem>>
    %dma_wait3A_30 = arith.constant 0 : i32
    %dma_wait3A_31 = tpu.memref_slice %arg8[%dma_wait3A_26, %dma_wait3A_30] : memref<40x128xi32, #tpu.memory_space<vmem>> -> memref<1x128xi32, #tpu.memory_space<vmem>>
    %dma_wait3A_32 = tpu.memref_squeeze %dma_wait3A_31 : memref<1x128xi32, #tpu.memory_space<vmem>> -> memref<128xi32, #tpu.memory_space<vmem>>
    %dma_wait3A_33 = arith.constant 0 : i32
    %dma_wait3A_34 = arith.constant 0 : i32
    %dma_wait3A_35 = tpu.memref_slice %arg10[%dma_wait3A_33, %dma_wait3A_34] : memref<10112x128xf32, #tpu.memory_space<vmem_shared>> -> memref<10112x128xf32, #tpu.memory_space<vmem_shared>>
    tpu.wait_indirect_dma semaphore(%arg12 : memref<!tpu.dma_semaphore, #tpu.memory_space<semaphore_mem>>) src(%dma_wait3A_29 : memref<128x128xf32, #tpu.memory_space<vmem>>) dst(%dma_wait3A_35 : memref<10112x128xf32, #tpu.memory_space<vmem_shared>>)
    "tpu.region"() ({
      %run_scoped3A = tpu.sem_alloc : memref<!tpu.dma_semaphore, #tpu.memory_space<semaphore_mem>>
      %dma_start3A_77 = arith.constant 0 : i32
      %dma_start3A_78 = arith.constant 0 : i32
      %dma_start3A_79 = tpu.memref_slice %arg3[%add3A, %dma_start3A_77, %dma_start3A_78] : memref<32x80x128xi32, #tpu.memory_space<hbm>> -> memref<1x80x128xi32, #tpu.memory_space<hbm>>
      %dma_start3A_80 = tpu.memref_squeeze %dma_start3A_79 : memref<1x80x128xi32, #tpu.memory_space<hbm>> -> memref<80x128xi32, #tpu.memory_space<hbm>>
      %dma_start3A_81 = arith.constant 40 : i32
      %dma_start3A_82 = arith.constant 0 : i32
      %dma_start3A_83 = tpu.memref_slice %dma_start3A_80[%dma_start3A_81, %dma_start3A_82] : memref<80x128xi32, #tpu.memory_space<hbm>> -> memref<40x128xi32, #tpu.memory_space<hbm>>
      %dma_start3A_84 = arith.constant 0 : i32
      %dma_start3A_85 = arith.constant 0 : i32
      %dma_start3A_86 = tpu.memref_slice %arg3[%add3A, %dma_start3A_84, %dma_start3A_85] : memref<32x80x128xi32, #tpu.memory_space<hbm>> -> memref<1x80x128xi32, #tpu.memory_space<hbm>>
      %dma_start3A_87 = tpu.memref_squeeze %dma_start3A_86 : memref<1x80x128xi32, #tpu.memory_space<hbm>> -> memref<80x128xi32, #tpu.memory_space<hbm>>
      %dma_start3A_88 = arith.constant 40 : i32
      %dma_start3A_89 = arith.constant 0 : i32
      %dma_start3A_90 = tpu.memref_slice %dma_start3A_87[%dma_start3A_88, %dma_start3A_89] : memref<80x128xi32, #tpu.memory_space<hbm>> -> memref<40x128xi32, #tpu.memory_space<hbm>>
      tpu.enqueue_dma source(%dma_start3A_90 : memref<40x128xi32, #tpu.memory_space<hbm>>) target(%arg7 : memref<40x128xi32, #tpu.memory_space<vmem>>) target_semaphore(%run_scoped3A : memref<!tpu.dma_semaphore, #tpu.memory_space<semaphore_mem>>)
      %dma_wait3A_91 = arith.constant 0 : i32
      %dma_wait3A_92 = arith.constant 0 : i32
      %dma_wait3A_93 = tpu.memref_slice %arg3[%add3A, %dma_wait3A_91, %dma_wait3A_92] : memref<32x80x128xi32, #tpu.memory_space<hbm>> -> memref<1x80x128xi32, #tpu.memory_space<hbm>>
      %dma_wait3A_94 = tpu.memref_squeeze %dma_wait3A_93 : memref<1x80x128xi32, #tpu.memory_space<hbm>> -> memref<80x128xi32, #tpu.memory_space<hbm>>
      %dma_wait3A_95 = arith.constant 40 : i32
      %dma_wait3A_96 = arith.constant 0 : i32
      %dma_wait3A_97 = tpu.memref_slice %dma_wait3A_94[%dma_wait3A_95, %dma_wait3A_96] : memref<80x128xi32, #tpu.memory_space<hbm>> -> memref<40x128xi32, #tpu.memory_space<hbm>>
      %dma_wait3A_98 = arith.constant 0 : i32
      %dma_wait3A_99 = arith.constant 0 : i32
      %dma_wait3A_100 = tpu.memref_slice %arg3[%add3A, %dma_wait3A_98, %dma_wait3A_99] : memref<32x80x128xi32, #tpu.memory_space<hbm>> -> memref<1x80x128xi32, #tpu.memory_space<hbm>>
      %dma_wait3A_101 = tpu.memref_squeeze %dma_wait3A_100 : memref<1x80x128xi32, #tpu.memory_space<hbm>> -> memref<80x128xi32, #tpu.memory_space<hbm>>
      %dma_wait3A_102 = arith.constant 40 : i32
      %dma_wait3A_103 = arith.constant 0 : i32
      %dma_wait3A_104 = tpu.memref_slice %dma_wait3A_101[%dma_wait3A_102, %dma_wait3A_103] : memref<80x128xi32, #tpu.memory_space<hbm>> -> memref<40x128xi32, #tpu.memory_space<hbm>>
      tpu.wait_dma2 semaphore(%run_scoped3A : memref<!tpu.dma_semaphore, #tpu.memory_space<semaphore_mem>>) src(%dma_wait3A_104 : memref<40x128xi32, #tpu.memory_space<hbm>>) dst(%arg7 : memref<40x128xi32, #tpu.memory_space<vmem>>)
      tpu.yield
    }) : () -> ()
    "tpu.region"() ({
      %run_scoped3A = tpu.sem_alloc : memref<!tpu.dma_semaphore, #tpu.memory_space<semaphore_mem>>
      %dma_start3A_77 = arith.constant 0 : i32
      %dma_start3A_78 = arith.constant 0 : i32
      %dma_start3A_79 = tpu.memref_slice %arg4[%add3A, %dma_start3A_77, %dma_start3A_78] : memref<32x80x128xi32, #tpu.memory_space<hbm>> -> memref<1x80x128xi32, #tpu.memory_space<hbm>>
      %dma_start3A_80 = tpu.memref_squeeze %dma_start3A_79 : memref<1x80x128xi32, #tpu.memory_space<hbm>> -> memref<80x128xi32, #tpu.memory_space<hbm>>
      %dma_start3A_81 = arith.constant 40 : i32
      %dma_start3A_82 = arith.constant 0 : i32
      %dma_start3A_83 = tpu.memref_slice %dma_start3A_80[%dma_start3A_81, %dma_start3A_82] : memref<80x128xi32, #tpu.memory_space<hbm>> -> memref<40x128xi32, #tpu.memory_space<hbm>>
      %dma_start3A_84 = arith.constant 0 : i32
      %dma_start3A_85 = arith.constant 0 : i32
      %dma_start3A_86 = tpu.memref_slice %arg4[%add3A, %dma_start3A_84, %dma_start3A_85] : memref<32x80x128xi32, #tpu.memory_space<hbm>> -> memref<1x80x128xi32, #tpu.memory_space<hbm>>
      %dma_start3A_87 = tpu.memref_squeeze %dma_start3A_86 : memref<1x80x128xi32, #tpu.memory_space<hbm>> -> memref<80x128xi32, #tpu.memory_space<hbm>>
      %dma_start3A_88 = arith.constant 40 : i32
      %dma_start3A_89 = arith.constant 0 : i32
      %dma_start3A_90 = tpu.memref_slice %dma_start3A_87[%dma_start3A_88, %dma_start3A_89] : memref<80x128xi32, #tpu.memory_space<hbm>> -> memref<40x128xi32, #tpu.memory_space<hbm>>
      tpu.enqueue_dma source(%dma_start3A_90 : memref<40x128xi32, #tpu.memory_space<hbm>>) target(%arg8 : memref<40x128xi32, #tpu.memory_space<vmem>>) target_semaphore(%run_scoped3A : memref<!tpu.dma_semaphore, #tpu.memory_space<semaphore_mem>>)
      %dma_wait3A_91 = arith.constant 0 : i32
      %dma_wait3A_92 = arith.constant 0 : i32
      %dma_wait3A_93 = tpu.memref_slice %arg4[%add3A, %dma_wait3A_91, %dma_wait3A_92] : memref<32x80x128xi32, #tpu.memory_space<hbm>> -> memref<1x80x128xi32, #tpu.memory_space<hbm>>
      %dma_wait3A_94 = tpu.memref_squeeze %dma_wait3A_93 : memref<1x80x128xi32, #tpu.memory_space<hbm>> -> memref<80x128xi32, #tpu.memory_space<hbm>>
      %dma_wait3A_95 = arith.constant 40 : i32
      %dma_wait3A_96 = arith.constant 0 : i32
      %dma_wait3A_97 = tpu.memref_slice %dma_wait3A_94[%dma_wait3A_95, %dma_wait3A_96] : memref<80x128xi32, #tpu.memory_space<hbm>> -> memref<40x128xi32, #tpu.memory_space<hbm>>
      %dma_wait3A_98 = arith.constant 0 : i32
      %dma_wait3A_99 = arith.constant 0 : i32
      %dma_wait3A_100 = tpu.memref_slice %arg4[%add3A, %dma_wait3A_98, %dma_wait3A_99] : memref<32x80x128xi32, #tpu.memory_space<hbm>> -> memref<1x80x128xi32, #tpu.memory_space<hbm>>
      %dma_wait3A_101 = tpu.memref_squeeze %dma_wait3A_100 : memref<1x80x128xi32, #tpu.memory_space<hbm>> -> memref<80x128xi32, #tpu.memory_space<hbm>>
      %dma_wait3A_102 = arith.constant 40 : i32
      %dma_wait3A_103 = arith.constant 0 : i32
      %dma_wait3A_104 = tpu.memref_slice %dma_wait3A_101[%dma_wait3A_102, %dma_wait3A_103] : memref<80x128xi32, #tpu.memory_space<hbm>> -> memref<40x128xi32, #tpu.memory_space<hbm>>
      tpu.wait_dma2 semaphore(%run_scoped3A : memref<!tpu.dma_semaphore, #tpu.memory_space<semaphore_mem>>) src(%dma_wait3A_104 : memref<40x128xi32, #tpu.memory_space<hbm>>) dst(%arg8 : memref<40x128xi32, #tpu.memory_space<vmem>>)
      tpu.yield
    }) : () -> ()
    %dma_start3A_36 = arith.constant 0 : i32
    %dma_start3A_37 = arith.constant 0 : i32
    %dma_start3A_38 = arith.constant 0 : i32
    %dma_start3A_39 = tpu.memref_slice %arg9[%dma_start3A_37, %dma_start3A_38] : memref<256x128xf32, #tpu.memory_space<vmem>> -> memref<128x128xf32, #tpu.memory_space<vmem>>
    %dma_start3A_40 = arith.constant 0 : i32
    %dma_start3A_41 = tpu.memref_slice %arg7[%dma_start3A_36, %dma_start3A_40] : memref<40x128xi32, #tpu.memory_space<vmem>> -> memref<1x128xi32, #tpu.memory_space<vmem>>
    %dma_start3A_42 = tpu.memref_squeeze %dma_start3A_41 : memref<1x128xi32, #tpu.memory_space<vmem>> -> memref<128xi32, #tpu.memory_space<vmem>>
    %dma_start3A_43 = arith.constant 0 : i32
    %dma_start3A_44 = arith.constant 0 : i32
    %dma_start3A_45 = tpu.memref_slice %arg2[%dma_start3A_43, %dma_start3A_44] : memref<10000x128xf32, #tpu.memory_space<hbm>> -> memref<10000x128xf32, #tpu.memory_space<hbm>>
    tpu.enqueue_indirect_dma source(%dma_start3A_45 : memref<10000x128xf32, #tpu.memory_space<hbm>>) target(%dma_start3A_39 : memref<128x128xf32, #tpu.memory_space<vmem>>) offsets(%dma_start3A_42 : memref<128xi32, #tpu.memory_space<vmem>>) semaphore(%arg11 : memref<!tpu.dma_semaphore, #tpu.memory_space<semaphore_mem>>)
    %scan3A_46 = arith.constant 0 : i32
    %scan3A_47 = arith.constant 0 : i32
    %scan3A_48 = arith.constant 40 : i32
    %scan3A_49 = arith.addi %scan3A_47, %scan3A_48 : i32
    %scan3A_50 = arith.constant 1 : i32
    scf.for %scan3A_77 = %scan3A_47 to %scan3A_49 step %scan3A_50  : i32 {
      %jit3A = arith.constant 2 : i32
      %eq3A = arith.constant 0 : i32
      %eq3A_78 = arith.cmpi eq, %jit3A, %eq3A : i32
      %jit3A_79 = arith.constant 1 : i32
      %select_n3A = arith.select %eq3A_78, %jit3A_79, %jit3A : i32
      %rem3A = arith.remsi %scan3A_77, %select_n3A : i32
      %ne3A = arith.constant 0 : i32
      %ne3A_80 = arith.cmpi ne, %rem3A, %ne3A : i32
      %lt3A = arith.constant 0 : i32
      %lt3A_81 = arith.cmpi slt, %rem3A, %lt3A : i32
      %lt3A_82 = arith.constant 0 : i32
      %lt3A_83 = arith.cmpi slt, %select_n3A, %lt3A_82 : i32
      %ne3A_84 = arith.xori %lt3A_81, %lt3A_83 : i1
      %and3A = arith.andi %ne3A_84, %ne3A_80 : i1
      %add3A_85 = arith.addi %rem3A, %select_n3A : i32
      %select_n3A_86 = arith.select %and3A, %add3A_85, %rem3A : i32
      %mul3A_87 = arith.constant 128 : i32
      %mul3A_88 = arith.muli %select_n3A_86, %mul3A_87 : i32
      %add3A_89 = arith.constant 1 : i32
      %add3A_90 = arith.addi %scan3A_77, %add3A_89 : i32
      %lt3A_91 = arith.constant 40 : i32
      %lt3A_92 = arith.cmpi slt, %add3A_90, %lt3A_91 : i32
      %convert_element_type3A = arith.extui %lt3A_92 : i1 to i32
      %cond3A = arith.constant 0 : i32
      %cond3A_93 = arith.cmpi ne, %convert_element_type3A, %cond3A : i32
      scf.if %cond3A_93 {
        %sub3A = arith.constant 128 : i32
        %sub3A_110 = arith.subi %sub3A, %mul3A_88 : i32
        %ge3A = arith.constant 1 : i32
        %ge3A_111 = arith.cmpi sge, %scan3A_77, %ge3A : i32
        %convert_element_type3A_112 = arith.extui %ge3A_111 : i1 to i32
        %cond3A_113 = arith.constant 0 : i32
        %cond3A_114 = arith.cmpi ne, %convert_element_type3A_112, %cond3A_113 : i32
        scf.if %cond3A_114 {
          %dma_wait3A_125 = arith.constant 0 : i32
          %dma_wait3A_126 = tpu.memref_slice %arg9[%sub3A_110, %dma_wait3A_125] : memref<256x128xf32, #tpu.memory_space<vmem>> -> memref<128x128xf32, #tpu.memory_space<vmem>>
          %dma_wait3A_127 = arith.constant 0 : i32
          %dma_wait3A_128 = tpu.memref_slice %arg8[%scan3A_77, %dma_wait3A_127] : memref<40x128xi32, #tpu.memory_space<vmem>> -> memref<1x128xi32, #tpu.memory_space<vmem>>
          %dma_wait3A_129 = tpu.memref_squeeze %dma_wait3A_128 : memref<1x128xi32, #tpu.memory_space<vmem>> -> memref<128xi32, #tpu.memory_space<vmem>>
          %dma_wait3A_130 = arith.constant 0 : i32
          %dma_wait3A_131 = arith.constant 0 : i32
          %dma_wait3A_132 = tpu.memref_slice %arg10[%dma_wait3A_130, %dma_wait3A_131] : memref<10112x128xf32, #tpu.memory_space<vmem_shared>> -> memref<10112x128xf32, #tpu.memory_space<vmem_shared>>
          tpu.wait_indirect_dma semaphore(%arg12 : memref<!tpu.dma_semaphore, #tpu.memory_space<semaphore_mem>>) src(%dma_wait3A_126 : memref<128x128xf32, #tpu.memory_space<vmem>>) dst(%dma_wait3A_132 : memref<10112x128xf32, #tpu.memory_space<vmem_shared>>)
        } else {
        }
        %add3A_115 = arith.constant 1 : i32
        %add3A_116 = arith.addi %scan3A_77, %add3A_115 : i32
        %dma_start3A_117 = arith.constant 0 : i32
        %dma_start3A_118 = tpu.memref_slice %arg9[%sub3A_110, %dma_start3A_117] : memref<256x128xf32, #tpu.memory_space<vmem>> -> memref<128x128xf32, #tpu.memory_space<vmem>>
        %dma_start3A_119 = arith.constant 0 : i32
        %dma_start3A_120 = tpu.memref_slice %arg7[%add3A_116, %dma_start3A_119] : memref<40x128xi32, #tpu.memory_space<vmem>> -> memref<1x128xi32, #tpu.memory_space<vmem>>
        %dma_start3A_121 = tpu.memref_squeeze %dma_start3A_120 : memref<1x128xi32, #tpu.memory_space<vmem>> -> memref<128xi32, #tpu.memory_space<vmem>>
        %dma_start3A_122 = arith.constant 0 : i32
        %dma_start3A_123 = arith.constant 0 : i32
        %dma_start3A_124 = tpu.memref_slice %arg2[%dma_start3A_122, %dma_start3A_123] : memref<10000x128xf32, #tpu.memory_space<hbm>> -> memref<10000x128xf32, #tpu.memory_space<hbm>>
        tpu.enqueue_indirect_dma source(%dma_start3A_124 : memref<10000x128xf32, #tpu.memory_space<hbm>>) target(%dma_start3A_118 : memref<128x128xf32, #tpu.memory_space<vmem>>) offsets(%dma_start3A_121 : memref<128xi32, #tpu.memory_space<vmem>>) semaphore(%arg11 : memref<!tpu.dma_semaphore, #tpu.memory_space<semaphore_mem>>)
      } else {
      }
      %dma_wait3A_94 = arith.constant 0 : i32
      %dma_wait3A_95 = tpu.memref_slice %arg9[%mul3A_88, %dma_wait3A_94] : memref<256x128xf32, #tpu.memory_space<vmem>> -> memref<128x128xf32, #tpu.memory_space<vmem>>
      %dma_wait3A_96 = arith.constant 0 : i32
      %dma_wait3A_97 = tpu.memref_slice %arg7[%scan3A_77, %dma_wait3A_96] : memref<40x128xi32, #tpu.memory_space<vmem>> -> memref<1x128xi32, #tpu.memory_space<vmem>>
      %dma_wait3A_98 = tpu.memref_squeeze %dma_wait3A_97 : memref<1x128xi32, #tpu.memory_space<vmem>> -> memref<128xi32, #tpu.memory_space<vmem>>
      %dma_wait3A_99 = arith.constant 0 : i32
      %dma_wait3A_100 = arith.constant 0 : i32
      %dma_wait3A_101 = tpu.memref_slice %arg2[%dma_wait3A_99, %dma_wait3A_100] : memref<10000x128xf32, #tpu.memory_space<hbm>> -> memref<10000x128xf32, #tpu.memory_space<hbm>>
      tpu.wait_indirect_dma semaphore(%arg11 : memref<!tpu.dma_semaphore, #tpu.memory_space<semaphore_mem>>) src(%dma_wait3A_101 : memref<10000x128xf32, #tpu.memory_space<hbm>>) dst(%dma_wait3A_95 : memref<128x128xf32, #tpu.memory_space<vmem>>)
      %dma_start3A_102 = arith.constant 0 : i32
      %dma_start3A_103 = tpu.memref_slice %arg9[%mul3A_88, %dma_start3A_102] : memref<256x128xf32, #tpu.memory_space<vmem>> -> memref<128x128xf32, #tpu.memory_space<vmem>>
      %dma_start3A_104 = arith.constant 0 : i32
      %dma_start3A_105 = tpu.memref_slice %arg8[%scan3A_77, %dma_start3A_104] : memref<40x128xi32, #tpu.memory_space<vmem>> -> memref<1x128xi32, #tpu.memory_space<vmem>>
      %dma_start3A_106 = tpu.memref_squeeze %dma_start3A_105 : memref<1x128xi32, #tpu.memory_space<vmem>> -> memref<128xi32, #tpu.memory_space<vmem>>
      %dma_start3A_107 = arith.constant 0 : i32
      %dma_start3A_108 = arith.constant 0 : i32
      %dma_start3A_109 = tpu.memref_slice %arg10[%dma_start3A_107, %dma_start3A_108] : memref<10112x128xf32, #tpu.memory_space<vmem_shared>> -> memref<10112x128xf32, #tpu.memory_space<vmem_shared>>
      tpu.enqueue_indirect_dma source(%dma_start3A_103 : memref<128x128xf32, #tpu.memory_space<vmem>>) target(%dma_start3A_109 : memref<10112x128xf32, #tpu.memory_space<vmem_shared>>) offsets(%dma_start3A_106 : memref<128xi32, #tpu.memory_space<vmem>>) semaphore(%arg12 : memref<!tpu.dma_semaphore, #tpu.memory_space<semaphore_mem>>) {add = true}
    }
    %scan3A_51 = arith.constant 40 : i32
    %dma_wait3A_52 = arith.constant 0 : i32
    %dma_wait3A_53 = arith.constant 0 : i32
    %dma_wait3A_54 = arith.constant 0 : i32
    %dma_wait3A_55 = tpu.memref_slice %arg9[%dma_wait3A_53, %dma_wait3A_54] : memref<256x128xf32, #tpu.memory_space<vmem>> -> memref<128x128xf32, #tpu.memory_space<vmem>>
    %dma_wait3A_56 = arith.constant 0 : i32
    %dma_wait3A_57 = tpu.memref_slice %arg8[%dma_wait3A_52, %dma_wait3A_56] : memref<40x128xi32, #tpu.memory_space<vmem>> -> memref<1x128xi32, #tpu.memory_space<vmem>>
    %dma_wait3A_58 = tpu.memref_squeeze %dma_wait3A_57 : memref<1x128xi32, #tpu.memory_space<vmem>> -> memref<128xi32, #tpu.memory_space<vmem>>
    %dma_wait3A_59 = arith.constant 0 : i32
    %dma_wait3A_60 = arith.constant 0 : i32
    %dma_wait3A_61 = tpu.memref_slice %arg10[%dma_wait3A_59, %dma_wait3A_60] : memref<10112x128xf32, #tpu.memory_space<vmem_shared>> -> memref<10112x128xf32, #tpu.memory_space<vmem_shared>>
    tpu.wait_indirect_dma semaphore(%arg12 : memref<!tpu.dma_semaphore, #tpu.memory_space<semaphore_mem>>) src(%dma_wait3A_55 : memref<128x128xf32, #tpu.memory_space<vmem>>) dst(%dma_wait3A_61 : memref<10112x128xf32, #tpu.memory_space<vmem_shared>>)
    %dma_wait3A_62 = arith.constant 0 : i32
    %dma_wait3A_63 = arith.constant 0 : i32
    %dma_wait3A_64 = arith.constant 0 : i32
    %dma_wait3A_65 = tpu.memref_slice %arg9[%dma_wait3A_63, %dma_wait3A_64] : memref<256x128xf32, #tpu.memory_space<vmem>> -> memref<128x128xf32, #tpu.memory_space<vmem>>
    %dma_wait3A_66 = arith.constant 0 : i32
    %dma_wait3A_67 = tpu.memref_slice %arg8[%dma_wait3A_62, %dma_wait3A_66] : memref<40x128xi32, #tpu.memory_space<vmem>> -> memref<1x128xi32, #tpu.memory_space<vmem>>
    %dma_wait3A_68 = tpu.memref_squeeze %dma_wait3A_67 : memref<1x128xi32, #tpu.memory_space<vmem>> -> memref<128xi32, #tpu.memory_space<vmem>>
    %dma_wait3A_69 = arith.constant 0 : i32
    %dma_wait3A_70 = arith.constant 0 : i32
    %dma_wait3A_71 = tpu.memref_slice %arg10[%dma_wait3A_69, %dma_wait3A_70] : memref<10112x128xf32, #tpu.memory_space<vmem_shared>> -> memref<10112x128xf32, #tpu.memory_space<vmem_shared>>
    tpu.wait_indirect_dma semaphore(%arg12 : memref<!tpu.dma_semaphore, #tpu.memory_space<semaphore_mem>>) src(%dma_wait3A_65 : memref<128x128xf32, #tpu.memory_space<vmem>>) dst(%dma_wait3A_71 : memref<10112x128xf32, #tpu.memory_space<vmem_shared>>)
    %barrier3A_72 = arith.constant 0 : index
    tpu.barrier barrier_id(%barrier3A_72)
    %mul3A_73 = arith.constant 632 : i32
    %mul3A_74 = arith.muli %arg1, %mul3A_73 : i32
    %mul3A_75 = arith.constant 632 : i32
    %mul3A_76 = arith.muli %arg1, %mul3A_75 : i32
    "tpu.region"() ({
      %run_scoped3A = tpu.sem_alloc : memref<!tpu.dma_semaphore, #tpu.memory_space<semaphore_mem>>
      %dma_start3A_77 = arith.constant 0 : i32
      %dma_start3A_78 = arith.constant 0 : i32
      %dma_start3A_79 = tpu.memref_slice %arg6[%arg0, %dma_start3A_77, %dma_start3A_78] : memref<2x10112x128xf32, #tpu.memory_space<hbm>> -> memref<1x10112x128xf32, #tpu.memory_space<hbm>>
      %dma_start3A_80 = tpu.memref_squeeze %dma_start3A_79 : memref<1x10112x128xf32, #tpu.memory_space<hbm>> -> memref<10112x128xf32, #tpu.memory_space<hbm>>
      %dma_start3A_81 = arith.constant 0 : i32
      %dma_start3A_82 = tpu.memref_slice %dma_start3A_80[%mul3A_76, %dma_start3A_81] : memref<10112x128xf32, #tpu.memory_space<hbm>> -> memref<632x128xf32, #tpu.memory_space<hbm>>
      %dma_start3A_83 = arith.constant 0 : i32
      %dma_start3A_84 = tpu.memref_slice %arg10[%mul3A_74, %dma_start3A_83] : memref<10112x128xf32, #tpu.memory_space<vmem_shared>> -> memref<632x128xf32, #tpu.memory_space<vmem_shared>>
      tpu.enqueue_dma source(%dma_start3A_84 : memref<632x128xf32, #tpu.memory_space<vmem_shared>>) target(%dma_start3A_82 : memref<632x128xf32, #tpu.memory_space<hbm>>) target_semaphore(%run_scoped3A : memref<!tpu.dma_semaphore, #tpu.memory_space<semaphore_mem>>)
      %dma_wait3A_85 = arith.constant 0 : i32
      %dma_wait3A_86 = arith.constant 0 : i32
      %dma_wait3A_87 = tpu.memref_slice %arg6[%arg0, %dma_wait3A_85, %dma_wait3A_86] : memref<2x10112x128xf32, #tpu.memory_space<hbm>> -> memref<1x10112x128xf32, #tpu.memory_space<hbm>>
      %dma_wait3A_88 = tpu.memref_squeeze %dma_wait3A_87 : memref<1x10112x128xf32, #tpu.memory_space<hbm>> -> memref<10112x128xf32, #tpu.memory_space<hbm>>
      %dma_wait3A_89 = arith.constant 0 : i32
      %dma_wait3A_90 = tpu.memref_slice %dma_wait3A_88[%mul3A_76, %dma_wait3A_89] : memref<10112x128xf32, #tpu.memory_space<hbm>> -> memref<632x128xf32, #tpu.memory_space<hbm>>
      %dma_wait3A_91 = arith.constant 0 : i32
      %dma_wait3A_92 = tpu.memref_slice %arg10[%mul3A_74, %dma_wait3A_91] : memref<10112x128xf32, #tpu.memory_space<vmem_shared>> -> memref<632x128xf32, #tpu.memory_space<vmem_shared>>
      tpu.wait_dma2 semaphore(%run_scoped3A : memref<!tpu.dma_semaphore, #tpu.memory_space<semaphore_mem>>) src(%dma_wait3A_92 : memref<632x128xf32, #tpu.memory_space<vmem_shared>>) dst(%dma_wait3A_90 : memref<632x128xf32, #tpu.memory_space<hbm>>)
      tpu.yield
    }) : () -> ()
    return
  }
}

#map = affine_map<(d0, d1) -> (0, 0, 0)>
#map1 = affine_map<(d0, d1) -> (0, 0)>
module attributes {stable_mosaic.version = 14 : i64} {
  func.func @_deg_kernel(%arg0: i32, %arg1: i32, %arg2: memref<32x80x128xi32, #tpu.memory_space<hbm>>, %arg3: memref<32x80x128xi32, #tpu.memory_space<hbm>>, %arg4: memref<128x128xf32, #tpu.memory_space<hbm>>, %arg5: memref<128x128xf32, #tpu.memory_space<hbm>>, %arg6: memref<632x128xf32, #tpu.memory_space<hbm>>, %arg7: memref<2x10112x128xf32, #tpu.memory_space<hbm>>, %arg8: memref<80x128xi32, #tpu.memory_space<vmem>>, %arg9: memref<80x128xi32, #tpu.memory_space<vmem>>, %arg10: memref<128x128xf32, #tpu.memory_space<vmem>>, %arg11: memref<10112x128xf32, #tpu.memory_space<vmem_shared>>, %arg12: memref<!tpu.dma_semaphore, #tpu.memory_space<semaphore_mem>>) attributes {dimension_semantics = [#tpu.dimension_semantics<core_parallel>, #tpu.dimension_semantics<subcore_parallel>], iteration_bounds = array<i64: 2, 16>, scalar_prefetch = 0 : i64, scratch_operands = 5 : i64, tpu.core_type = #tpu.core_type<sc_vector_subcore>, window_params = [{transform_indices = #map}, {transform_indices = #map}, {transform_indices = #map1}, {transform_indices = #map1}, {transform_indices = #map1}, {transform_indices = #map}]} {
    %mul3A = arith.constant 16 : i32
    %mul3A_0 = arith.muli %arg0, %mul3A : i32
    %add3A = arith.addi %mul3A_0, %arg1 : i32
    "tpu.region"() ({
      %run_scoped3A = tpu.sem_alloc : memref<!tpu.dma_semaphore, #tpu.memory_space<semaphore_mem>>
      %dma_start3A = arith.constant 0 : i32
      %dma_start3A_74 = arith.constant 0 : i32
      %dma_start3A_75 = tpu.memref_slice %arg2[%add3A, %dma_start3A, %dma_start3A_74] : memref<32x80x128xi32, #tpu.memory_space<hbm>> -> memref<1x80x128xi32, #tpu.memory_space<hbm>>
      %dma_start3A_76 = tpu.memref_squeeze %dma_start3A_75 : memref<1x80x128xi32, #tpu.memory_space<hbm>> -> memref<80x128xi32, #tpu.memory_space<hbm>>
      %dma_start3A_77 = arith.constant 0 : i32
      %dma_start3A_78 = arith.constant 0 : i32
      %dma_start3A_79 = tpu.memref_slice %arg2[%add3A, %dma_start3A_77, %dma_start3A_78] : memref<32x80x128xi32, #tpu.memory_space<hbm>> -> memref<1x80x128xi32, #tpu.memory_space<hbm>>
      %dma_start3A_80 = tpu.memref_squeeze %dma_start3A_79 : memref<1x80x128xi32, #tpu.memory_space<hbm>> -> memref<80x128xi32, #tpu.memory_space<hbm>>
      tpu.enqueue_dma source(%dma_start3A_80 : memref<80x128xi32, #tpu.memory_space<hbm>>) target(%arg8 : memref<80x128xi32, #tpu.memory_space<vmem>>) target_semaphore(%run_scoped3A : memref<!tpu.dma_semaphore, #tpu.memory_space<semaphore_mem>>)
      %dma_wait3A_81 = arith.constant 0 : i32
      %dma_wait3A_82 = arith.constant 0 : i32
      %dma_wait3A_83 = tpu.memref_slice %arg2[%add3A, %dma_wait3A_81, %dma_wait3A_82] : memref<32x80x128xi32, #tpu.memory_space<hbm>> -> memref<1x80x128xi32, #tpu.memory_space<hbm>>
      %dma_wait3A_84 = tpu.memref_squeeze %dma_wait3A_83 : memref<1x80x128xi32, #tpu.memory_space<hbm>> -> memref<80x128xi32, #tpu.memory_space<hbm>>
      %dma_wait3A_85 = arith.constant 0 : i32
      %dma_wait3A_86 = arith.constant 0 : i32
      %dma_wait3A_87 = tpu.memref_slice %arg2[%add3A, %dma_wait3A_85, %dma_wait3A_86] : memref<32x80x128xi32, #tpu.memory_space<hbm>> -> memref<1x80x128xi32, #tpu.memory_space<hbm>>
      %dma_wait3A_88 = tpu.memref_squeeze %dma_wait3A_87 : memref<1x80x128xi32, #tpu.memory_space<hbm>> -> memref<80x128xi32, #tpu.memory_space<hbm>>
      tpu.wait_dma2 semaphore(%run_scoped3A : memref<!tpu.dma_semaphore, #tpu.memory_space<semaphore_mem>>) src(%dma_wait3A_88 : memref<80x128xi32, #tpu.memory_space<hbm>>) dst(%arg8 : memref<80x128xi32, #tpu.memory_space<vmem>>)
      tpu.yield
    }) : () -> ()
    "tpu.region"() ({
      %run_scoped3A = tpu.sem_alloc : memref<!tpu.dma_semaphore, #tpu.memory_space<semaphore_mem>>
      %dma_start3A = arith.constant 0 : i32
      %dma_start3A_74 = arith.constant 0 : i32
      %dma_start3A_75 = tpu.memref_slice %arg3[%add3A, %dma_start3A, %dma_start3A_74] : memref<32x80x128xi32, #tpu.memory_space<hbm>> -> memref<1x80x128xi32, #tpu.memory_space<hbm>>
      %dma_start3A_76 = tpu.memref_squeeze %dma_start3A_75 : memref<1x80x128xi32, #tpu.memory_space<hbm>> -> memref<80x128xi32, #tpu.memory_space<hbm>>
      %dma_start3A_77 = arith.constant 0 : i32
      %dma_start3A_78 = arith.constant 0 : i32
      %dma_start3A_79 = tpu.memref_slice %arg3[%add3A, %dma_start3A_77, %dma_start3A_78] : memref<32x80x128xi32, #tpu.memory_space<hbm>> -> memref<1x80x128xi32, #tpu.memory_space<hbm>>
      %dma_start3A_80 = tpu.memref_squeeze %dma_start3A_79 : memref<1x80x128xi32, #tpu.memory_space<hbm>> -> memref<80x128xi32, #tpu.memory_space<hbm>>
      tpu.enqueue_dma source(%dma_start3A_80 : memref<80x128xi32, #tpu.memory_space<hbm>>) target(%arg9 : memref<80x128xi32, #tpu.memory_space<vmem>>) target_semaphore(%run_scoped3A : memref<!tpu.dma_semaphore, #tpu.memory_space<semaphore_mem>>)
      %dma_wait3A_81 = arith.constant 0 : i32
      %dma_wait3A_82 = arith.constant 0 : i32
      %dma_wait3A_83 = tpu.memref_slice %arg3[%add3A, %dma_wait3A_81, %dma_wait3A_82] : memref<32x80x128xi32, #tpu.memory_space<hbm>> -> memref<1x80x128xi32, #tpu.memory_space<hbm>>
      %dma_wait3A_84 = tpu.memref_squeeze %dma_wait3A_83 : memref<1x80x128xi32, #tpu.memory_space<hbm>> -> memref<80x128xi32, #tpu.memory_space<hbm>>
      %dma_wait3A_85 = arith.constant 0 : i32
      %dma_wait3A_86 = arith.constant 0 : i32
      %dma_wait3A_87 = tpu.memref_slice %arg3[%add3A, %dma_wait3A_85, %dma_wait3A_86] : memref<32x80x128xi32, #tpu.memory_space<hbm>> -> memref<1x80x128xi32, #tpu.memory_space<hbm>>
      %dma_wait3A_88 = tpu.memref_squeeze %dma_wait3A_87 : memref<1x80x128xi32, #tpu.memory_space<hbm>> -> memref<80x128xi32, #tpu.memory_space<hbm>>
      tpu.wait_dma2 semaphore(%run_scoped3A : memref<!tpu.dma_semaphore, #tpu.memory_space<semaphore_mem>>) src(%dma_wait3A_88 : memref<80x128xi32, #tpu.memory_space<hbm>>) dst(%arg9 : memref<80x128xi32, #tpu.memory_space<vmem>>)
      tpu.yield
    }) : () -> ()
    "tpu.region"() ({
      %run_scoped3A = tpu.sem_alloc : memref<!tpu.dma_semaphore, #tpu.memory_space<semaphore_mem>>
      tpu.enqueue_dma source(%arg4 : memref<128x128xf32, #tpu.memory_space<hbm>>) target(%arg10 : memref<128x128xf32, #tpu.memory_space<vmem>>) target_semaphore(%run_scoped3A : memref<!tpu.dma_semaphore, #tpu.memory_space<semaphore_mem>>)
      tpu.wait_dma2 semaphore(%run_scoped3A : memref<!tpu.dma_semaphore, #tpu.memory_space<semaphore_mem>>) src(%arg4 : memref<128x128xf32, #tpu.memory_space<hbm>>) dst(%arg10 : memref<128x128xf32, #tpu.memory_space<vmem>>)
      tpu.yield
    }) : () -> ()
    %mul3A_1 = arith.constant 632 : i32
    %mul3A_2 = arith.muli %arg1, %mul3A_1 : i32
    "tpu.region"() ({
      %run_scoped3A = tpu.sem_alloc : memref<!tpu.dma_semaphore, #tpu.memory_space<semaphore_mem>>
      %dma_start3A = arith.constant 0 : i32
      %dma_start3A_74 = tpu.memref_slice %arg11[%mul3A_2, %dma_start3A] : memref<10112x128xf32, #tpu.memory_space<vmem_shared>> -> memref<632x128xf32, #tpu.memory_space<vmem_shared>>
      tpu.enqueue_dma source(%arg6 : memref<632x128xf32, #tpu.memory_space<hbm>>) target(%dma_start3A_74 : memref<632x128xf32, #tpu.memory_space<vmem_shared>>) target_semaphore(%run_scoped3A : memref<!tpu.dma_semaphore, #tpu.memory_space<semaphore_mem>>)
      %dma_wait3A_75 = arith.constant 0 : i32
      %dma_wait3A_76 = tpu.memref_slice %arg11[%mul3A_2, %dma_wait3A_75] : memref<10112x128xf32, #tpu.memory_space<vmem_shared>> -> memref<632x128xf32, #tpu.memory_space<vmem_shared>>
      tpu.wait_dma2 semaphore(%run_scoped3A : memref<!tpu.dma_semaphore, #tpu.memory_space<semaphore_mem>>) src(%arg6 : memref<632x128xf32, #tpu.memory_space<hbm>>) dst(%dma_wait3A_76 : memref<632x128xf32, #tpu.memory_space<vmem_shared>>)
      tpu.yield
    }) : () -> ()
    %barrier3A = arith.constant 0 : index
    tpu.barrier barrier_id(%barrier3A)
    %scan3A = arith.constant 0 : i32
    %scan3A_3 = arith.constant 0 : i32
    %scan3A_4 = arith.constant 80 : i32
    %scan3A_5 = arith.addi %scan3A_3, %scan3A_4 : i32
    %scan3A_6 = arith.constant 1 : i32
    scf.for %scan3A_74 = %scan3A_3 to %scan3A_5 step %scan3A_6  : i32 {
      %dma_start3A = arith.constant 0 : i32
      %dma_start3A_75 = tpu.memref_slice %arg8[%scan3A_74, %dma_start3A] : memref<80x128xi32, #tpu.memory_space<vmem>> -> memref<1x128xi32, #tpu.memory_space<vmem>>
      %dma_start3A_76 = tpu.memref_squeeze %dma_start3A_75 : memref<1x128xi32, #tpu.memory_space<vmem>> -> memref<128xi32, #tpu.memory_space<vmem>>
      %dma_start3A_77 = arith.constant 0 : i32
      %dma_start3A_78 = arith.constant 0 : i32
      %dma_start3A_79 = tpu.memref_slice %arg11[%dma_start3A_77, %dma_start3A_78] : memref<10112x128xf32, #tpu.memory_space<vmem_shared>> -> memref<10112x128xf32, #tpu.memory_space<vmem_shared>>
      tpu.enqueue_indirect_dma source(%arg10 : memref<128x128xf32, #tpu.memory_space<vmem>>) target(%dma_start3A_79 : memref<10112x128xf32, #tpu.memory_space<vmem_shared>>) offsets(%dma_start3A_76 : memref<128xi32, #tpu.memory_space<vmem>>) semaphore(%arg12 : memref<!tpu.dma_semaphore, #tpu.memory_space<semaphore_mem>>) {add = true}
      %ge3A = arith.constant 4 : i32
      %ge3A_80 = arith.cmpi sge, %scan3A_74, %ge3A : i32
      %convert_element_type3A = arith.extui %ge3A_80 : i1 to i32
      %cond3A = arith.constant 0 : i32
      %cond3A_81 = arith.cmpi ne, %convert_element_type3A, %cond3A : i32
      scf.if %cond3A_81 {
        %dma_wait3A_82 = arith.constant 0 : i32
        %dma_wait3A_83 = tpu.memref_slice %arg8[%scan3A_74, %dma_wait3A_82] : memref<80x128xi32, #tpu.memory_space<vmem>> -> memref<1x128xi32, #tpu.memory_space<vmem>>
        %dma_wait3A_84 = tpu.memref_squeeze %dma_wait3A_83 : memref<1x128xi32, #tpu.memory_space<vmem>> -> memref<128xi32, #tpu.memory_space<vmem>>
        %dma_wait3A_85 = arith.constant 0 : i32
        %dma_wait3A_86 = arith.constant 0 : i32
        %dma_wait3A_87 = tpu.memref_slice %arg11[%dma_wait3A_85, %dma_wait3A_86] : memref<10112x128xf32, #tpu.memory_space<vmem_shared>> -> memref<10112x128xf32, #tpu.memory_space<vmem_shared>>
        tpu.wait_indirect_dma semaphore(%arg12 : memref<!tpu.dma_semaphore, #tpu.memory_space<semaphore_mem>>) src(%arg10 : memref<128x128xf32, #tpu.memory_space<vmem>>) dst(%dma_wait3A_87 : memref<10112x128xf32, #tpu.memory_space<vmem_shared>>)
      } else {
      }
    }
    %scan3A_7 = arith.constant 80 : i32
    %dma_wait3A = arith.constant 0 : i32
    %dma_wait3A_8 = arith.constant 0 : i32
    %dma_wait3A_9 = tpu.memref_slice %arg8[%dma_wait3A, %dma_wait3A_8] : memref<80x128xi32, #tpu.memory_space<vmem>> -> memref<1x128xi32, #tpu.memory_space<vmem>>
    %dma_wait3A_10 = tpu.memref_squeeze %dma_wait3A_9 : memref<1x128xi32, #tpu.memory_space<vmem>> -> memref<128xi32, #tpu.memory_space<vmem>>
    %dma_wait3A_11 = arith.constant 0 : i32
    %dma_wait3A_12 = arith.constant 0 : i32
    %dma_wait3A_13 = tpu.memref_slice %arg11[%dma_wait3A_11, %dma_wait3A_12] : memref<10112x128xf32, #tpu.memory_space<vmem_shared>> -> memref<10112x128xf32, #tpu.memory_space<vmem_shared>>
    tpu.wait_indirect_dma semaphore(%arg12 : memref<!tpu.dma_semaphore, #tpu.memory_space<semaphore_mem>>) src(%arg10 : memref<128x128xf32, #tpu.memory_space<vmem>>) dst(%dma_wait3A_13 : memref<10112x128xf32, #tpu.memory_space<vmem_shared>>)
    %dma_wait3A_14 = arith.constant 0 : i32
    %dma_wait3A_15 = arith.constant 0 : i32
    %dma_wait3A_16 = tpu.memref_slice %arg8[%dma_wait3A_14, %dma_wait3A_15] : memref<80x128xi32, #tpu.memory_space<vmem>> -> memref<1x128xi32, #tpu.memory_space<vmem>>
    %dma_wait3A_17 = tpu.memref_squeeze %dma_wait3A_16 : memref<1x128xi32, #tpu.memory_space<vmem>> -> memref<128xi32, #tpu.memory_space<vmem>>
    %dma_wait3A_18 = arith.constant 0 : i32
    %dma_wait3A_19 = arith.constant 0 : i32
    %dma_wait3A_20 = tpu.memref_slice %arg11[%dma_wait3A_18, %dma_wait3A_19] : memref<10112x128xf32, #tpu.memory_space<vmem_shared>> -> memref<10112x128xf32, #tpu.memory_space<vmem_shared>>
    tpu.wait_indirect_dma semaphore(%arg12 : memref<!tpu.dma_semaphore, #tpu.memory_space<semaphore_mem>>) src(%arg10 : memref<128x128xf32, #tpu.memory_space<vmem>>) dst(%dma_wait3A_20 : memref<10112x128xf32, #tpu.memory_space<vmem_shared>>)
    %dma_wait3A_21 = arith.constant 0 : i32
    %dma_wait3A_22 = arith.constant 0 : i32
    %dma_wait3A_23 = tpu.memref_slice %arg8[%dma_wait3A_21, %dma_wait3A_22] : memref<80x128xi32, #tpu.memory_space<vmem>> -> memref<1x128xi32, #tpu.memory_space<vmem>>
    %dma_wait3A_24 = tpu.memref_squeeze %dma_wait3A_23 : memref<1x128xi32, #tpu.memory_space<vmem>> -> memref<128xi32, #tpu.memory_space<vmem>>
    %dma_wait3A_25 = arith.constant 0 : i32
    %dma_wait3A_26 = arith.constant 0 : i32
    %dma_wait3A_27 = tpu.memref_slice %arg11[%dma_wait3A_25, %dma_wait3A_26] : memref<10112x128xf32, #tpu.memory_space<vmem_shared>> -> memref<10112x128xf32, #tpu.memory_space<vmem_shared>>
    tpu.wait_indirect_dma semaphore(%arg12 : memref<!tpu.dma_semaphore, #tpu.memory_space<semaphore_mem>>) src(%arg10 : memref<128x128xf32, #tpu.memory_space<vmem>>) dst(%dma_wait3A_27 : memref<10112x128xf32, #tpu.memory_space<vmem_shared>>)
    %dma_wait3A_28 = arith.constant 0 : i32
    %dma_wait3A_29 = arith.constant 0 : i32
    %dma_wait3A_30 = tpu.memref_slice %arg8[%dma_wait3A_28, %dma_wait3A_29] : memref<80x128xi32, #tpu.memory_space<vmem>> -> memref<1x128xi32, #tpu.memory_space<vmem>>
    %dma_wait3A_31 = tpu.memref_squeeze %dma_wait3A_30 : memref<1x128xi32, #tpu.memory_space<vmem>> -> memref<128xi32, #tpu.memory_space<vmem>>
    %dma_wait3A_32 = arith.constant 0 : i32
    %dma_wait3A_33 = arith.constant 0 : i32
    %dma_wait3A_34 = tpu.memref_slice %arg11[%dma_wait3A_32, %dma_wait3A_33] : memref<10112x128xf32, #tpu.memory_space<vmem_shared>> -> memref<10112x128xf32, #tpu.memory_space<vmem_shared>>
    tpu.wait_indirect_dma semaphore(%arg12 : memref<!tpu.dma_semaphore, #tpu.memory_space<semaphore_mem>>) src(%arg10 : memref<128x128xf32, #tpu.memory_space<vmem>>) dst(%dma_wait3A_34 : memref<10112x128xf32, #tpu.memory_space<vmem_shared>>)
    "tpu.region"() ({
      %run_scoped3A = tpu.sem_alloc : memref<!tpu.dma_semaphore, #tpu.memory_space<semaphore_mem>>
      tpu.enqueue_dma source(%arg5 : memref<128x128xf32, #tpu.memory_space<hbm>>) target(%arg10 : memref<128x128xf32, #tpu.memory_space<vmem>>) target_semaphore(%run_scoped3A : memref<!tpu.dma_semaphore, #tpu.memory_space<semaphore_mem>>)
      tpu.wait_dma2 semaphore(%run_scoped3A : memref<!tpu.dma_semaphore, #tpu.memory_space<semaphore_mem>>) src(%arg5 : memref<128x128xf32, #tpu.memory_space<hbm>>) dst(%arg10 : memref<128x128xf32, #tpu.memory_space<vmem>>)
      tpu.yield
    }) : () -> ()
    %scan3A_35 = arith.constant 0 : i32
    %scan3A_36 = arith.constant 0 : i32
    %scan3A_37 = arith.constant 80 : i32
    %scan3A_38 = arith.addi %scan3A_36, %scan3A_37 : i32
    %scan3A_39 = arith.constant 1 : i32
    scf.for %scan3A_74 = %scan3A_36 to %scan3A_38 step %scan3A_39  : i32 {
      %dma_start3A = arith.constant 0 : i32
      %dma_start3A_75 = tpu.memref_slice %arg9[%scan3A_74, %dma_start3A] : memref<80x128xi32, #tpu.memory_space<vmem>> -> memref<1x128xi32, #tpu.memory_space<vmem>>
      %dma_start3A_76 = tpu.memref_squeeze %dma_start3A_75 : memref<1x128xi32, #tpu.memory_space<vmem>> -> memref<128xi32, #tpu.memory_space<vmem>>
      %dma_start3A_77 = arith.constant 0 : i32
      %dma_start3A_78 = arith.constant 0 : i32
      %dma_start3A_79 = tpu.memref_slice %arg11[%dma_start3A_77, %dma_start3A_78] : memref<10112x128xf32, #tpu.memory_space<vmem_shared>> -> memref<10112x128xf32, #tpu.memory_space<vmem_shared>>
      tpu.enqueue_indirect_dma source(%arg10 : memref<128x128xf32, #tpu.memory_space<vmem>>) target(%dma_start3A_79 : memref<10112x128xf32, #tpu.memory_space<vmem_shared>>) offsets(%dma_start3A_76 : memref<128xi32, #tpu.memory_space<vmem>>) semaphore(%arg12 : memref<!tpu.dma_semaphore, #tpu.memory_space<semaphore_mem>>) {add = true}
      %ge3A = arith.constant 4 : i32
      %ge3A_80 = arith.cmpi sge, %scan3A_74, %ge3A : i32
      %convert_element_type3A = arith.extui %ge3A_80 : i1 to i32
      %cond3A = arith.constant 0 : i32
      %cond3A_81 = arith.cmpi ne, %convert_element_type3A, %cond3A : i32
      scf.if %cond3A_81 {
        %dma_wait3A_82 = arith.constant 0 : i32
        %dma_wait3A_83 = tpu.memref_slice %arg9[%scan3A_74, %dma_wait3A_82] : memref<80x128xi32, #tpu.memory_space<vmem>> -> memref<1x128xi32, #tpu.memory_space<vmem>>
        %dma_wait3A_84 = tpu.memref_squeeze %dma_wait3A_83 : memref<1x128xi32, #tpu.memory_space<vmem>> -> memref<128xi32, #tpu.memory_space<vmem>>
        %dma_wait3A_85 = arith.constant 0 : i32
        %dma_wait3A_86 = arith.constant 0 : i32
        %dma_wait3A_87 = tpu.memref_slice %arg11[%dma_wait3A_85, %dma_wait3A_86] : memref<10112x128xf32, #tpu.memory_space<vmem_shared>> -> memref<10112x128xf32, #tpu.memory_space<vmem_shared>>
        tpu.wait_indirect_dma semaphore(%arg12 : memref<!tpu.dma_semaphore, #tpu.memory_space<semaphore_mem>>) src(%arg10 : memref<128x128xf32, #tpu.memory_space<vmem>>) dst(%dma_wait3A_87 : memref<10112x128xf32, #tpu.memory_space<vmem_shared>>)
      } else {
      }
    }
    %scan3A_40 = arith.constant 80 : i32
    %dma_wait3A_41 = arith.constant 0 : i32
    %dma_wait3A_42 = arith.constant 0 : i32
    %dma_wait3A_43 = tpu.memref_slice %arg9[%dma_wait3A_41, %dma_wait3A_42] : memref<80x128xi32, #tpu.memory_space<vmem>> -> memref<1x128xi32, #tpu.memory_space<vmem>>
    %dma_wait3A_44 = tpu.memref_squeeze %dma_wait3A_43 : memref<1x128xi32, #tpu.memory_space<vmem>> -> memref<128xi32, #tpu.memory_space<vmem>>
    %dma_wait3A_45 = arith.constant 0 : i32
    %dma_wait3A_46 = arith.constant 0 : i32
    %dma_wait3A_47 = tpu.memref_slice %arg11[%dma_wait3A_45, %dma_wait3A_46] : memref<10112x128xf32, #tpu.memory_space<vmem_shared>> -> memref<10112x128xf32, #tpu.memory_space<vmem_shared>>
    tpu.wait_indirect_dma semaphore(%arg12 : memref<!tpu.dma_semaphore, #tpu.memory_space<semaphore_mem>>) src(%arg10 : memref<128x128xf32, #tpu.memory_space<vmem>>) dst(%dma_wait3A_47 : memref<10112x128xf32, #tpu.memory_space<vmem_shared>>)
    %dma_wait3A_48 = arith.constant 0 : i32
    %dma_wait3A_49 = arith.constant 0 : i32
    %dma_wait3A_50 = tpu.memref_slice %arg9[%dma_wait3A_48, %dma_wait3A_49] : memref<80x128xi32, #tpu.memory_space<vmem>> -> memref<1x128xi32, #tpu.memory_space<vmem>>
    %dma_wait3A_51 = tpu.memref_squeeze %dma_wait3A_50 : memref<1x128xi32, #tpu.memory_space<vmem>> -> memref<128xi32, #tpu.memory_space<vmem>>
    %dma_wait3A_52 = arith.constant 0 : i32
    %dma_wait3A_53 = arith.constant 0 : i32
    %dma_wait3A_54 = tpu.memref_slice %arg11[%dma_wait3A_52, %dma_wait3A_53] : memref<10112x128xf32, #tpu.memory_space<vmem_shared>> -> memref<10112x128xf32, #tpu.memory_space<vmem_shared>>
    tpu.wait_indirect_dma semaphore(%arg12 : memref<!tpu.dma_semaphore, #tpu.memory_space<semaphore_mem>>) src(%arg10 : memref<128x128xf32, #tpu.memory_space<vmem>>) dst(%dma_wait3A_54 : memref<10112x128xf32, #tpu.memory_space<vmem_shared>>)
    %dma_wait3A_55 = arith.constant 0 : i32
    %dma_wait3A_56 = arith.constant 0 : i32
    %dma_wait3A_57 = tpu.memref_slice %arg9[%dma_wait3A_55, %dma_wait3A_56] : memref<80x128xi32, #tpu.memory_space<vmem>> -> memref<1x128xi32, #tpu.memory_space<vmem>>
    %dma_wait3A_58 = tpu.memref_squeeze %dma_wait3A_57 : memref<1x128xi32, #tpu.memory_space<vmem>> -> memref<128xi32, #tpu.memory_space<vmem>>
    %dma_wait3A_59 = arith.constant 0 : i32
    %dma_wait3A_60 = arith.constant 0 : i32
    %dma_wait3A_61 = tpu.memref_slice %arg11[%dma_wait3A_59, %dma_wait3A_60] : memref<10112x128xf32, #tpu.memory_space<vmem_shared>> -> memref<10112x128xf32, #tpu.memory_space<vmem_shared>>
    tpu.wait_indirect_dma semaphore(%arg12 : memref<!tpu.dma_semaphore, #tpu.memory_space<semaphore_mem>>) src(%arg10 : memref<128x128xf32, #tpu.memory_space<vmem>>) dst(%dma_wait3A_61 : memref<10112x128xf32, #tpu.memory_space<vmem_shared>>)
    %dma_wait3A_62 = arith.constant 0 : i32
    %dma_wait3A_63 = arith.constant 0 : i32
    %dma_wait3A_64 = tpu.memref_slice %arg9[%dma_wait3A_62, %dma_wait3A_63] : memref<80x128xi32, #tpu.memory_space<vmem>> -> memref<1x128xi32, #tpu.memory_space<vmem>>
    %dma_wait3A_65 = tpu.memref_squeeze %dma_wait3A_64 : memref<1x128xi32, #tpu.memory_space<vmem>> -> memref<128xi32, #tpu.memory_space<vmem>>
    %dma_wait3A_66 = arith.constant 0 : i32
    %dma_wait3A_67 = arith.constant 0 : i32
    %dma_wait3A_68 = tpu.memref_slice %arg11[%dma_wait3A_66, %dma_wait3A_67] : memref<10112x128xf32, #tpu.memory_space<vmem_shared>> -> memref<10112x128xf32, #tpu.memory_space<vmem_shared>>
    tpu.wait_indirect_dma semaphore(%arg12 : memref<!tpu.dma_semaphore, #tpu.memory_space<semaphore_mem>>) src(%arg10 : memref<128x128xf32, #tpu.memory_space<vmem>>) dst(%dma_wait3A_68 : memref<10112x128xf32, #tpu.memory_space<vmem_shared>>)
    %barrier3A_69 = arith.constant 0 : index
    tpu.barrier barrier_id(%barrier3A_69)
    %mul3A_70 = arith.constant 632 : i32
    %mul3A_71 = arith.muli %arg1, %mul3A_70 : i32
    %mul3A_72 = arith.constant 632 : i32
    %mul3A_73 = arith.muli %arg1, %mul3A_72 : i32
    "tpu.region"() ({
      %run_scoped3A = tpu.sem_alloc : memref<!tpu.dma_semaphore, #tpu.memory_space<semaphore_mem>>
      %dma_start3A = arith.constant 0 : i32
      %dma_start3A_74 = arith.constant 0 : i32
      %dma_start3A_75 = tpu.memref_slice %arg7[%arg0, %dma_start3A, %dma_start3A_74] : memref<2x10112x128xf32, #tpu.memory_space<hbm>> -> memref<1x10112x128xf32, #tpu.memory_space<hbm>>
      %dma_start3A_76 = tpu.memref_squeeze %dma_start3A_75 : memref<1x10112x128xf32, #tpu.memory_space<hbm>> -> memref<10112x128xf32, #tpu.memory_space<hbm>>
      %dma_start3A_77 = arith.constant 0 : i32
      %dma_start3A_78 = tpu.memref_slice %dma_start3A_76[%mul3A_73, %dma_start3A_77] : memref<10112x128xf32, #tpu.memory_space<hbm>> -> memref<632x128xf32, #tpu.memory_space<hbm>>
      %dma_start3A_79 = arith.constant 0 : i32
      %dma_start3A_80 = tpu.memref_slice %arg11[%mul3A_71, %dma_start3A_79] : memref<10112x128xf32, #tpu.memory_space<vmem_shared>> -> memref<632x128xf32, #tpu.memory_space<vmem_shared>>
      tpu.enqueue_dma source(%dma_start3A_80 : memref<632x128xf32, #tpu.memory_space<vmem_shared>>) target(%dma_start3A_78 : memref<632x128xf32, #tpu.memory_space<hbm>>) target_semaphore(%run_scoped3A : memref<!tpu.dma_semaphore, #tpu.memory_space<semaphore_mem>>)
      %dma_wait3A_81 = arith.constant 0 : i32
      %dma_wait3A_82 = arith.constant 0 : i32
      %dma_wait3A_83 = tpu.memref_slice %arg7[%arg0, %dma_wait3A_81, %dma_wait3A_82] : memref<2x10112x128xf32, #tpu.memory_space<hbm>> -> memref<1x10112x128xf32, #tpu.memory_space<hbm>>
      %dma_wait3A_84 = tpu.memref_squeeze %dma_wait3A_83 : memref<1x10112x128xf32, #tpu.memory_space<hbm>> -> memref<10112x128xf32, #tpu.memory_space<hbm>>
      %dma_wait3A_85 = arith.constant 0 : i32
      %dma_wait3A_86 = tpu.memref_slice %dma_wait3A_84[%mul3A_73, %dma_wait3A_85] : memref<10112x128xf32, #tpu.memory_space<hbm>> -> memref<632x128xf32, #tpu.memory_space<hbm>>
      %dma_wait3A_87 = arith.constant 0 : i32
      %dma_wait3A_88 = tpu.memref_slice %arg11[%mul3A_71, %dma_wait3A_87] : memref<10112x128xf32, #tpu.memory_space<vmem_shared>> -> memref<632x128xf32, #tpu.memory_space<vmem_shared>>
      tpu.wait_dma2 semaphore(%run_scoped3A : memref<!tpu.dma_semaphore, #tpu.memory_space<semaphore_mem>>) src(%dma_wait3A_88 : memref<632x128xf32, #tpu.memory_space<vmem_shared>>) dst(%dma_wait3A_86 : memref<632x128xf32, #tpu.memory_space<hbm>>)
      tpu.yield
    }) : () -> ()
    return
  }
}

#map = affine_map<(d0, d1) -> (0, 0)>
#map1 = affine_map<(d0, d1) -> (0, 0, 0)>
module attributes {stable_mosaic.version = 14 : i64} {
  func.func @_spmm_kernel(%arg0: i32, %arg1: i32, %arg2: memref<10000x128xf32, #tpu.memory_space<hbm>>, %arg3: memref<32x80x128xi32, #tpu.memory_space<hbm>>, %arg4: memref<32x80x128xi32, #tpu.memory_space<hbm>>, %arg5: memref<632x128xf32, #tpu.memory_space<hbm>>, %arg6: memref<2x10112x128xf32, #tpu.memory_space<hbm>>, %arg7: memref<40x128xi32, #tpu.memory_space<vmem>>, %arg8: memref<40x128xi32, #tpu.memory_space<vmem>>, %arg9: memref<256x128xf32, #tpu.memory_space<vmem>>, %arg10: memref<10112x128xf32, #tpu.memory_space<vmem_shared>>, %arg11: memref<!tpu.dma_semaphore, #tpu.memory_space<semaphore_mem>>, %arg12: memref<!tpu.dma_semaphore, #tpu.memory_space<semaphore_mem>>) attributes {dimension_semantics = [#tpu.dimension_semantics<core_parallel>, #tpu.dimension_semantics<subcore_parallel>], iteration_bounds = array<i64: 2, 16>, scalar_prefetch = 0 : i64, scratch_operands = 6 : i64, tpu.core_type = #tpu.core_type<sc_vector_subcore>, window_params = [{transform_indices = #map}, {transform_indices = #map1}, {transform_indices = #map1}, {transform_indices = #map}, {transform_indices = #map1}]} {
    %mul3A = arith.constant 16 : i32
    %mul3A_0 = arith.muli %arg0, %mul3A : i32
    %add3A = arith.addi %mul3A_0, %arg1 : i32
    %mul3A_1 = arith.constant 632 : i32
    %mul3A_2 = arith.muli %arg1, %mul3A_1 : i32
    "tpu.region"() ({
      %run_scoped3A = tpu.sem_alloc : memref<!tpu.dma_semaphore, #tpu.memory_space<semaphore_mem>>
      %dma_start3A_77 = arith.constant 0 : i32
      %dma_start3A_78 = tpu.memref_slice %arg10[%mul3A_2, %dma_start3A_77] : memref<10112x128xf32, #tpu.memory_space<vmem_shared>> -> memref<632x128xf32, #tpu.memory_space<vmem_shared>>
      tpu.enqueue_dma source(%arg5 : memref<632x128xf32, #tpu.memory_space<hbm>>) target(%dma_start3A_78 : memref<632x128xf32, #tpu.memory_space<vmem_shared>>) target_semaphore(%run_scoped3A : memref<!tpu.dma_semaphore, #tpu.memory_space<semaphore_mem>>)
      %dma_wait3A_79 = arith.constant 0 : i32
      %dma_wait3A_80 = tpu.memref_slice %arg10[%mul3A_2, %dma_wait3A_79] : memref<10112x128xf32, #tpu.memory_space<vmem_shared>> -> memref<632x128xf32, #tpu.memory_space<vmem_shared>>
      tpu.wait_dma2 semaphore(%run_scoped3A : memref<!tpu.dma_semaphore, #tpu.memory_space<semaphore_mem>>) src(%arg5 : memref<632x128xf32, #tpu.memory_space<hbm>>) dst(%dma_wait3A_80 : memref<632x128xf32, #tpu.memory_space<vmem_shared>>)
      tpu.yield
    }) : () -> ()
    %barrier3A = arith.constant 0 : index
    tpu.barrier barrier_id(%barrier3A)
    "tpu.region"() ({
      %run_scoped3A = tpu.sem_alloc : memref<!tpu.dma_semaphore, #tpu.memory_space<semaphore_mem>>
      %dma_start3A_77 = arith.constant 0 : i32
      %dma_start3A_78 = arith.constant 0 : i32
      %dma_start3A_79 = tpu.memref_slice %arg3[%add3A, %dma_start3A_77, %dma_start3A_78] : memref<32x80x128xi32, #tpu.memory_space<hbm>> -> memref<1x80x128xi32, #tpu.memory_space<hbm>>
      %dma_start3A_80 = tpu.memref_squeeze %dma_start3A_79 : memref<1x80x128xi32, #tpu.memory_space<hbm>> -> memref<80x128xi32, #tpu.memory_space<hbm>>
      %dma_start3A_81 = arith.constant 0 : i32
      %dma_start3A_82 = arith.constant 0 : i32
      %dma_start3A_83 = tpu.memref_slice %dma_start3A_80[%dma_start3A_81, %dma_start3A_82] : memref<80x128xi32, #tpu.memory_space<hbm>> -> memref<40x128xi32, #tpu.memory_space<hbm>>
      %dma_start3A_84 = arith.constant 0 : i32
      %dma_start3A_85 = arith.constant 0 : i32
      %dma_start3A_86 = tpu.memref_slice %arg3[%add3A, %dma_start3A_84, %dma_start3A_85] : memref<32x80x128xi32, #tpu.memory_space<hbm>> -> memref<1x80x128xi32, #tpu.memory_space<hbm>>
      %dma_start3A_87 = tpu.memref_squeeze %dma_start3A_86 : memref<1x80x128xi32, #tpu.memory_space<hbm>> -> memref<80x128xi32, #tpu.memory_space<hbm>>
      %dma_start3A_88 = arith.constant 0 : i32
      %dma_start3A_89 = arith.constant 0 : i32
      %dma_start3A_90 = tpu.memref_slice %dma_start3A_87[%dma_start3A_88, %dma_start3A_89] : memref<80x128xi32, #tpu.memory_space<hbm>> -> memref<40x128xi32, #tpu.memory_space<hbm>>
      tpu.enqueue_dma source(%dma_start3A_90 : memref<40x128xi32, #tpu.memory_space<hbm>>) target(%arg7 : memref<40x128xi32, #tpu.memory_space<vmem>>) target_semaphore(%run_scoped3A : memref<!tpu.dma_semaphore, #tpu.memory_space<semaphore_mem>>)
      %dma_wait3A_91 = arith.constant 0 : i32
      %dma_wait3A_92 = arith.constant 0 : i32
      %dma_wait3A_93 = tpu.memref_slice %arg3[%add3A, %dma_wait3A_91, %dma_wait3A_92] : memref<32x80x128xi32, #tpu.memory_space<hbm>> -> memref<1x80x128xi32, #tpu.memory_space<hbm>>
      %dma_wait3A_94 = tpu.memref_squeeze %dma_wait3A_93 : memref<1x80x128xi32, #tpu.memory_space<hbm>> -> memref<80x128xi32, #tpu.memory_space<hbm>>
      %dma_wait3A_95 = arith.constant 0 : i32
      %dma_wait3A_96 = arith.constant 0 : i32
      %dma_wait3A_97 = tpu.memref_slice %dma_wait3A_94[%dma_wait3A_95, %dma_wait3A_96] : memref<80x128xi32, #tpu.memory_space<hbm>> -> memref<40x128xi32, #tpu.memory_space<hbm>>
      %dma_wait3A_98 = arith.constant 0 : i32
      %dma_wait3A_99 = arith.constant 0 : i32
      %dma_wait3A_100 = tpu.memref_slice %arg3[%add3A, %dma_wait3A_98, %dma_wait3A_99] : memref<32x80x128xi32, #tpu.memory_space<hbm>> -> memref<1x80x128xi32, #tpu.memory_space<hbm>>
      %dma_wait3A_101 = tpu.memref_squeeze %dma_wait3A_100 : memref<1x80x128xi32, #tpu.memory_space<hbm>> -> memref<80x128xi32, #tpu.memory_space<hbm>>
      %dma_wait3A_102 = arith.constant 0 : i32
      %dma_wait3A_103 = arith.constant 0 : i32
      %dma_wait3A_104 = tpu.memref_slice %dma_wait3A_101[%dma_wait3A_102, %dma_wait3A_103] : memref<80x128xi32, #tpu.memory_space<hbm>> -> memref<40x128xi32, #tpu.memory_space<hbm>>
      tpu.wait_dma2 semaphore(%run_scoped3A : memref<!tpu.dma_semaphore, #tpu.memory_space<semaphore_mem>>) src(%dma_wait3A_104 : memref<40x128xi32, #tpu.memory_space<hbm>>) dst(%arg7 : memref<40x128xi32, #tpu.memory_space<vmem>>)
      tpu.yield
    }) : () -> ()
    "tpu.region"() ({
      %run_scoped3A = tpu.sem_alloc : memref<!tpu.dma_semaphore, #tpu.memory_space<semaphore_mem>>
      %dma_start3A_77 = arith.constant 0 : i32
      %dma_start3A_78 = arith.constant 0 : i32
      %dma_start3A_79 = tpu.memref_slice %arg4[%add3A, %dma_start3A_77, %dma_start3A_78] : memref<32x80x128xi32, #tpu.memory_space<hbm>> -> memref<1x80x128xi32, #tpu.memory_space<hbm>>
      %dma_start3A_80 = tpu.memref_squeeze %dma_start3A_79 : memref<1x80x128xi32, #tpu.memory_space<hbm>> -> memref<80x128xi32, #tpu.memory_space<hbm>>
      %dma_start3A_81 = arith.constant 0 : i32
      %dma_start3A_82 = arith.constant 0 : i32
      %dma_start3A_83 = tpu.memref_slice %dma_start3A_80[%dma_start3A_81, %dma_start3A_82] : memref<80x128xi32, #tpu.memory_space<hbm>> -> memref<40x128xi32, #tpu.memory_space<hbm>>
      %dma_start3A_84 = arith.constant 0 : i32
      %dma_start3A_85 = arith.constant 0 : i32
      %dma_start3A_86 = tpu.memref_slice %arg4[%add3A, %dma_start3A_84, %dma_start3A_85] : memref<32x80x128xi32, #tpu.memory_space<hbm>> -> memref<1x80x128xi32, #tpu.memory_space<hbm>>
      %dma_start3A_87 = tpu.memref_squeeze %dma_start3A_86 : memref<1x80x128xi32, #tpu.memory_space<hbm>> -> memref<80x128xi32, #tpu.memory_space<hbm>>
      %dma_start3A_88 = arith.constant 0 : i32
      %dma_start3A_89 = arith.constant 0 : i32
      %dma_start3A_90 = tpu.memref_slice %dma_start3A_87[%dma_start3A_88, %dma_start3A_89] : memref<80x128xi32, #tpu.memory_space<hbm>> -> memref<40x128xi32, #tpu.memory_space<hbm>>
      tpu.enqueue_dma source(%dma_start3A_90 : memref<40x128xi32, #tpu.memory_space<hbm>>) target(%arg8 : memref<40x128xi32, #tpu.memory_space<vmem>>) target_semaphore(%run_scoped3A : memref<!tpu.dma_semaphore, #tpu.memory_space<semaphore_mem>>)
      %dma_wait3A_91 = arith.constant 0 : i32
      %dma_wait3A_92 = arith.constant 0 : i32
      %dma_wait3A_93 = tpu.memref_slice %arg4[%add3A, %dma_wait3A_91, %dma_wait3A_92] : memref<32x80x128xi32, #tpu.memory_space<hbm>> -> memref<1x80x128xi32, #tpu.memory_space<hbm>>
      %dma_wait3A_94 = tpu.memref_squeeze %dma_wait3A_93 : memref<1x80x128xi32, #tpu.memory_space<hbm>> -> memref<80x128xi32, #tpu.memory_space<hbm>>
      %dma_wait3A_95 = arith.constant 0 : i32
      %dma_wait3A_96 = arith.constant 0 : i32
      %dma_wait3A_97 = tpu.memref_slice %dma_wait3A_94[%dma_wait3A_95, %dma_wait3A_96] : memref<80x128xi32, #tpu.memory_space<hbm>> -> memref<40x128xi32, #tpu.memory_space<hbm>>
      %dma_wait3A_98 = arith.constant 0 : i32
      %dma_wait3A_99 = arith.constant 0 : i32
      %dma_wait3A_100 = tpu.memref_slice %arg4[%add3A, %dma_wait3A_98, %dma_wait3A_99] : memref<32x80x128xi32, #tpu.memory_space<hbm>> -> memref<1x80x128xi32, #tpu.memory_space<hbm>>
      %dma_wait3A_101 = tpu.memref_squeeze %dma_wait3A_100 : memref<1x80x128xi32, #tpu.memory_space<hbm>> -> memref<80x128xi32, #tpu.memory_space<hbm>>
      %dma_wait3A_102 = arith.constant 0 : i32
      %dma_wait3A_103 = arith.constant 0 : i32
      %dma_wait3A_104 = tpu.memref_slice %dma_wait3A_101[%dma_wait3A_102, %dma_wait3A_103] : memref<80x128xi32, #tpu.memory_space<hbm>> -> memref<40x128xi32, #tpu.memory_space<hbm>>
      tpu.wait_dma2 semaphore(%run_scoped3A : memref<!tpu.dma_semaphore, #tpu.memory_space<semaphore_mem>>) src(%dma_wait3A_104 : memref<40x128xi32, #tpu.memory_space<hbm>>) dst(%arg8 : memref<40x128xi32, #tpu.memory_space<vmem>>)
      tpu.yield
    }) : () -> ()
    %dma_start3A = arith.constant 0 : i32
    %dma_start3A_3 = arith.constant 0 : i32
    %dma_start3A_4 = arith.constant 0 : i32
    %dma_start3A_5 = tpu.memref_slice %arg9[%dma_start3A_3, %dma_start3A_4] : memref<256x128xf32, #tpu.memory_space<vmem>> -> memref<128x128xf32, #tpu.memory_space<vmem>>
    %dma_start3A_6 = arith.constant 0 : i32
    %dma_start3A_7 = tpu.memref_slice %arg7[%dma_start3A, %dma_start3A_6] : memref<40x128xi32, #tpu.memory_space<vmem>> -> memref<1x128xi32, #tpu.memory_space<vmem>>
    %dma_start3A_8 = tpu.memref_squeeze %dma_start3A_7 : memref<1x128xi32, #tpu.memory_space<vmem>> -> memref<128xi32, #tpu.memory_space<vmem>>
    %dma_start3A_9 = arith.constant 0 : i32
    %dma_start3A_10 = arith.constant 0 : i32
    %dma_start3A_11 = tpu.memref_slice %arg2[%dma_start3A_9, %dma_start3A_10] : memref<10000x128xf32, #tpu.memory_space<hbm>> -> memref<10000x128xf32, #tpu.memory_space<hbm>>
    tpu.enqueue_indirect_dma source(%dma_start3A_11 : memref<10000x128xf32, #tpu.memory_space<hbm>>) target(%dma_start3A_5 : memref<128x128xf32, #tpu.memory_space<vmem>>) offsets(%dma_start3A_8 : memref<128xi32, #tpu.memory_space<vmem>>) semaphore(%arg11 : memref<!tpu.dma_semaphore, #tpu.memory_space<semaphore_mem>>)
    %scan3A = arith.constant 0 : i32
    %scan3A_12 = arith.constant 0 : i32
    %scan3A_13 = arith.constant 40 : i32
    %scan3A_14 = arith.addi %scan3A_12, %scan3A_13 : i32
    %scan3A_15 = arith.constant 1 : i32
    scf.for %scan3A_77 = %scan3A_12 to %scan3A_14 step %scan3A_15  : i32 {
      %jit3A = arith.constant 2 : i32
      %eq3A = arith.constant 0 : i32
      %eq3A_78 = arith.cmpi eq, %jit3A, %eq3A : i32
      %jit3A_79 = arith.constant 1 : i32
      %select_n3A = arith.select %eq3A_78, %jit3A_79, %jit3A : i32
      %rem3A = arith.remsi %scan3A_77, %select_n3A : i32
      %ne3A = arith.constant 0 : i32
      %ne3A_80 = arith.cmpi ne, %rem3A, %ne3A : i32
      %lt3A = arith.constant 0 : i32
      %lt3A_81 = arith.cmpi slt, %rem3A, %lt3A : i32
      %lt3A_82 = arith.constant 0 : i32
      %lt3A_83 = arith.cmpi slt, %select_n3A, %lt3A_82 : i32
      %ne3A_84 = arith.xori %lt3A_81, %lt3A_83 : i1
      %and3A = arith.andi %ne3A_84, %ne3A_80 : i1
      %add3A_85 = arith.addi %rem3A, %select_n3A : i32
      %select_n3A_86 = arith.select %and3A, %add3A_85, %rem3A : i32
      %mul3A_87 = arith.constant 128 : i32
      %mul3A_88 = arith.muli %select_n3A_86, %mul3A_87 : i32
      %add3A_89 = arith.constant 1 : i32
      %add3A_90 = arith.addi %scan3A_77, %add3A_89 : i32
      %lt3A_91 = arith.constant 40 : i32
      %lt3A_92 = arith.cmpi slt, %add3A_90, %lt3A_91 : i32
      %convert_element_type3A = arith.extui %lt3A_92 : i1 to i32
      %cond3A = arith.constant 0 : i32
      %cond3A_93 = arith.cmpi ne, %convert_element_type3A, %cond3A : i32
      scf.if %cond3A_93 {
        %sub3A = arith.constant 128 : i32
        %sub3A_110 = arith.subi %sub3A, %mul3A_88 : i32
        %ge3A = arith.constant 1 : i32
        %ge3A_111 = arith.cmpi sge, %scan3A_77, %ge3A : i32
        %convert_element_type3A_112 = arith.extui %ge3A_111 : i1 to i32
        %cond3A_113 = arith.constant 0 : i32
        %cond3A_114 = arith.cmpi ne, %convert_element_type3A_112, %cond3A_113 : i32
        scf.if %cond3A_114 {
          %dma_wait3A_125 = arith.constant 0 : i32
          %dma_wait3A_126 = tpu.memref_slice %arg9[%sub3A_110, %dma_wait3A_125] : memref<256x128xf32, #tpu.memory_space<vmem>> -> memref<128x128xf32, #tpu.memory_space<vmem>>
          %dma_wait3A_127 = arith.constant 0 : i32
          %dma_wait3A_128 = tpu.memref_slice %arg8[%scan3A_77, %dma_wait3A_127] : memref<40x128xi32, #tpu.memory_space<vmem>> -> memref<1x128xi32, #tpu.memory_space<vmem>>
          %dma_wait3A_129 = tpu.memref_squeeze %dma_wait3A_128 : memref<1x128xi32, #tpu.memory_space<vmem>> -> memref<128xi32, #tpu.memory_space<vmem>>
          %dma_wait3A_130 = arith.constant 0 : i32
          %dma_wait3A_131 = arith.constant 0 : i32
          %dma_wait3A_132 = tpu.memref_slice %arg10[%dma_wait3A_130, %dma_wait3A_131] : memref<10112x128xf32, #tpu.memory_space<vmem_shared>> -> memref<10112x128xf32, #tpu.memory_space<vmem_shared>>
          tpu.wait_indirect_dma semaphore(%arg12 : memref<!tpu.dma_semaphore, #tpu.memory_space<semaphore_mem>>) src(%dma_wait3A_126 : memref<128x128xf32, #tpu.memory_space<vmem>>) dst(%dma_wait3A_132 : memref<10112x128xf32, #tpu.memory_space<vmem_shared>>)
        } else {
        }
        %add3A_115 = arith.constant 1 : i32
        %add3A_116 = arith.addi %scan3A_77, %add3A_115 : i32
        %dma_start3A_117 = arith.constant 0 : i32
        %dma_start3A_118 = tpu.memref_slice %arg9[%sub3A_110, %dma_start3A_117] : memref<256x128xf32, #tpu.memory_space<vmem>> -> memref<128x128xf32, #tpu.memory_space<vmem>>
        %dma_start3A_119 = arith.constant 0 : i32
        %dma_start3A_120 = tpu.memref_slice %arg7[%add3A_116, %dma_start3A_119] : memref<40x128xi32, #tpu.memory_space<vmem>> -> memref<1x128xi32, #tpu.memory_space<vmem>>
        %dma_start3A_121 = tpu.memref_squeeze %dma_start3A_120 : memref<1x128xi32, #tpu.memory_space<vmem>> -> memref<128xi32, #tpu.memory_space<vmem>>
        %dma_start3A_122 = arith.constant 0 : i32
        %dma_start3A_123 = arith.constant 0 : i32
        %dma_start3A_124 = tpu.memref_slice %arg2[%dma_start3A_122, %dma_start3A_123] : memref<10000x128xf32, #tpu.memory_space<hbm>> -> memref<10000x128xf32, #tpu.memory_space<hbm>>
        tpu.enqueue_indirect_dma source(%dma_start3A_124 : memref<10000x128xf32, #tpu.memory_space<hbm>>) target(%dma_start3A_118 : memref<128x128xf32, #tpu.memory_space<vmem>>) offsets(%dma_start3A_121 : memref<128xi32, #tpu.memory_space<vmem>>) semaphore(%arg11 : memref<!tpu.dma_semaphore, #tpu.memory_space<semaphore_mem>>)
      } else {
      }
      %dma_wait3A_94 = arith.constant 0 : i32
      %dma_wait3A_95 = tpu.memref_slice %arg9[%mul3A_88, %dma_wait3A_94] : memref<256x128xf32, #tpu.memory_space<vmem>> -> memref<128x128xf32, #tpu.memory_space<vmem>>
      %dma_wait3A_96 = arith.constant 0 : i32
      %dma_wait3A_97 = tpu.memref_slice %arg7[%scan3A_77, %dma_wait3A_96] : memref<40x128xi32, #tpu.memory_space<vmem>> -> memref<1x128xi32, #tpu.memory_space<vmem>>
      %dma_wait3A_98 = tpu.memref_squeeze %dma_wait3A_97 : memref<1x128xi32, #tpu.memory_space<vmem>> -> memref<128xi32, #tpu.memory_space<vmem>>
      %dma_wait3A_99 = arith.constant 0 : i32
      %dma_wait3A_100 = arith.constant 0 : i32
      %dma_wait3A_101 = tpu.memref_slice %arg2[%dma_wait3A_99, %dma_wait3A_100] : memref<10000x128xf32, #tpu.memory_space<hbm>> -> memref<10000x128xf32, #tpu.memory_space<hbm>>
      tpu.wait_indirect_dma semaphore(%arg11 : memref<!tpu.dma_semaphore, #tpu.memory_space<semaphore_mem>>) src(%dma_wait3A_101 : memref<10000x128xf32, #tpu.memory_space<hbm>>) dst(%dma_wait3A_95 : memref<128x128xf32, #tpu.memory_space<vmem>>)
      %dma_start3A_102 = arith.constant 0 : i32
      %dma_start3A_103 = tpu.memref_slice %arg9[%mul3A_88, %dma_start3A_102] : memref<256x128xf32, #tpu.memory_space<vmem>> -> memref<128x128xf32, #tpu.memory_space<vmem>>
      %dma_start3A_104 = arith.constant 0 : i32
      %dma_start3A_105 = tpu.memref_slice %arg8[%scan3A_77, %dma_start3A_104] : memref<40x128xi32, #tpu.memory_space<vmem>> -> memref<1x128xi32, #tpu.memory_space<vmem>>
      %dma_start3A_106 = tpu.memref_squeeze %dma_start3A_105 : memref<1x128xi32, #tpu.memory_space<vmem>> -> memref<128xi32, #tpu.memory_space<vmem>>
      %dma_start3A_107 = arith.constant 0 : i32
      %dma_start3A_108 = arith.constant 0 : i32
      %dma_start3A_109 = tpu.memref_slice %arg10[%dma_start3A_107, %dma_start3A_108] : memref<10112x128xf32, #tpu.memory_space<vmem_shared>> -> memref<10112x128xf32, #tpu.memory_space<vmem_shared>>
      tpu.enqueue_indirect_dma source(%dma_start3A_103 : memref<128x128xf32, #tpu.memory_space<vmem>>) target(%dma_start3A_109 : memref<10112x128xf32, #tpu.memory_space<vmem_shared>>) offsets(%dma_start3A_106 : memref<128xi32, #tpu.memory_space<vmem>>) semaphore(%arg12 : memref<!tpu.dma_semaphore, #tpu.memory_space<semaphore_mem>>) {add = true}
    }
    %scan3A_16 = arith.constant 40 : i32
    %dma_wait3A = arith.constant 0 : i32
    %dma_wait3A_17 = arith.constant 0 : i32
    %dma_wait3A_18 = arith.constant 0 : i32
    %dma_wait3A_19 = tpu.memref_slice %arg9[%dma_wait3A_17, %dma_wait3A_18] : memref<256x128xf32, #tpu.memory_space<vmem>> -> memref<128x128xf32, #tpu.memory_space<vmem>>
    %dma_wait3A_20 = arith.constant 0 : i32
    %dma_wait3A_21 = tpu.memref_slice %arg8[%dma_wait3A, %dma_wait3A_20] : memref<40x128xi32, #tpu.memory_space<vmem>> -> memref<1x128xi32, #tpu.memory_space<vmem>>
    %dma_wait3A_22 = tpu.memref_squeeze %dma_wait3A_21 : memref<1x128xi32, #tpu.memory_space<vmem>> -> memref<128xi32, #tpu.memory_space<vmem>>
    %dma_wait3A_23 = arith.constant 0 : i32
    %dma_wait3A_24 = arith.constant 0 : i32
    %dma_wait3A_25 = tpu.memref_slice %arg10[%dma_wait3A_23, %dma_wait3A_24] : memref<10112x128xf32, #tpu.memory_space<vmem_shared>> -> memref<10112x128xf32, #tpu.memory_space<vmem_shared>>
    tpu.wait_indirect_dma semaphore(%arg12 : memref<!tpu.dma_semaphore, #tpu.memory_space<semaphore_mem>>) src(%dma_wait3A_19 : memref<128x128xf32, #tpu.memory_space<vmem>>) dst(%dma_wait3A_25 : memref<10112x128xf32, #tpu.memory_space<vmem_shared>>)
    %dma_wait3A_26 = arith.constant 0 : i32
    %dma_wait3A_27 = arith.constant 0 : i32
    %dma_wait3A_28 = arith.constant 0 : i32
    %dma_wait3A_29 = tpu.memref_slice %arg9[%dma_wait3A_27, %dma_wait3A_28] : memref<256x128xf32, #tpu.memory_space<vmem>> -> memref<128x128xf32, #tpu.memory_space<vmem>>
    %dma_wait3A_30 = arith.constant 0 : i32
    %dma_wait3A_31 = tpu.memref_slice %arg8[%dma_wait3A_26, %dma_wait3A_30] : memref<40x128xi32, #tpu.memory_space<vmem>> -> memref<1x128xi32, #tpu.memory_space<vmem>>
    %dma_wait3A_32 = tpu.memref_squeeze %dma_wait3A_31 : memref<1x128xi32, #tpu.memory_space<vmem>> -> memref<128xi32, #tpu.memory_space<vmem>>
    %dma_wait3A_33 = arith.constant 0 : i32
    %dma_wait3A_34 = arith.constant 0 : i32
    %dma_wait3A_35 = tpu.memref_slice %arg10[%dma_wait3A_33, %dma_wait3A_34] : memref<10112x128xf32, #tpu.memory_space<vmem_shared>> -> memref<10112x128xf32, #tpu.memory_space<vmem_shared>>
    tpu.wait_indirect_dma semaphore(%arg12 : memref<!tpu.dma_semaphore, #tpu.memory_space<semaphore_mem>>) src(%dma_wait3A_29 : memref<128x128xf32, #tpu.memory_space<vmem>>) dst(%dma_wait3A_35 : memref<10112x128xf32, #tpu.memory_space<vmem_shared>>)
    "tpu.region"() ({
      %run_scoped3A = tpu.sem_alloc : memref<!tpu.dma_semaphore, #tpu.memory_space<semaphore_mem>>
      %dma_start3A_77 = arith.constant 0 : i32
      %dma_start3A_78 = arith.constant 0 : i32
      %dma_start3A_79 = tpu.memref_slice %arg3[%add3A, %dma_start3A_77, %dma_start3A_78] : memref<32x80x128xi32, #tpu.memory_space<hbm>> -> memref<1x80x128xi32, #tpu.memory_space<hbm>>
      %dma_start3A_80 = tpu.memref_squeeze %dma_start3A_79 : memref<1x80x128xi32, #tpu.memory_space<hbm>> -> memref<80x128xi32, #tpu.memory_space<hbm>>
      %dma_start3A_81 = arith.constant 40 : i32
      %dma_start3A_82 = arith.constant 0 : i32
      %dma_start3A_83 = tpu.memref_slice %dma_start3A_80[%dma_start3A_81, %dma_start3A_82] : memref<80x128xi32, #tpu.memory_space<hbm>> -> memref<40x128xi32, #tpu.memory_space<hbm>>
      %dma_start3A_84 = arith.constant 0 : i32
      %dma_start3A_85 = arith.constant 0 : i32
      %dma_start3A_86 = tpu.memref_slice %arg3[%add3A, %dma_start3A_84, %dma_start3A_85] : memref<32x80x128xi32, #tpu.memory_space<hbm>> -> memref<1x80x128xi32, #tpu.memory_space<hbm>>
      %dma_start3A_87 = tpu.memref_squeeze %dma_start3A_86 : memref<1x80x128xi32, #tpu.memory_space<hbm>> -> memref<80x128xi32, #tpu.memory_space<hbm>>
      %dma_start3A_88 = arith.constant 40 : i32
      %dma_start3A_89 = arith.constant 0 : i32
      %dma_start3A_90 = tpu.memref_slice %dma_start3A_87[%dma_start3A_88, %dma_start3A_89] : memref<80x128xi32, #tpu.memory_space<hbm>> -> memref<40x128xi32, #tpu.memory_space<hbm>>
      tpu.enqueue_dma source(%dma_start3A_90 : memref<40x128xi32, #tpu.memory_space<hbm>>) target(%arg7 : memref<40x128xi32, #tpu.memory_space<vmem>>) target_semaphore(%run_scoped3A : memref<!tpu.dma_semaphore, #tpu.memory_space<semaphore_mem>>)
      %dma_wait3A_91 = arith.constant 0 : i32
      %dma_wait3A_92 = arith.constant 0 : i32
      %dma_wait3A_93 = tpu.memref_slice %arg3[%add3A, %dma_wait3A_91, %dma_wait3A_92] : memref<32x80x128xi32, #tpu.memory_space<hbm>> -> memref<1x80x128xi32, #tpu.memory_space<hbm>>
      %dma_wait3A_94 = tpu.memref_squeeze %dma_wait3A_93 : memref<1x80x128xi32, #tpu.memory_space<hbm>> -> memref<80x128xi32, #tpu.memory_space<hbm>>
      %dma_wait3A_95 = arith.constant 40 : i32
      %dma_wait3A_96 = arith.constant 0 : i32
      %dma_wait3A_97 = tpu.memref_slice %dma_wait3A_94[%dma_wait3A_95, %dma_wait3A_96] : memref<80x128xi32, #tpu.memory_space<hbm>> -> memref<40x128xi32, #tpu.memory_space<hbm>>
      %dma_wait3A_98 = arith.constant 0 : i32
      %dma_wait3A_99 = arith.constant 0 : i32
      %dma_wait3A_100 = tpu.memref_slice %arg3[%add3A, %dma_wait3A_98, %dma_wait3A_99] : memref<32x80x128xi32, #tpu.memory_space<hbm>> -> memref<1x80x128xi32, #tpu.memory_space<hbm>>
      %dma_wait3A_101 = tpu.memref_squeeze %dma_wait3A_100 : memref<1x80x128xi32, #tpu.memory_space<hbm>> -> memref<80x128xi32, #tpu.memory_space<hbm>>
      %dma_wait3A_102 = arith.constant 40 : i32
      %dma_wait3A_103 = arith.constant 0 : i32
      %dma_wait3A_104 = tpu.memref_slice %dma_wait3A_101[%dma_wait3A_102, %dma_wait3A_103] : memref<80x128xi32, #tpu.memory_space<hbm>> -> memref<40x128xi32, #tpu.memory_space<hbm>>
      tpu.wait_dma2 semaphore(%run_scoped3A : memref<!tpu.dma_semaphore, #tpu.memory_space<semaphore_mem>>) src(%dma_wait3A_104 : memref<40x128xi32, #tpu.memory_space<hbm>>) dst(%arg7 : memref<40x128xi32, #tpu.memory_space<vmem>>)
      tpu.yield
    }) : () -> ()
    "tpu.region"() ({
      %run_scoped3A = tpu.sem_alloc : memref<!tpu.dma_semaphore, #tpu.memory_space<semaphore_mem>>
      %dma_start3A_77 = arith.constant 0 : i32
      %dma_start3A_78 = arith.constant 0 : i32
      %dma_start3A_79 = tpu.memref_slice %arg4[%add3A, %dma_start3A_77, %dma_start3A_78] : memref<32x80x128xi32, #tpu.memory_space<hbm>> -> memref<1x80x128xi32, #tpu.memory_space<hbm>>
      %dma_start3A_80 = tpu.memref_squeeze %dma_start3A_79 : memref<1x80x128xi32, #tpu.memory_space<hbm>> -> memref<80x128xi32, #tpu.memory_space<hbm>>
      %dma_start3A_81 = arith.constant 40 : i32
      %dma_start3A_82 = arith.constant 0 : i32
      %dma_start3A_83 = tpu.memref_slice %dma_start3A_80[%dma_start3A_81, %dma_start3A_82] : memref<80x128xi32, #tpu.memory_space<hbm>> -> memref<40x128xi32, #tpu.memory_space<hbm>>
      %dma_start3A_84 = arith.constant 0 : i32
      %dma_start3A_85 = arith.constant 0 : i32
      %dma_start3A_86 = tpu.memref_slice %arg4[%add3A, %dma_start3A_84, %dma_start3A_85] : memref<32x80x128xi32, #tpu.memory_space<hbm>> -> memref<1x80x128xi32, #tpu.memory_space<hbm>>
      %dma_start3A_87 = tpu.memref_squeeze %dma_start3A_86 : memref<1x80x128xi32, #tpu.memory_space<hbm>> -> memref<80x128xi32, #tpu.memory_space<hbm>>
      %dma_start3A_88 = arith.constant 40 : i32
      %dma_start3A_89 = arith.constant 0 : i32
      %dma_start3A_90 = tpu.memref_slice %dma_start3A_87[%dma_start3A_88, %dma_start3A_89] : memref<80x128xi32, #tpu.memory_space<hbm>> -> memref<40x128xi32, #tpu.memory_space<hbm>>
      tpu.enqueue_dma source(%dma_start3A_90 : memref<40x128xi32, #tpu.memory_space<hbm>>) target(%arg8 : memref<40x128xi32, #tpu.memory_space<vmem>>) target_semaphore(%run_scoped3A : memref<!tpu.dma_semaphore, #tpu.memory_space<semaphore_mem>>)
      %dma_wait3A_91 = arith.constant 0 : i32
      %dma_wait3A_92 = arith.constant 0 : i32
      %dma_wait3A_93 = tpu.memref_slice %arg4[%add3A, %dma_wait3A_91, %dma_wait3A_92] : memref<32x80x128xi32, #tpu.memory_space<hbm>> -> memref<1x80x128xi32, #tpu.memory_space<hbm>>
      %dma_wait3A_94 = tpu.memref_squeeze %dma_wait3A_93 : memref<1x80x128xi32, #tpu.memory_space<hbm>> -> memref<80x128xi32, #tpu.memory_space<hbm>>
      %dma_wait3A_95 = arith.constant 40 : i32
      %dma_wait3A_96 = arith.constant 0 : i32
      %dma_wait3A_97 = tpu.memref_slice %dma_wait3A_94[%dma_wait3A_95, %dma_wait3A_96] : memref<80x128xi32, #tpu.memory_space<hbm>> -> memref<40x128xi32, #tpu.memory_space<hbm>>
      %dma_wait3A_98 = arith.constant 0 : i32
      %dma_wait3A_99 = arith.constant 0 : i32
      %dma_wait3A_100 = tpu.memref_slice %arg4[%add3A, %dma_wait3A_98, %dma_wait3A_99] : memref<32x80x128xi32, #tpu.memory_space<hbm>> -> memref<1x80x128xi32, #tpu.memory_space<hbm>>
      %dma_wait3A_101 = tpu.memref_squeeze %dma_wait3A_100 : memref<1x80x128xi32, #tpu.memory_space<hbm>> -> memref<80x128xi32, #tpu.memory_space<hbm>>
      %dma_wait3A_102 = arith.constant 40 : i32
      %dma_wait3A_103 = arith.constant 0 : i32
      %dma_wait3A_104 = tpu.memref_slice %dma_wait3A_101[%dma_wait3A_102, %dma_wait3A_103] : memref<80x128xi32, #tpu.memory_space<hbm>> -> memref<40x128xi32, #tpu.memory_space<hbm>>
      tpu.wait_dma2 semaphore(%run_scoped3A : memref<!tpu.dma_semaphore, #tpu.memory_space<semaphore_mem>>) src(%dma_wait3A_104 : memref<40x128xi32, #tpu.memory_space<hbm>>) dst(%arg8 : memref<40x128xi32, #tpu.memory_space<vmem>>)
      tpu.yield
    }) : () -> ()
    %dma_start3A_36 = arith.constant 0 : i32
    %dma_start3A_37 = arith.constant 0 : i32
    %dma_start3A_38 = arith.constant 0 : i32
    %dma_start3A_39 = tpu.memref_slice %arg9[%dma_start3A_37, %dma_start3A_38] : memref<256x128xf32, #tpu.memory_space<vmem>> -> memref<128x128xf32, #tpu.memory_space<vmem>>
    %dma_start3A_40 = arith.constant 0 : i32
    %dma_start3A_41 = tpu.memref_slice %arg7[%dma_start3A_36, %dma_start3A_40] : memref<40x128xi32, #tpu.memory_space<vmem>> -> memref<1x128xi32, #tpu.memory_space<vmem>>
    %dma_start3A_42 = tpu.memref_squeeze %dma_start3A_41 : memref<1x128xi32, #tpu.memory_space<vmem>> -> memref<128xi32, #tpu.memory_space<vmem>>
    %dma_start3A_43 = arith.constant 0 : i32
    %dma_start3A_44 = arith.constant 0 : i32
    %dma_start3A_45 = tpu.memref_slice %arg2[%dma_start3A_43, %dma_start3A_44] : memref<10000x128xf32, #tpu.memory_space<hbm>> -> memref<10000x128xf32, #tpu.memory_space<hbm>>
    tpu.enqueue_indirect_dma source(%dma_start3A_45 : memref<10000x128xf32, #tpu.memory_space<hbm>>) target(%dma_start3A_39 : memref<128x128xf32, #tpu.memory_space<vmem>>) offsets(%dma_start3A_42 : memref<128xi32, #tpu.memory_space<vmem>>) semaphore(%arg11 : memref<!tpu.dma_semaphore, #tpu.memory_space<semaphore_mem>>)
    %scan3A_46 = arith.constant 0 : i32
    %scan3A_47 = arith.constant 0 : i32
    %scan3A_48 = arith.constant 40 : i32
    %scan3A_49 = arith.addi %scan3A_47, %scan3A_48 : i32
    %scan3A_50 = arith.constant 1 : i32
    scf.for %scan3A_77 = %scan3A_47 to %scan3A_49 step %scan3A_50  : i32 {
      %jit3A = arith.constant 2 : i32
      %eq3A = arith.constant 0 : i32
      %eq3A_78 = arith.cmpi eq, %jit3A, %eq3A : i32
      %jit3A_79 = arith.constant 1 : i32
      %select_n3A = arith.select %eq3A_78, %jit3A_79, %jit3A : i32
      %rem3A = arith.remsi %scan3A_77, %select_n3A : i32
      %ne3A = arith.constant 0 : i32
      %ne3A_80 = arith.cmpi ne, %rem3A, %ne3A : i32
      %lt3A = arith.constant 0 : i32
      %lt3A_81 = arith.cmpi slt, %rem3A, %lt3A : i32
      %lt3A_82 = arith.constant 0 : i32
      %lt3A_83 = arith.cmpi slt, %select_n3A, %lt3A_82 : i32
      %ne3A_84 = arith.xori %lt3A_81, %lt3A_83 : i1
      %and3A = arith.andi %ne3A_84, %ne3A_80 : i1
      %add3A_85 = arith.addi %rem3A, %select_n3A : i32
      %select_n3A_86 = arith.select %and3A, %add3A_85, %rem3A : i32
      %mul3A_87 = arith.constant 128 : i32
      %mul3A_88 = arith.muli %select_n3A_86, %mul3A_87 : i32
      %add3A_89 = arith.constant 1 : i32
      %add3A_90 = arith.addi %scan3A_77, %add3A_89 : i32
      %lt3A_91 = arith.constant 40 : i32
      %lt3A_92 = arith.cmpi slt, %add3A_90, %lt3A_91 : i32
      %convert_element_type3A = arith.extui %lt3A_92 : i1 to i32
      %cond3A = arith.constant 0 : i32
      %cond3A_93 = arith.cmpi ne, %convert_element_type3A, %cond3A : i32
      scf.if %cond3A_93 {
        %sub3A = arith.constant 128 : i32
        %sub3A_110 = arith.subi %sub3A, %mul3A_88 : i32
        %ge3A = arith.constant 1 : i32
        %ge3A_111 = arith.cmpi sge, %scan3A_77, %ge3A : i32
        %convert_element_type3A_112 = arith.extui %ge3A_111 : i1 to i32
        %cond3A_113 = arith.constant 0 : i32
        %cond3A_114 = arith.cmpi ne, %convert_element_type3A_112, %cond3A_113 : i32
        scf.if %cond3A_114 {
          %dma_wait3A_125 = arith.constant 0 : i32
          %dma_wait3A_126 = tpu.memref_slice %arg9[%sub3A_110, %dma_wait3A_125] : memref<256x128xf32, #tpu.memory_space<vmem>> -> memref<128x128xf32, #tpu.memory_space<vmem>>
          %dma_wait3A_127 = arith.constant 0 : i32
          %dma_wait3A_128 = tpu.memref_slice %arg8[%scan3A_77, %dma_wait3A_127] : memref<40x128xi32, #tpu.memory_space<vmem>> -> memref<1x128xi32, #tpu.memory_space<vmem>>
          %dma_wait3A_129 = tpu.memref_squeeze %dma_wait3A_128 : memref<1x128xi32, #tpu.memory_space<vmem>> -> memref<128xi32, #tpu.memory_space<vmem>>
          %dma_wait3A_130 = arith.constant 0 : i32
          %dma_wait3A_131 = arith.constant 0 : i32
          %dma_wait3A_132 = tpu.memref_slice %arg10[%dma_wait3A_130, %dma_wait3A_131] : memref<10112x128xf32, #tpu.memory_space<vmem_shared>> -> memref<10112x128xf32, #tpu.memory_space<vmem_shared>>
          tpu.wait_indirect_dma semaphore(%arg12 : memref<!tpu.dma_semaphore, #tpu.memory_space<semaphore_mem>>) src(%dma_wait3A_126 : memref<128x128xf32, #tpu.memory_space<vmem>>) dst(%dma_wait3A_132 : memref<10112x128xf32, #tpu.memory_space<vmem_shared>>)
        } else {
        }
        %add3A_115 = arith.constant 1 : i32
        %add3A_116 = arith.addi %scan3A_77, %add3A_115 : i32
        %dma_start3A_117 = arith.constant 0 : i32
        %dma_start3A_118 = tpu.memref_slice %arg9[%sub3A_110, %dma_start3A_117] : memref<256x128xf32, #tpu.memory_space<vmem>> -> memref<128x128xf32, #tpu.memory_space<vmem>>
        %dma_start3A_119 = arith.constant 0 : i32
        %dma_start3A_120 = tpu.memref_slice %arg7[%add3A_116, %dma_start3A_119] : memref<40x128xi32, #tpu.memory_space<vmem>> -> memref<1x128xi32, #tpu.memory_space<vmem>>
        %dma_start3A_121 = tpu.memref_squeeze %dma_start3A_120 : memref<1x128xi32, #tpu.memory_space<vmem>> -> memref<128xi32, #tpu.memory_space<vmem>>
        %dma_start3A_122 = arith.constant 0 : i32
        %dma_start3A_123 = arith.constant 0 : i32
        %dma_start3A_124 = tpu.memref_slice %arg2[%dma_start3A_122, %dma_start3A_123] : memref<10000x128xf32, #tpu.memory_space<hbm>> -> memref<10000x128xf32, #tpu.memory_space<hbm>>
        tpu.enqueue_indirect_dma source(%dma_start3A_124 : memref<10000x128xf32, #tpu.memory_space<hbm>>) target(%dma_start3A_118 : memref<128x128xf32, #tpu.memory_space<vmem>>) offsets(%dma_start3A_121 : memref<128xi32, #tpu.memory_space<vmem>>) semaphore(%arg11 : memref<!tpu.dma_semaphore, #tpu.memory_space<semaphore_mem>>)
      } else {
      }
      %dma_wait3A_94 = arith.constant 0 : i32
      %dma_wait3A_95 = tpu.memref_slice %arg9[%mul3A_88, %dma_wait3A_94] : memref<256x128xf32, #tpu.memory_space<vmem>> -> memref<128x128xf32, #tpu.memory_space<vmem>>
      %dma_wait3A_96 = arith.constant 0 : i32
      %dma_wait3A_97 = tpu.memref_slice %arg7[%scan3A_77, %dma_wait3A_96] : memref<40x128xi32, #tpu.memory_space<vmem>> -> memref<1x128xi32, #tpu.memory_space<vmem>>
      %dma_wait3A_98 = tpu.memref_squeeze %dma_wait3A_97 : memref<1x128xi32, #tpu.memory_space<vmem>> -> memref<128xi32, #tpu.memory_space<vmem>>
      %dma_wait3A_99 = arith.constant 0 : i32
      %dma_wait3A_100 = arith.constant 0 : i32
      %dma_wait3A_101 = tpu.memref_slice %arg2[%dma_wait3A_99, %dma_wait3A_100] : memref<10000x128xf32, #tpu.memory_space<hbm>> -> memref<10000x128xf32, #tpu.memory_space<hbm>>
      tpu.wait_indirect_dma semaphore(%arg11 : memref<!tpu.dma_semaphore, #tpu.memory_space<semaphore_mem>>) src(%dma_wait3A_101 : memref<10000x128xf32, #tpu.memory_space<hbm>>) dst(%dma_wait3A_95 : memref<128x128xf32, #tpu.memory_space<vmem>>)
      %dma_start3A_102 = arith.constant 0 : i32
      %dma_start3A_103 = tpu.memref_slice %arg9[%mul3A_88, %dma_start3A_102] : memref<256x128xf32, #tpu.memory_space<vmem>> -> memref<128x128xf32, #tpu.memory_space<vmem>>
      %dma_start3A_104 = arith.constant 0 : i32
      %dma_start3A_105 = tpu.memref_slice %arg8[%scan3A_77, %dma_start3A_104] : memref<40x128xi32, #tpu.memory_space<vmem>> -> memref<1x128xi32, #tpu.memory_space<vmem>>
      %dma_start3A_106 = tpu.memref_squeeze %dma_start3A_105 : memref<1x128xi32, #tpu.memory_space<vmem>> -> memref<128xi32, #tpu.memory_space<vmem>>
      %dma_start3A_107 = arith.constant 0 : i32
      %dma_start3A_108 = arith.constant 0 : i32
      %dma_start3A_109 = tpu.memref_slice %arg10[%dma_start3A_107, %dma_start3A_108] : memref<10112x128xf32, #tpu.memory_space<vmem_shared>> -> memref<10112x128xf32, #tpu.memory_space<vmem_shared>>
      tpu.enqueue_indirect_dma source(%dma_start3A_103 : memref<128x128xf32, #tpu.memory_space<vmem>>) target(%dma_start3A_109 : memref<10112x128xf32, #tpu.memory_space<vmem_shared>>) offsets(%dma_start3A_106 : memref<128xi32, #tpu.memory_space<vmem>>) semaphore(%arg12 : memref<!tpu.dma_semaphore, #tpu.memory_space<semaphore_mem>>) {add = true}
    }
    %scan3A_51 = arith.constant 40 : i32
    %dma_wait3A_52 = arith.constant 0 : i32
    %dma_wait3A_53 = arith.constant 0 : i32
    %dma_wait3A_54 = arith.constant 0 : i32
    %dma_wait3A_55 = tpu.memref_slice %arg9[%dma_wait3A_53, %dma_wait3A_54] : memref<256x128xf32, #tpu.memory_space<vmem>> -> memref<128x128xf32, #tpu.memory_space<vmem>>
    %dma_wait3A_56 = arith.constant 0 : i32
    %dma_wait3A_57 = tpu.memref_slice %arg8[%dma_wait3A_52, %dma_wait3A_56] : memref<40x128xi32, #tpu.memory_space<vmem>> -> memref<1x128xi32, #tpu.memory_space<vmem>>
    %dma_wait3A_58 = tpu.memref_squeeze %dma_wait3A_57 : memref<1x128xi32, #tpu.memory_space<vmem>> -> memref<128xi32, #tpu.memory_space<vmem>>
    %dma_wait3A_59 = arith.constant 0 : i32
    %dma_wait3A_60 = arith.constant 0 : i32
    %dma_wait3A_61 = tpu.memref_slice %arg10[%dma_wait3A_59, %dma_wait3A_60] : memref<10112x128xf32, #tpu.memory_space<vmem_shared>> -> memref<10112x128xf32, #tpu.memory_space<vmem_shared>>
    tpu.wait_indirect_dma semaphore(%arg12 : memref<!tpu.dma_semaphore, #tpu.memory_space<semaphore_mem>>) src(%dma_wait3A_55 : memref<128x128xf32, #tpu.memory_space<vmem>>) dst(%dma_wait3A_61 : memref<10112x128xf32, #tpu.memory_space<vmem_shared>>)
    %dma_wait3A_62 = arith.constant 0 : i32
    %dma_wait3A_63 = arith.constant 0 : i32
    %dma_wait3A_64 = arith.constant 0 : i32
    %dma_wait3A_65 = tpu.memref_slice %arg9[%dma_wait3A_63, %dma_wait3A_64] : memref<256x128xf32, #tpu.memory_space<vmem>> -> memref<128x128xf32, #tpu.memory_space<vmem>>
    %dma_wait3A_66 = arith.constant 0 : i32
    %dma_wait3A_67 = tpu.memref_slice %arg8[%dma_wait3A_62, %dma_wait3A_66] : memref<40x128xi32, #tpu.memory_space<vmem>> -> memref<1x128xi32, #tpu.memory_space<vmem>>
    %dma_wait3A_68 = tpu.memref_squeeze %dma_wait3A_67 : memref<1x128xi32, #tpu.memory_space<vmem>> -> memref<128xi32, #tpu.memory_space<vmem>>
    %dma_wait3A_69 = arith.constant 0 : i32
    %dma_wait3A_70 = arith.constant 0 : i32
    %dma_wait3A_71 = tpu.memref_slice %arg10[%dma_wait3A_69, %dma_wait3A_70] : memref<10112x128xf32, #tpu.memory_space<vmem_shared>> -> memref<10112x128xf32, #tpu.memory_space<vmem_shared>>
    tpu.wait_indirect_dma semaphore(%arg12 : memref<!tpu.dma_semaphore, #tpu.memory_space<semaphore_mem>>) src(%dma_wait3A_65 : memref<128x128xf32, #tpu.memory_space<vmem>>) dst(%dma_wait3A_71 : memref<10112x128xf32, #tpu.memory_space<vmem_shared>>)
    %barrier3A_72 = arith.constant 0 : index
    tpu.barrier barrier_id(%barrier3A_72)
    %mul3A_73 = arith.constant 632 : i32
    %mul3A_74 = arith.muli %arg1, %mul3A_73 : i32
    %mul3A_75 = arith.constant 632 : i32
    %mul3A_76 = arith.muli %arg1, %mul3A_75 : i32
    "tpu.region"() ({
      %run_scoped3A = tpu.sem_alloc : memref<!tpu.dma_semaphore, #tpu.memory_space<semaphore_mem>>
      %dma_start3A_77 = arith.constant 0 : i32
      %dma_start3A_78 = arith.constant 0 : i32
      %dma_start3A_79 = tpu.memref_slice %arg6[%arg0, %dma_start3A_77, %dma_start3A_78] : memref<2x10112x128xf32, #tpu.memory_space<hbm>> -> memref<1x10112x128xf32, #tpu.memory_space<hbm>>
      %dma_start3A_80 = tpu.memref_squeeze %dma_start3A_79 : memref<1x10112x128xf32, #tpu.memory_space<hbm>> -> memref<10112x128xf32, #tpu.memory_space<hbm>>
      %dma_start3A_81 = arith.constant 0 : i32
      %dma_start3A_82 = tpu.memref_slice %dma_start3A_80[%mul3A_76, %dma_start3A_81] : memref<10112x128xf32, #tpu.memory_space<hbm>> -> memref<632x128xf32, #tpu.memory_space<hbm>>
      %dma_start3A_83 = arith.constant 0 : i32
      %dma_start3A_84 = tpu.memref_slice %arg10[%mul3A_74, %dma_start3A_83] : memref<10112x128xf32, #tpu.memory_space<vmem_shared>> -> memref<632x128xf32, #tpu.memory_space<vmem_shared>>
      tpu.enqueue_dma source(%dma_start3A_84 : memref<632x128xf32, #tpu.memory_space<vmem_shared>>) target(%dma_start3A_82 : memref<632x128xf32, #tpu.memory_space<hbm>>) target_semaphore(%run_scoped3A : memref<!tpu.dma_semaphore, #tpu.memory_space<semaphore_mem>>)
      %dma_wait3A_85 = arith.constant 0 : i32
      %dma_wait3A_86 = arith.constant 0 : i32
      %dma_wait3A_87 = tpu.memref_slice %arg6[%arg0, %dma_wait3A_85, %dma_wait3A_86] : memref<2x10112x128xf32, #tpu.memory_space<hbm>> -> memref<1x10112x128xf32, #tpu.memory_space<hbm>>
      %dma_wait3A_88 = tpu.memref_squeeze %dma_wait3A_87 : memref<1x10112x128xf32, #tpu.memory_space<hbm>> -> memref<10112x128xf32, #tpu.memory_space<hbm>>
      %dma_wait3A_89 = arith.constant 0 : i32
      %dma_wait3A_90 = tpu.memref_slice %dma_wait3A_88[%mul3A_76, %dma_wait3A_89] : memref<10112x128xf32, #tpu.memory_space<hbm>> -> memref<632x128xf32, #tpu.memory_space<hbm>>
      %dma_wait3A_91 = arith.constant 0 : i32
      %dma_wait3A_92 = tpu.memref_slice %arg10[%mul3A_74, %dma_wait3A_91] : memref<10112x128xf32, #tpu.memory_space<vmem_shared>> -> memref<632x128xf32, #tpu.memory_space<vmem_shared>>
      tpu.wait_dma2 semaphore(%run_scoped3A : memref<!tpu.dma_semaphore, #tpu.memory_space<semaphore_mem>>) src(%dma_wait3A_92 : memref<632x128xf32, #tpu.memory_space<vmem_shared>>) dst(%dma_wait3A_90 : memref<632x128xf32, #tpu.memory_space<hbm>>)
      tpu.yield
    }) : () -> ()
    return
  }
}

#map = affine_map<(d0, d1) -> (0, 0)>
#map1 = affine_map<(d0, d1) -> (0, 0, 0)>
module attributes {stable_mosaic.version = 14 : i64} {
  func.func @_spmm_kernel(%arg0: i32, %arg1: i32, %arg2: memref<10000x128xf32, #tpu.memory_space<hbm>>, %arg3: memref<32x80x128xi32, #tpu.memory_space<hbm>>, %arg4: memref<32x80x128xi32, #tpu.memory_space<hbm>>, %arg5: memref<632x128xf32, #tpu.memory_space<hbm>>, %arg6: memref<2x10112x128xf32, #tpu.memory_space<hbm>>, %arg7: memref<40x128xi32, #tpu.memory_space<vmem>>, %arg8: memref<40x128xi32, #tpu.memory_space<vmem>>, %arg9: memref<256x128xf32, #tpu.memory_space<vmem>>, %arg10: memref<10112x128xf32, #tpu.memory_space<vmem_shared>>, %arg11: memref<!tpu.dma_semaphore, #tpu.memory_space<semaphore_mem>>, %arg12: memref<!tpu.dma_semaphore, #tpu.memory_space<semaphore_mem>>) attributes {dimension_semantics = [#tpu.dimension_semantics<core_parallel>, #tpu.dimension_semantics<subcore_parallel>], iteration_bounds = array<i64: 2, 16>, scalar_prefetch = 0 : i64, scratch_operands = 6 : i64, tpu.core_type = #tpu.core_type<sc_vector_subcore>, window_params = [{transform_indices = #map}, {transform_indices = #map1}, {transform_indices = #map1}, {transform_indices = #map}, {transform_indices = #map1}]} {
    %mul3A = arith.constant 16 : i32
    %mul3A_0 = arith.muli %arg0, %mul3A : i32
    %add3A = arith.addi %mul3A_0, %arg1 : i32
    %mul3A_1 = arith.constant 632 : i32
    %mul3A_2 = arith.muli %arg1, %mul3A_1 : i32
    "tpu.region"() ({
      %run_scoped3A = tpu.sem_alloc : memref<!tpu.dma_semaphore, #tpu.memory_space<semaphore_mem>>
      %dma_start3A_77 = arith.constant 0 : i32
      %dma_start3A_78 = tpu.memref_slice %arg10[%mul3A_2, %dma_start3A_77] : memref<10112x128xf32, #tpu.memory_space<vmem_shared>> -> memref<632x128xf32, #tpu.memory_space<vmem_shared>>
      tpu.enqueue_dma source(%arg5 : memref<632x128xf32, #tpu.memory_space<hbm>>) target(%dma_start3A_78 : memref<632x128xf32, #tpu.memory_space<vmem_shared>>) target_semaphore(%run_scoped3A : memref<!tpu.dma_semaphore, #tpu.memory_space<semaphore_mem>>)
      %dma_wait3A_79 = arith.constant 0 : i32
      %dma_wait3A_80 = tpu.memref_slice %arg10[%mul3A_2, %dma_wait3A_79] : memref<10112x128xf32, #tpu.memory_space<vmem_shared>> -> memref<632x128xf32, #tpu.memory_space<vmem_shared>>
      tpu.wait_dma2 semaphore(%run_scoped3A : memref<!tpu.dma_semaphore, #tpu.memory_space<semaphore_mem>>) src(%arg5 : memref<632x128xf32, #tpu.memory_space<hbm>>) dst(%dma_wait3A_80 : memref<632x128xf32, #tpu.memory_space<vmem_shared>>)
      tpu.yield
    }) : () -> ()
    %barrier3A = arith.constant 0 : index
    tpu.barrier barrier_id(%barrier3A)
    "tpu.region"() ({
      %run_scoped3A = tpu.sem_alloc : memref<!tpu.dma_semaphore, #tpu.memory_space<semaphore_mem>>
      %dma_start3A_77 = arith.constant 0 : i32
      %dma_start3A_78 = arith.constant 0 : i32
      %dma_start3A_79 = tpu.memref_slice %arg3[%add3A, %dma_start3A_77, %dma_start3A_78] : memref<32x80x128xi32, #tpu.memory_space<hbm>> -> memref<1x80x128xi32, #tpu.memory_space<hbm>>
      %dma_start3A_80 = tpu.memref_squeeze %dma_start3A_79 : memref<1x80x128xi32, #tpu.memory_space<hbm>> -> memref<80x128xi32, #tpu.memory_space<hbm>>
      %dma_start3A_81 = arith.constant 0 : i32
      %dma_start3A_82 = arith.constant 0 : i32
      %dma_start3A_83 = tpu.memref_slice %dma_start3A_80[%dma_start3A_81, %dma_start3A_82] : memref<80x128xi32, #tpu.memory_space<hbm>> -> memref<40x128xi32, #tpu.memory_space<hbm>>
      %dma_start3A_84 = arith.constant 0 : i32
      %dma_start3A_85 = arith.constant 0 : i32
      %dma_start3A_86 = tpu.memref_slice %arg3[%add3A, %dma_start3A_84, %dma_start3A_85] : memref<32x80x128xi32, #tpu.memory_space<hbm>> -> memref<1x80x128xi32, #tpu.memory_space<hbm>>
      %dma_start3A_87 = tpu.memref_squeeze %dma_start3A_86 : memref<1x80x128xi32, #tpu.memory_space<hbm>> -> memref<80x128xi32, #tpu.memory_space<hbm>>
      %dma_start3A_88 = arith.constant 0 : i32
      %dma_start3A_89 = arith.constant 0 : i32
      %dma_start3A_90 = tpu.memref_slice %dma_start3A_87[%dma_start3A_88, %dma_start3A_89] : memref<80x128xi32, #tpu.memory_space<hbm>> -> memref<40x128xi32, #tpu.memory_space<hbm>>
      tpu.enqueue_dma source(%dma_start3A_90 : memref<40x128xi32, #tpu.memory_space<hbm>>) target(%arg7 : memref<40x128xi32, #tpu.memory_space<vmem>>) target_semaphore(%run_scoped3A : memref<!tpu.dma_semaphore, #tpu.memory_space<semaphore_mem>>)
      %dma_wait3A_91 = arith.constant 0 : i32
      %dma_wait3A_92 = arith.constant 0 : i32
      %dma_wait3A_93 = tpu.memref_slice %arg3[%add3A, %dma_wait3A_91, %dma_wait3A_92] : memref<32x80x128xi32, #tpu.memory_space<hbm>> -> memref<1x80x128xi32, #tpu.memory_space<hbm>>
      %dma_wait3A_94 = tpu.memref_squeeze %dma_wait3A_93 : memref<1x80x128xi32, #tpu.memory_space<hbm>> -> memref<80x128xi32, #tpu.memory_space<hbm>>
      %dma_wait3A_95 = arith.constant 0 : i32
      %dma_wait3A_96 = arith.constant 0 : i32
      %dma_wait3A_97 = tpu.memref_slice %dma_wait3A_94[%dma_wait3A_95, %dma_wait3A_96] : memref<80x128xi32, #tpu.memory_space<hbm>> -> memref<40x128xi32, #tpu.memory_space<hbm>>
      %dma_wait3A_98 = arith.constant 0 : i32
      %dma_wait3A_99 = arith.constant 0 : i32
      %dma_wait3A_100 = tpu.memref_slice %arg3[%add3A, %dma_wait3A_98, %dma_wait3A_99] : memref<32x80x128xi32, #tpu.memory_space<hbm>> -> memref<1x80x128xi32, #tpu.memory_space<hbm>>
      %dma_wait3A_101 = tpu.memref_squeeze %dma_wait3A_100 : memref<1x80x128xi32, #tpu.memory_space<hbm>> -> memref<80x128xi32, #tpu.memory_space<hbm>>
      %dma_wait3A_102 = arith.constant 0 : i32
      %dma_wait3A_103 = arith.constant 0 : i32
      %dma_wait3A_104 = tpu.memref_slice %dma_wait3A_101[%dma_wait3A_102, %dma_wait3A_103] : memref<80x128xi32, #tpu.memory_space<hbm>> -> memref<40x128xi32, #tpu.memory_space<hbm>>
      tpu.wait_dma2 semaphore(%run_scoped3A : memref<!tpu.dma_semaphore, #tpu.memory_space<semaphore_mem>>) src(%dma_wait3A_104 : memref<40x128xi32, #tpu.memory_space<hbm>>) dst(%arg7 : memref<40x128xi32, #tpu.memory_space<vmem>>)
      tpu.yield
    }) : () -> ()
    "tpu.region"() ({
      %run_scoped3A = tpu.sem_alloc : memref<!tpu.dma_semaphore, #tpu.memory_space<semaphore_mem>>
      %dma_start3A_77 = arith.constant 0 : i32
      %dma_start3A_78 = arith.constant 0 : i32
      %dma_start3A_79 = tpu.memref_slice %arg4[%add3A, %dma_start3A_77, %dma_start3A_78] : memref<32x80x128xi32, #tpu.memory_space<hbm>> -> memref<1x80x128xi32, #tpu.memory_space<hbm>>
      %dma_start3A_80 = tpu.memref_squeeze %dma_start3A_79 : memref<1x80x128xi32, #tpu.memory_space<hbm>> -> memref<80x128xi32, #tpu.memory_space<hbm>>
      %dma_start3A_81 = arith.constant 0 : i32
      %dma_start3A_82 = arith.constant 0 : i32
      %dma_start3A_83 = tpu.memref_slice %dma_start3A_80[%dma_start3A_81, %dma_start3A_82] : memref<80x128xi32, #tpu.memory_space<hbm>> -> memref<40x128xi32, #tpu.memory_space<hbm>>
      %dma_start3A_84 = arith.constant 0 : i32
      %dma_start3A_85 = arith.constant 0 : i32
      %dma_start3A_86 = tpu.memref_slice %arg4[%add3A, %dma_start3A_84, %dma_start3A_85] : memref<32x80x128xi32, #tpu.memory_space<hbm>> -> memref<1x80x128xi32, #tpu.memory_space<hbm>>
      %dma_start3A_87 = tpu.memref_squeeze %dma_start3A_86 : memref<1x80x128xi32, #tpu.memory_space<hbm>> -> memref<80x128xi32, #tpu.memory_space<hbm>>
      %dma_start3A_88 = arith.constant 0 : i32
      %dma_start3A_89 = arith.constant 0 : i32
      %dma_start3A_90 = tpu.memref_slice %dma_start3A_87[%dma_start3A_88, %dma_start3A_89] : memref<80x128xi32, #tpu.memory_space<hbm>> -> memref<40x128xi32, #tpu.memory_space<hbm>>
      tpu.enqueue_dma source(%dma_start3A_90 : memref<40x128xi32, #tpu.memory_space<hbm>>) target(%arg8 : memref<40x128xi32, #tpu.memory_space<vmem>>) target_semaphore(%run_scoped3A : memref<!tpu.dma_semaphore, #tpu.memory_space<semaphore_mem>>)
      %dma_wait3A_91 = arith.constant 0 : i32
      %dma_wait3A_92 = arith.constant 0 : i32
      %dma_wait3A_93 = tpu.memref_slice %arg4[%add3A, %dma_wait3A_91, %dma_wait3A_92] : memref<32x80x128xi32, #tpu.memory_space<hbm>> -> memref<1x80x128xi32, #tpu.memory_space<hbm>>
      %dma_wait3A_94 = tpu.memref_squeeze %dma_wait3A_93 : memref<1x80x128xi32, #tpu.memory_space<hbm>> -> memref<80x128xi32, #tpu.memory_space<hbm>>
      %dma_wait3A_95 = arith.constant 0 : i32
      %dma_wait3A_96 = arith.constant 0 : i32
      %dma_wait3A_97 = tpu.memref_slice %dma_wait3A_94[%dma_wait3A_95, %dma_wait3A_96] : memref<80x128xi32, #tpu.memory_space<hbm>> -> memref<40x128xi32, #tpu.memory_space<hbm>>
      %dma_wait3A_98 = arith.constant 0 : i32
      %dma_wait3A_99 = arith.constant 0 : i32
      %dma_wait3A_100 = tpu.memref_slice %arg4[%add3A, %dma_wait3A_98, %dma_wait3A_99] : memref<32x80x128xi32, #tpu.memory_space<hbm>> -> memref<1x80x128xi32, #tpu.memory_space<hbm>>
      %dma_wait3A_101 = tpu.memref_squeeze %dma_wait3A_100 : memref<1x80x128xi32, #tpu.memory_space<hbm>> -> memref<80x128xi32, #tpu.memory_space<hbm>>
      %dma_wait3A_102 = arith.constant 0 : i32
      %dma_wait3A_103 = arith.constant 0 : i32
      %dma_wait3A_104 = tpu.memref_slice %dma_wait3A_101[%dma_wait3A_102, %dma_wait3A_103] : memref<80x128xi32, #tpu.memory_space<hbm>> -> memref<40x128xi32, #tpu.memory_space<hbm>>
      tpu.wait_dma2 semaphore(%run_scoped3A : memref<!tpu.dma_semaphore, #tpu.memory_space<semaphore_mem>>) src(%dma_wait3A_104 : memref<40x128xi32, #tpu.memory_space<hbm>>) dst(%arg8 : memref<40x128xi32, #tpu.memory_space<vmem>>)
      tpu.yield
    }) : () -> ()
    %dma_start3A = arith.constant 0 : i32
    %dma_start3A_3 = arith.constant 0 : i32
    %dma_start3A_4 = arith.constant 0 : i32
    %dma_start3A_5 = tpu.memref_slice %arg9[%dma_start3A_3, %dma_start3A_4] : memref<256x128xf32, #tpu.memory_space<vmem>> -> memref<128x128xf32, #tpu.memory_space<vmem>>
    %dma_start3A_6 = arith.constant 0 : i32
    %dma_start3A_7 = tpu.memref_slice %arg7[%dma_start3A, %dma_start3A_6] : memref<40x128xi32, #tpu.memory_space<vmem>> -> memref<1x128xi32, #tpu.memory_space<vmem>>
    %dma_start3A_8 = tpu.memref_squeeze %dma_start3A_7 : memref<1x128xi32, #tpu.memory_space<vmem>> -> memref<128xi32, #tpu.memory_space<vmem>>
    %dma_start3A_9 = arith.constant 0 : i32
    %dma_start3A_10 = arith.constant 0 : i32
    %dma_start3A_11 = tpu.memref_slice %arg2[%dma_start3A_9, %dma_start3A_10] : memref<10000x128xf32, #tpu.memory_space<hbm>> -> memref<10000x128xf32, #tpu.memory_space<hbm>>
    tpu.enqueue_indirect_dma source(%dma_start3A_11 : memref<10000x128xf32, #tpu.memory_space<hbm>>) target(%dma_start3A_5 : memref<128x128xf32, #tpu.memory_space<vmem>>) offsets(%dma_start3A_8 : memref<128xi32, #tpu.memory_space<vmem>>) semaphore(%arg11 : memref<!tpu.dma_semaphore, #tpu.memory_space<semaphore_mem>>)
    %scan3A = arith.constant 0 : i32
    %scan3A_12 = arith.constant 0 : i32
    %scan3A_13 = arith.constant 40 : i32
    %scan3A_14 = arith.addi %scan3A_12, %scan3A_13 : i32
    %scan3A_15 = arith.constant 1 : i32
    scf.for %scan3A_77 = %scan3A_12 to %scan3A_14 step %scan3A_15  : i32 {
      %jit3A = arith.constant 2 : i32
      %eq3A = arith.constant 0 : i32
      %eq3A_78 = arith.cmpi eq, %jit3A, %eq3A : i32
      %jit3A_79 = arith.constant 1 : i32
      %select_n3A = arith.select %eq3A_78, %jit3A_79, %jit3A : i32
      %rem3A = arith.remsi %scan3A_77, %select_n3A : i32
      %ne3A = arith.constant 0 : i32
      %ne3A_80 = arith.cmpi ne, %rem3A, %ne3A : i32
      %lt3A = arith.constant 0 : i32
      %lt3A_81 = arith.cmpi slt, %rem3A, %lt3A : i32
      %lt3A_82 = arith.constant 0 : i32
      %lt3A_83 = arith.cmpi slt, %select_n3A, %lt3A_82 : i32
      %ne3A_84 = arith.xori %lt3A_81, %lt3A_83 : i1
      %and3A = arith.andi %ne3A_84, %ne3A_80 : i1
      %add3A_85 = arith.addi %rem3A, %select_n3A : i32
      %select_n3A_86 = arith.select %and3A, %add3A_85, %rem3A : i32
      %mul3A_87 = arith.constant 128 : i32
      %mul3A_88 = arith.muli %select_n3A_86, %mul3A_87 : i32
      %add3A_89 = arith.constant 1 : i32
      %add3A_90 = arith.addi %scan3A_77, %add3A_89 : i32
      %lt3A_91 = arith.constant 40 : i32
      %lt3A_92 = arith.cmpi slt, %add3A_90, %lt3A_91 : i32
      %convert_element_type3A = arith.extui %lt3A_92 : i1 to i32
      %cond3A = arith.constant 0 : i32
      %cond3A_93 = arith.cmpi ne, %convert_element_type3A, %cond3A : i32
      scf.if %cond3A_93 {
        %sub3A = arith.constant 128 : i32
        %sub3A_110 = arith.subi %sub3A, %mul3A_88 : i32
        %ge3A = arith.constant 1 : i32
        %ge3A_111 = arith.cmpi sge, %scan3A_77, %ge3A : i32
        %convert_element_type3A_112 = arith.extui %ge3A_111 : i1 to i32
        %cond3A_113 = arith.constant 0 : i32
        %cond3A_114 = arith.cmpi ne, %convert_element_type3A_112, %cond3A_113 : i32
        scf.if %cond3A_114 {
          %dma_wait3A_125 = arith.constant 0 : i32
          %dma_wait3A_126 = tpu.memref_slice %arg9[%sub3A_110, %dma_wait3A_125] : memref<256x128xf32, #tpu.memory_space<vmem>> -> memref<128x128xf32, #tpu.memory_space<vmem>>
          %dma_wait3A_127 = arith.constant 0 : i32
          %dma_wait3A_128 = tpu.memref_slice %arg8[%scan3A_77, %dma_wait3A_127] : memref<40x128xi32, #tpu.memory_space<vmem>> -> memref<1x128xi32, #tpu.memory_space<vmem>>
          %dma_wait3A_129 = tpu.memref_squeeze %dma_wait3A_128 : memref<1x128xi32, #tpu.memory_space<vmem>> -> memref<128xi32, #tpu.memory_space<vmem>>
          %dma_wait3A_130 = arith.constant 0 : i32
          %dma_wait3A_131 = arith.constant 0 : i32
          %dma_wait3A_132 = tpu.memref_slice %arg10[%dma_wait3A_130, %dma_wait3A_131] : memref<10112x128xf32, #tpu.memory_space<vmem_shared>> -> memref<10112x128xf32, #tpu.memory_space<vmem_shared>>
          tpu.wait_indirect_dma semaphore(%arg12 : memref<!tpu.dma_semaphore, #tpu.memory_space<semaphore_mem>>) src(%dma_wait3A_126 : memref<128x128xf32, #tpu.memory_space<vmem>>) dst(%dma_wait3A_132 : memref<10112x128xf32, #tpu.memory_space<vmem_shared>>)
        } else {
        }
        %add3A_115 = arith.constant 1 : i32
        %add3A_116 = arith.addi %scan3A_77, %add3A_115 : i32
        %dma_start3A_117 = arith.constant 0 : i32
        %dma_start3A_118 = tpu.memref_slice %arg9[%sub3A_110, %dma_start3A_117] : memref<256x128xf32, #tpu.memory_space<vmem>> -> memref<128x128xf32, #tpu.memory_space<vmem>>
        %dma_start3A_119 = arith.constant 0 : i32
        %dma_start3A_120 = tpu.memref_slice %arg7[%add3A_116, %dma_start3A_119] : memref<40x128xi32, #tpu.memory_space<vmem>> -> memref<1x128xi32, #tpu.memory_space<vmem>>
        %dma_start3A_121 = tpu.memref_squeeze %dma_start3A_120 : memref<1x128xi32, #tpu.memory_space<vmem>> -> memref<128xi32, #tpu.memory_space<vmem>>
        %dma_start3A_122 = arith.constant 0 : i32
        %dma_start3A_123 = arith.constant 0 : i32
        %dma_start3A_124 = tpu.memref_slice %arg2[%dma_start3A_122, %dma_start3A_123] : memref<10000x128xf32, #tpu.memory_space<hbm>> -> memref<10000x128xf32, #tpu.memory_space<hbm>>
        tpu.enqueue_indirect_dma source(%dma_start3A_124 : memref<10000x128xf32, #tpu.memory_space<hbm>>) target(%dma_start3A_118 : memref<128x128xf32, #tpu.memory_space<vmem>>) offsets(%dma_start3A_121 : memref<128xi32, #tpu.memory_space<vmem>>) semaphore(%arg11 : memref<!tpu.dma_semaphore, #tpu.memory_space<semaphore_mem>>)
      } else {
      }
      %dma_wait3A_94 = arith.constant 0 : i32
      %dma_wait3A_95 = tpu.memref_slice %arg9[%mul3A_88, %dma_wait3A_94] : memref<256x128xf32, #tpu.memory_space<vmem>> -> memref<128x128xf32, #tpu.memory_space<vmem>>
      %dma_wait3A_96 = arith.constant 0 : i32
      %dma_wait3A_97 = tpu.memref_slice %arg7[%scan3A_77, %dma_wait3A_96] : memref<40x128xi32, #tpu.memory_space<vmem>> -> memref<1x128xi32, #tpu.memory_space<vmem>>
      %dma_wait3A_98 = tpu.memref_squeeze %dma_wait3A_97 : memref<1x128xi32, #tpu.memory_space<vmem>> -> memref<128xi32, #tpu.memory_space<vmem>>
      %dma_wait3A_99 = arith.constant 0 : i32
      %dma_wait3A_100 = arith.constant 0 : i32
      %dma_wait3A_101 = tpu.memref_slice %arg2[%dma_wait3A_99, %dma_wait3A_100] : memref<10000x128xf32, #tpu.memory_space<hbm>> -> memref<10000x128xf32, #tpu.memory_space<hbm>>
      tpu.wait_indirect_dma semaphore(%arg11 : memref<!tpu.dma_semaphore, #tpu.memory_space<semaphore_mem>>) src(%dma_wait3A_101 : memref<10000x128xf32, #tpu.memory_space<hbm>>) dst(%dma_wait3A_95 : memref<128x128xf32, #tpu.memory_space<vmem>>)
      %dma_start3A_102 = arith.constant 0 : i32
      %dma_start3A_103 = tpu.memref_slice %arg9[%mul3A_88, %dma_start3A_102] : memref<256x128xf32, #tpu.memory_space<vmem>> -> memref<128x128xf32, #tpu.memory_space<vmem>>
      %dma_start3A_104 = arith.constant 0 : i32
      %dma_start3A_105 = tpu.memref_slice %arg8[%scan3A_77, %dma_start3A_104] : memref<40x128xi32, #tpu.memory_space<vmem>> -> memref<1x128xi32, #tpu.memory_space<vmem>>
      %dma_start3A_106 = tpu.memref_squeeze %dma_start3A_105 : memref<1x128xi32, #tpu.memory_space<vmem>> -> memref<128xi32, #tpu.memory_space<vmem>>
      %dma_start3A_107 = arith.constant 0 : i32
      %dma_start3A_108 = arith.constant 0 : i32
      %dma_start3A_109 = tpu.memref_slice %arg10[%dma_start3A_107, %dma_start3A_108] : memref<10112x128xf32, #tpu.memory_space<vmem_shared>> -> memref<10112x128xf32, #tpu.memory_space<vmem_shared>>
      tpu.enqueue_indirect_dma source(%dma_start3A_103 : memref<128x128xf32, #tpu.memory_space<vmem>>) target(%dma_start3A_109 : memref<10112x128xf32, #tpu.memory_space<vmem_shared>>) offsets(%dma_start3A_106 : memref<128xi32, #tpu.memory_space<vmem>>) semaphore(%arg12 : memref<!tpu.dma_semaphore, #tpu.memory_space<semaphore_mem>>) {add = true}
    }
    %scan3A_16 = arith.constant 40 : i32
    %dma_wait3A = arith.constant 0 : i32
    %dma_wait3A_17 = arith.constant 0 : i32
    %dma_wait3A_18 = arith.constant 0 : i32
    %dma_wait3A_19 = tpu.memref_slice %arg9[%dma_wait3A_17, %dma_wait3A_18] : memref<256x128xf32, #tpu.memory_space<vmem>> -> memref<128x128xf32, #tpu.memory_space<vmem>>
    %dma_wait3A_20 = arith.constant 0 : i32
    %dma_wait3A_21 = tpu.memref_slice %arg8[%dma_wait3A, %dma_wait3A_20] : memref<40x128xi32, #tpu.memory_space<vmem>> -> memref<1x128xi32, #tpu.memory_space<vmem>>
    %dma_wait3A_22 = tpu.memref_squeeze %dma_wait3A_21 : memref<1x128xi32, #tpu.memory_space<vmem>> -> memref<128xi32, #tpu.memory_space<vmem>>
    %dma_wait3A_23 = arith.constant 0 : i32
    %dma_wait3A_24 = arith.constant 0 : i32
    %dma_wait3A_25 = tpu.memref_slice %arg10[%dma_wait3A_23, %dma_wait3A_24] : memref<10112x128xf32, #tpu.memory_space<vmem_shared>> -> memref<10112x128xf32, #tpu.memory_space<vmem_shared>>
    tpu.wait_indirect_dma semaphore(%arg12 : memref<!tpu.dma_semaphore, #tpu.memory_space<semaphore_mem>>) src(%dma_wait3A_19 : memref<128x128xf32, #tpu.memory_space<vmem>>) dst(%dma_wait3A_25 : memref<10112x128xf32, #tpu.memory_space<vmem_shared>>)
    %dma_wait3A_26 = arith.constant 0 : i32
    %dma_wait3A_27 = arith.constant 0 : i32
    %dma_wait3A_28 = arith.constant 0 : i32
    %dma_wait3A_29 = tpu.memref_slice %arg9[%dma_wait3A_27, %dma_wait3A_28] : memref<256x128xf32, #tpu.memory_space<vmem>> -> memref<128x128xf32, #tpu.memory_space<vmem>>
    %dma_wait3A_30 = arith.constant 0 : i32
    %dma_wait3A_31 = tpu.memref_slice %arg8[%dma_wait3A_26, %dma_wait3A_30] : memref<40x128xi32, #tpu.memory_space<vmem>> -> memref<1x128xi32, #tpu.memory_space<vmem>>
    %dma_wait3A_32 = tpu.memref_squeeze %dma_wait3A_31 : memref<1x128xi32, #tpu.memory_space<vmem>> -> memref<128xi32, #tpu.memory_space<vmem>>
    %dma_wait3A_33 = arith.constant 0 : i32
    %dma_wait3A_34 = arith.constant 0 : i32
    %dma_wait3A_35 = tpu.memref_slice %arg10[%dma_wait3A_33, %dma_wait3A_34] : memref<10112x128xf32, #tpu.memory_space<vmem_shared>> -> memref<10112x128xf32, #tpu.memory_space<vmem_shared>>
    tpu.wait_indirect_dma semaphore(%arg12 : memref<!tpu.dma_semaphore, #tpu.memory_space<semaphore_mem>>) src(%dma_wait3A_29 : memref<128x128xf32, #tpu.memory_space<vmem>>) dst(%dma_wait3A_35 : memref<10112x128xf32, #tpu.memory_space<vmem_shared>>)
    "tpu.region"() ({
      %run_scoped3A = tpu.sem_alloc : memref<!tpu.dma_semaphore, #tpu.memory_space<semaphore_mem>>
      %dma_start3A_77 = arith.constant 0 : i32
      %dma_start3A_78 = arith.constant 0 : i32
      %dma_start3A_79 = tpu.memref_slice %arg3[%add3A, %dma_start3A_77, %dma_start3A_78] : memref<32x80x128xi32, #tpu.memory_space<hbm>> -> memref<1x80x128xi32, #tpu.memory_space<hbm>>
      %dma_start3A_80 = tpu.memref_squeeze %dma_start3A_79 : memref<1x80x128xi32, #tpu.memory_space<hbm>> -> memref<80x128xi32, #tpu.memory_space<hbm>>
      %dma_start3A_81 = arith.constant 40 : i32
      %dma_start3A_82 = arith.constant 0 : i32
      %dma_start3A_83 = tpu.memref_slice %dma_start3A_80[%dma_start3A_81, %dma_start3A_82] : memref<80x128xi32, #tpu.memory_space<hbm>> -> memref<40x128xi32, #tpu.memory_space<hbm>>
      %dma_start3A_84 = arith.constant 0 : i32
      %dma_start3A_85 = arith.constant 0 : i32
      %dma_start3A_86 = tpu.memref_slice %arg3[%add3A, %dma_start3A_84, %dma_start3A_85] : memref<32x80x128xi32, #tpu.memory_space<hbm>> -> memref<1x80x128xi32, #tpu.memory_space<hbm>>
      %dma_start3A_87 = tpu.memref_squeeze %dma_start3A_86 : memref<1x80x128xi32, #tpu.memory_space<hbm>> -> memref<80x128xi32, #tpu.memory_space<hbm>>
      %dma_start3A_88 = arith.constant 40 : i32
      %dma_start3A_89 = arith.constant 0 : i32
      %dma_start3A_90 = tpu.memref_slice %dma_start3A_87[%dma_start3A_88, %dma_start3A_89] : memref<80x128xi32, #tpu.memory_space<hbm>> -> memref<40x128xi32, #tpu.memory_space<hbm>>
      tpu.enqueue_dma source(%dma_start3A_90 : memref<40x128xi32, #tpu.memory_space<hbm>>) target(%arg7 : memref<40x128xi32, #tpu.memory_space<vmem>>) target_semaphore(%run_scoped3A : memref<!tpu.dma_semaphore, #tpu.memory_space<semaphore_mem>>)
      %dma_wait3A_91 = arith.constant 0 : i32
      %dma_wait3A_92 = arith.constant 0 : i32
      %dma_wait3A_93 = tpu.memref_slice %arg3[%add3A, %dma_wait3A_91, %dma_wait3A_92] : memref<32x80x128xi32, #tpu.memory_space<hbm>> -> memref<1x80x128xi32, #tpu.memory_space<hbm>>
      %dma_wait3A_94 = tpu.memref_squeeze %dma_wait3A_93 : memref<1x80x128xi32, #tpu.memory_space<hbm>> -> memref<80x128xi32, #tpu.memory_space<hbm>>
      %dma_wait3A_95 = arith.constant 40 : i32
      %dma_wait3A_96 = arith.constant 0 : i32
      %dma_wait3A_97 = tpu.memref_slice %dma_wait3A_94[%dma_wait3A_95, %dma_wait3A_96] : memref<80x128xi32, #tpu.memory_space<hbm>> -> memref<40x128xi32, #tpu.memory_space<hbm>>
      %dma_wait3A_98 = arith.constant 0 : i32
      %dma_wait3A_99 = arith.constant 0 : i32
      %dma_wait3A_100 = tpu.memref_slice %arg3[%add3A, %dma_wait3A_98, %dma_wait3A_99] : memref<32x80x128xi32, #tpu.memory_space<hbm>> -> memref<1x80x128xi32, #tpu.memory_space<hbm>>
      %dma_wait3A_101 = tpu.memref_squeeze %dma_wait3A_100 : memref<1x80x128xi32, #tpu.memory_space<hbm>> -> memref<80x128xi32, #tpu.memory_space<hbm>>
      %dma_wait3A_102 = arith.constant 40 : i32
      %dma_wait3A_103 = arith.constant 0 : i32
      %dma_wait3A_104 = tpu.memref_slice %dma_wait3A_101[%dma_wait3A_102, %dma_wait3A_103] : memref<80x128xi32, #tpu.memory_space<hbm>> -> memref<40x128xi32, #tpu.memory_space<hbm>>
      tpu.wait_dma2 semaphore(%run_scoped3A : memref<!tpu.dma_semaphore, #tpu.memory_space<semaphore_mem>>) src(%dma_wait3A_104 : memref<40x128xi32, #tpu.memory_space<hbm>>) dst(%arg7 : memref<40x128xi32, #tpu.memory_space<vmem>>)
      tpu.yield
    }) : () -> ()
    "tpu.region"() ({
      %run_scoped3A = tpu.sem_alloc : memref<!tpu.dma_semaphore, #tpu.memory_space<semaphore_mem>>
      %dma_start3A_77 = arith.constant 0 : i32
      %dma_start3A_78 = arith.constant 0 : i32
      %dma_start3A_79 = tpu.memref_slice %arg4[%add3A, %dma_start3A_77, %dma_start3A_78] : memref<32x80x128xi32, #tpu.memory_space<hbm>> -> memref<1x80x128xi32, #tpu.memory_space<hbm>>
      %dma_start3A_80 = tpu.memref_squeeze %dma_start3A_79 : memref<1x80x128xi32, #tpu.memory_space<hbm>> -> memref<80x128xi32, #tpu.memory_space<hbm>>
      %dma_start3A_81 = arith.constant 40 : i32
      %dma_start3A_82 = arith.constant 0 : i32
      %dma_start3A_83 = tpu.memref_slice %dma_start3A_80[%dma_start3A_81, %dma_start3A_82] : memref<80x128xi32, #tpu.memory_space<hbm>> -> memref<40x128xi32, #tpu.memory_space<hbm>>
      %dma_start3A_84 = arith.constant 0 : i32
      %dma_start3A_85 = arith.constant 0 : i32
      %dma_start3A_86 = tpu.memref_slice %arg4[%add3A, %dma_start3A_84, %dma_start3A_85] : memref<32x80x128xi32, #tpu.memory_space<hbm>> -> memref<1x80x128xi32, #tpu.memory_space<hbm>>
      %dma_start3A_87 = tpu.memref_squeeze %dma_start3A_86 : memref<1x80x128xi32, #tpu.memory_space<hbm>> -> memref<80x128xi32, #tpu.memory_space<hbm>>
      %dma_start3A_88 = arith.constant 40 : i32
      %dma_start3A_89 = arith.constant 0 : i32
      %dma_start3A_90 = tpu.memref_slice %dma_start3A_87[%dma_start3A_88, %dma_start3A_89] : memref<80x128xi32, #tpu.memory_space<hbm>> -> memref<40x128xi32, #tpu.memory_space<hbm>>
      tpu.enqueue_dma source(%dma_start3A_90 : memref<40x128xi32, #tpu.memory_space<hbm>>) target(%arg8 : memref<40x128xi32, #tpu.memory_space<vmem>>) target_semaphore(%run_scoped3A : memref<!tpu.dma_semaphore, #tpu.memory_space<semaphore_mem>>)
      %dma_wait3A_91 = arith.constant 0 : i32
      %dma_wait3A_92 = arith.constant 0 : i32
      %dma_wait3A_93 = tpu.memref_slice %arg4[%add3A, %dma_wait3A_91, %dma_wait3A_92] : memref<32x80x128xi32, #tpu.memory_space<hbm>> -> memref<1x80x128xi32, #tpu.memory_space<hbm>>
      %dma_wait3A_94 = tpu.memref_squeeze %dma_wait3A_93 : memref<1x80x128xi32, #tpu.memory_space<hbm>> -> memref<80x128xi32, #tpu.memory_space<hbm>>
      %dma_wait3A_95 = arith.constant 40 : i32
      %dma_wait3A_96 = arith.constant 0 : i32
      %dma_wait3A_97 = tpu.memref_slice %dma_wait3A_94[%dma_wait3A_95, %dma_wait3A_96] : memref<80x128xi32, #tpu.memory_space<hbm>> -> memref<40x128xi32, #tpu.memory_space<hbm>>
      %dma_wait3A_98 = arith.constant 0 : i32
      %dma_wait3A_99 = arith.constant 0 : i32
      %dma_wait3A_100 = tpu.memref_slice %arg4[%add3A, %dma_wait3A_98, %dma_wait3A_99] : memref<32x80x128xi32, #tpu.memory_space<hbm>> -> memref<1x80x128xi32, #tpu.memory_space<hbm>>
      %dma_wait3A_101 = tpu.memref_squeeze %dma_wait3A_100 : memref<1x80x128xi32, #tpu.memory_space<hbm>> -> memref<80x128xi32, #tpu.memory_space<hbm>>
      %dma_wait3A_102 = arith.constant 40 : i32
      %dma_wait3A_103 = arith.constant 0 : i32
      %dma_wait3A_104 = tpu.memref_slice %dma_wait3A_101[%dma_wait3A_102, %dma_wait3A_103] : memref<80x128xi32, #tpu.memory_space<hbm>> -> memref<40x128xi32, #tpu.memory_space<hbm>>
      tpu.wait_dma2 semaphore(%run_scoped3A : memref<!tpu.dma_semaphore, #tpu.memory_space<semaphore_mem>>) src(%dma_wait3A_104 : memref<40x128xi32, #tpu.memory_space<hbm>>) dst(%arg8 : memref<40x128xi32, #tpu.memory_space<vmem>>)
      tpu.yield
    }) : () -> ()
    %dma_start3A_36 = arith.constant 0 : i32
    %dma_start3A_37 = arith.constant 0 : i32
    %dma_start3A_38 = arith.constant 0 : i32
    %dma_start3A_39 = tpu.memref_slice %arg9[%dma_start3A_37, %dma_start3A_38] : memref<256x128xf32, #tpu.memory_space<vmem>> -> memref<128x128xf32, #tpu.memory_space<vmem>>
    %dma_start3A_40 = arith.constant 0 : i32
    %dma_start3A_41 = tpu.memref_slice %arg7[%dma_start3A_36, %dma_start3A_40] : memref<40x128xi32, #tpu.memory_space<vmem>> -> memref<1x128xi32, #tpu.memory_space<vmem>>
    %dma_start3A_42 = tpu.memref_squeeze %dma_start3A_41 : memref<1x128xi32, #tpu.memory_space<vmem>> -> memref<128xi32, #tpu.memory_space<vmem>>
    %dma_start3A_43 = arith.constant 0 : i32
    %dma_start3A_44 = arith.constant 0 : i32
    %dma_start3A_45 = tpu.memref_slice %arg2[%dma_start3A_43, %dma_start3A_44] : memref<10000x128xf32, #tpu.memory_space<hbm>> -> memref<10000x128xf32, #tpu.memory_space<hbm>>
    tpu.enqueue_indirect_dma source(%dma_start3A_45 : memref<10000x128xf32, #tpu.memory_space<hbm>>) target(%dma_start3A_39 : memref<128x128xf32, #tpu.memory_space<vmem>>) offsets(%dma_start3A_42 : memref<128xi32, #tpu.memory_space<vmem>>) semaphore(%arg11 : memref<!tpu.dma_semaphore, #tpu.memory_space<semaphore_mem>>)
    %scan3A_46 = arith.constant 0 : i32
    %scan3A_47 = arith.constant 0 : i32
    %scan3A_48 = arith.constant 40 : i32
    %scan3A_49 = arith.addi %scan3A_47, %scan3A_48 : i32
    %scan3A_50 = arith.constant 1 : i32
    scf.for %scan3A_77 = %scan3A_47 to %scan3A_49 step %scan3A_50  : i32 {
      %jit3A = arith.constant 2 : i32
      %eq3A = arith.constant 0 : i32
      %eq3A_78 = arith.cmpi eq, %jit3A, %eq3A : i32
      %jit3A_79 = arith.constant 1 : i32
      %select_n3A = arith.select %eq3A_78, %jit3A_79, %jit3A : i32
      %rem3A = arith.remsi %scan3A_77, %select_n3A : i32
      %ne3A = arith.constant 0 : i32
      %ne3A_80 = arith.cmpi ne, %rem3A, %ne3A : i32
      %lt3A = arith.constant 0 : i32
      %lt3A_81 = arith.cmpi slt, %rem3A, %lt3A : i32
      %lt3A_82 = arith.constant 0 : i32
      %lt3A_83 = arith.cmpi slt, %select_n3A, %lt3A_82 : i32
      %ne3A_84 = arith.xori %lt3A_81, %lt3A_83 : i1
      %and3A = arith.andi %ne3A_84, %ne3A_80 : i1
      %add3A_85 = arith.addi %rem3A, %select_n3A : i32
      %select_n3A_86 = arith.select %and3A, %add3A_85, %rem3A : i32
      %mul3A_87 = arith.constant 128 : i32
      %mul3A_88 = arith.muli %select_n3A_86, %mul3A_87 : i32
      %add3A_89 = arith.constant 1 : i32
      %add3A_90 = arith.addi %scan3A_77, %add3A_89 : i32
      %lt3A_91 = arith.constant 40 : i32
      %lt3A_92 = arith.cmpi slt, %add3A_90, %lt3A_91 : i32
      %convert_element_type3A = arith.extui %lt3A_92 : i1 to i32
      %cond3A = arith.constant 0 : i32
      %cond3A_93 = arith.cmpi ne, %convert_element_type3A, %cond3A : i32
      scf.if %cond3A_93 {
        %sub3A = arith.constant 128 : i32
        %sub3A_110 = arith.subi %sub3A, %mul3A_88 : i32
        %ge3A = arith.constant 1 : i32
        %ge3A_111 = arith.cmpi sge, %scan3A_77, %ge3A : i32
        %convert_element_type3A_112 = arith.extui %ge3A_111 : i1 to i32
        %cond3A_113 = arith.constant 0 : i32
        %cond3A_114 = arith.cmpi ne, %convert_element_type3A_112, %cond3A_113 : i32
        scf.if %cond3A_114 {
          %dma_wait3A_125 = arith.constant 0 : i32
          %dma_wait3A_126 = tpu.memref_slice %arg9[%sub3A_110, %dma_wait3A_125] : memref<256x128xf32, #tpu.memory_space<vmem>> -> memref<128x128xf32, #tpu.memory_space<vmem>>
          %dma_wait3A_127 = arith.constant 0 : i32
          %dma_wait3A_128 = tpu.memref_slice %arg8[%scan3A_77, %dma_wait3A_127] : memref<40x128xi32, #tpu.memory_space<vmem>> -> memref<1x128xi32, #tpu.memory_space<vmem>>
          %dma_wait3A_129 = tpu.memref_squeeze %dma_wait3A_128 : memref<1x128xi32, #tpu.memory_space<vmem>> -> memref<128xi32, #tpu.memory_space<vmem>>
          %dma_wait3A_130 = arith.constant 0 : i32
          %dma_wait3A_131 = arith.constant 0 : i32
          %dma_wait3A_132 = tpu.memref_slice %arg10[%dma_wait3A_130, %dma_wait3A_131] : memref<10112x128xf32, #tpu.memory_space<vmem_shared>> -> memref<10112x128xf32, #tpu.memory_space<vmem_shared>>
          tpu.wait_indirect_dma semaphore(%arg12 : memref<!tpu.dma_semaphore, #tpu.memory_space<semaphore_mem>>) src(%dma_wait3A_126 : memref<128x128xf32, #tpu.memory_space<vmem>>) dst(%dma_wait3A_132 : memref<10112x128xf32, #tpu.memory_space<vmem_shared>>)
        } else {
        }
        %add3A_115 = arith.constant 1 : i32
        %add3A_116 = arith.addi %scan3A_77, %add3A_115 : i32
        %dma_start3A_117 = arith.constant 0 : i32
        %dma_start3A_118 = tpu.memref_slice %arg9[%sub3A_110, %dma_start3A_117] : memref<256x128xf32, #tpu.memory_space<vmem>> -> memref<128x128xf32, #tpu.memory_space<vmem>>
        %dma_start3A_119 = arith.constant 0 : i32
        %dma_start3A_120 = tpu.memref_slice %arg7[%add3A_116, %dma_start3A_119] : memref<40x128xi32, #tpu.memory_space<vmem>> -> memref<1x128xi32, #tpu.memory_space<vmem>>
        %dma_start3A_121 = tpu.memref_squeeze %dma_start3A_120 : memref<1x128xi32, #tpu.memory_space<vmem>> -> memref<128xi32, #tpu.memory_space<vmem>>
        %dma_start3A_122 = arith.constant 0 : i32
        %dma_start3A_123 = arith.constant 0 : i32
        %dma_start3A_124 = tpu.memref_slice %arg2[%dma_start3A_122, %dma_start3A_123] : memref<10000x128xf32, #tpu.memory_space<hbm>> -> memref<10000x128xf32, #tpu.memory_space<hbm>>
        tpu.enqueue_indirect_dma source(%dma_start3A_124 : memref<10000x128xf32, #tpu.memory_space<hbm>>) target(%dma_start3A_118 : memref<128x128xf32, #tpu.memory_space<vmem>>) offsets(%dma_start3A_121 : memref<128xi32, #tpu.memory_space<vmem>>) semaphore(%arg11 : memref<!tpu.dma_semaphore, #tpu.memory_space<semaphore_mem>>)
      } else {
      }
      %dma_wait3A_94 = arith.constant 0 : i32
      %dma_wait3A_95 = tpu.memref_slice %arg9[%mul3A_88, %dma_wait3A_94] : memref<256x128xf32, #tpu.memory_space<vmem>> -> memref<128x128xf32, #tpu.memory_space<vmem>>
      %dma_wait3A_96 = arith.constant 0 : i32
      %dma_wait3A_97 = tpu.memref_slice %arg7[%scan3A_77, %dma_wait3A_96] : memref<40x128xi32, #tpu.memory_space<vmem>> -> memref<1x128xi32, #tpu.memory_space<vmem>>
      %dma_wait3A_98 = tpu.memref_squeeze %dma_wait3A_97 : memref<1x128xi32, #tpu.memory_space<vmem>> -> memref<128xi32, #tpu.memory_space<vmem>>
      %dma_wait3A_99 = arith.constant 0 : i32
      %dma_wait3A_100 = arith.constant 0 : i32
      %dma_wait3A_101 = tpu.memref_slice %arg2[%dma_wait3A_99, %dma_wait3A_100] : memref<10000x128xf32, #tpu.memory_space<hbm>> -> memref<10000x128xf32, #tpu.memory_space<hbm>>
      tpu.wait_indirect_dma semaphore(%arg11 : memref<!tpu.dma_semaphore, #tpu.memory_space<semaphore_mem>>) src(%dma_wait3A_101 : memref<10000x128xf32, #tpu.memory_space<hbm>>) dst(%dma_wait3A_95 : memref<128x128xf32, #tpu.memory_space<vmem>>)
      %dma_start3A_102 = arith.constant 0 : i32
      %dma_start3A_103 = tpu.memref_slice %arg9[%mul3A_88, %dma_start3A_102] : memref<256x128xf32, #tpu.memory_space<vmem>> -> memref<128x128xf32, #tpu.memory_space<vmem>>
      %dma_start3A_104 = arith.constant 0 : i32
      %dma_start3A_105 = tpu.memref_slice %arg8[%scan3A_77, %dma_start3A_104] : memref<40x128xi32, #tpu.memory_space<vmem>> -> memref<1x128xi32, #tpu.memory_space<vmem>>
      %dma_start3A_106 = tpu.memref_squeeze %dma_start3A_105 : memref<1x128xi32, #tpu.memory_space<vmem>> -> memref<128xi32, #tpu.memory_space<vmem>>
      %dma_start3A_107 = arith.constant 0 : i32
      %dma_start3A_108 = arith.constant 0 : i32
      %dma_start3A_109 = tpu.memref_slice %arg10[%dma_start3A_107, %dma_start3A_108] : memref<10112x128xf32, #tpu.memory_space<vmem_shared>> -> memref<10112x128xf32, #tpu.memory_space<vmem_shared>>
      tpu.enqueue_indirect_dma source(%dma_start3A_103 : memref<128x128xf32, #tpu.memory_space<vmem>>) target(%dma_start3A_109 : memref<10112x128xf32, #tpu.memory_space<vmem_shared>>) offsets(%dma_start3A_106 : memref<128xi32, #tpu.memory_space<vmem>>) semaphore(%arg12 : memref<!tpu.dma_semaphore, #tpu.memory_space<semaphore_mem>>) {add = true}
    }
    %scan3A_51 = arith.constant 40 : i32
    %dma_wait3A_52 = arith.constant 0 : i32
    %dma_wait3A_53 = arith.constant 0 : i32
    %dma_wait3A_54 = arith.constant 0 : i32
    %dma_wait3A_55 = tpu.memref_slice %arg9[%dma_wait3A_53, %dma_wait3A_54] : memref<256x128xf32, #tpu.memory_space<vmem>> -> memref<128x128xf32, #tpu.memory_space<vmem>>
    %dma_wait3A_56 = arith.constant 0 : i32
    %dma_wait3A_57 = tpu.memref_slice %arg8[%dma_wait3A_52, %dma_wait3A_56] : memref<40x128xi32, #tpu.memory_space<vmem>> -> memref<1x128xi32, #tpu.memory_space<vmem>>
    %dma_wait3A_58 = tpu.memref_squeeze %dma_wait3A_57 : memref<1x128xi32, #tpu.memory_space<vmem>> -> memref<128xi32, #tpu.memory_space<vmem>>
    %dma_wait3A_59 = arith.constant 0 : i32
    %dma_wait3A_60 = arith.constant 0 : i32
    %dma_wait3A_61 = tpu.memref_slice %arg10[%dma_wait3A_59, %dma_wait3A_60] : memref<10112x128xf32, #tpu.memory_space<vmem_shared>> -> memref<10112x128xf32, #tpu.memory_space<vmem_shared>>
    tpu.wait_indirect_dma semaphore(%arg12 : memref<!tpu.dma_semaphore, #tpu.memory_space<semaphore_mem>>) src(%dma_wait3A_55 : memref<128x128xf32, #tpu.memory_space<vmem>>) dst(%dma_wait3A_61 : memref<10112x128xf32, #tpu.memory_space<vmem_shared>>)
    %dma_wait3A_62 = arith.constant 0 : i32
    %dma_wait3A_63 = arith.constant 0 : i32
    %dma_wait3A_64 = arith.constant 0 : i32
    %dma_wait3A_65 = tpu.memref_slice %arg9[%dma_wait3A_63, %dma_wait3A_64] : memref<256x128xf32, #tpu.memory_space<vmem>> -> memref<128x128xf32, #tpu.memory_space<vmem>>
    %dma_wait3A_66 = arith.constant 0 : i32
    %dma_wait3A_67 = tpu.memref_slice %arg8[%dma_wait3A_62, %dma_wait3A_66] : memref<40x128xi32, #tpu.memory_space<vmem>> -> memref<1x128xi32, #tpu.memory_space<vmem>>
    %dma_wait3A_68 = tpu.memref_squeeze %dma_wait3A_67 : memref<1x128xi32, #tpu.memory_space<vmem>> -> memref<128xi32, #tpu.memory_space<vmem>>
    %dma_wait3A_69 = arith.constant 0 : i32
    %dma_wait3A_70 = arith.constant 0 : i32
    %dma_wait3A_71 = tpu.memref_slice %arg10[%dma_wait3A_69, %dma_wait3A_70] : memref<10112x128xf32, #tpu.memory_space<vmem_shared>> -> memref<10112x128xf32, #tpu.memory_space<vmem_shared>>
    tpu.wait_indirect_dma semaphore(%arg12 : memref<!tpu.dma_semaphore, #tpu.memory_space<semaphore_mem>>) src(%dma_wait3A_65 : memref<128x128xf32, #tpu.memory_space<vmem>>) dst(%dma_wait3A_71 : memref<10112x128xf32, #tpu.memory_space<vmem_shared>>)
    %barrier3A_72 = arith.constant 0 : index
    tpu.barrier barrier_id(%barrier3A_72)
    %mul3A_73 = arith.constant 632 : i32
    %mul3A_74 = arith.muli %arg1, %mul3A_73 : i32
    %mul3A_75 = arith.constant 632 : i32
    %mul3A_76 = arith.muli %arg1, %mul3A_75 : i32
    "tpu.region"() ({
      %run_scoped3A = tpu.sem_alloc : memref<!tpu.dma_semaphore, #tpu.memory_space<semaphore_mem>>
      %dma_start3A_77 = arith.constant 0 : i32
      %dma_start3A_78 = arith.constant 0 : i32
      %dma_start3A_79 = tpu.memref_slice %arg6[%arg0, %dma_start3A_77, %dma_start3A_78] : memref<2x10112x128xf32, #tpu.memory_space<hbm>> -> memref<1x10112x128xf32, #tpu.memory_space<hbm>>
      %dma_start3A_80 = tpu.memref_squeeze %dma_start3A_79 : memref<1x10112x128xf32, #tpu.memory_space<hbm>> -> memref<10112x128xf32, #tpu.memory_space<hbm>>
      %dma_start3A_81 = arith.constant 0 : i32
      %dma_start3A_82 = tpu.memref_slice %dma_start3A_80[%mul3A_76, %dma_start3A_81] : memref<10112x128xf32, #tpu.memory_space<hbm>> -> memref<632x128xf32, #tpu.memory_space<hbm>>
      %dma_start3A_83 = arith.constant 0 : i32
      %dma_start3A_84 = tpu.memref_slice %arg10[%mul3A_74, %dma_start3A_83] : memref<10112x128xf32, #tpu.memory_space<vmem_shared>> -> memref<632x128xf32, #tpu.memory_space<vmem_shared>>
      tpu.enqueue_dma source(%dma_start3A_84 : memref<632x128xf32, #tpu.memory_space<vmem_shared>>) target(%dma_start3A_82 : memref<632x128xf32, #tpu.memory_space<hbm>>) target_semaphore(%run_scoped3A : memref<!tpu.dma_semaphore, #tpu.memory_space<semaphore_mem>>)
      %dma_wait3A_85 = arith.constant 0 : i32
      %dma_wait3A_86 = arith.constant 0 : i32
      %dma_wait3A_87 = tpu.memref_slice %arg6[%arg0, %dma_wait3A_85, %dma_wait3A_86] : memref<2x10112x128xf32, #tpu.memory_space<hbm>> -> memref<1x10112x128xf32, #tpu.memory_space<hbm>>
      %dma_wait3A_88 = tpu.memref_squeeze %dma_wait3A_87 : memref<1x10112x128xf32, #tpu.memory_space<hbm>> -> memref<10112x128xf32, #tpu.memory_space<hbm>>
      %dma_wait3A_89 = arith.constant 0 : i32
      %dma_wait3A_90 = tpu.memref_slice %dma_wait3A_88[%mul3A_76, %dma_wait3A_89] : memref<10112x128xf32, #tpu.memory_space<hbm>> -> memref<632x128xf32, #tpu.memory_space<hbm>>
      %dma_wait3A_91 = arith.constant 0 : i32
      %dma_wait3A_92 = tpu.memref_slice %arg10[%mul3A_74, %dma_wait3A_91] : memref<10112x128xf32, #tpu.memory_space<vmem_shared>> -> memref<632x128xf32, #tpu.memory_space<vmem_shared>>
      tpu.wait_dma2 semaphore(%run_scoped3A : memref<!tpu.dma_semaphore, #tpu.memory_space<semaphore_mem>>) src(%dma_wait3A_92 : memref<632x128xf32, #tpu.memory_space<vmem_shared>>) dst(%dma_wait3A_90 : memref<632x128xf32, #tpu.memory_space<hbm>>)
      tpu.yield
    }) : () -> ()
    return
  }
}

module attributes {stable_mosaic.version = 14 : i64} {
  func.func @_prep_body(%arg0: i32, %arg1: memref<2x1000x128xf32, #tpu.memory_space<vmem>>, %arg2: memref<1000x128xf32, #tpu.memory_space<vmem>>, %arg3: memref<1000x128xf32, #tpu.memory_space<vmem>>, %arg4: memref<1000x1xf32, #tpu.memory_space<vmem>>, %arg5: memref<1000x1xf32, #tpu.memory_space<vmem>>) attributes {dimension_semantics = [#tpu.dimension_semantics<arbitrary>], iteration_bounds = array<i64: 10>, scalar_prefetch = 0 : i64, scratch_operands = 0 : i64, tpu.core_type = #tpu.core_type<tc>, window_params = [{transform_indices = @transform_0, window_bounds = array<i64: 2, 1000, 128>}, {transform_indices = @transform_1, window_bounds = array<i64: 1000, 128>}, {transform_indices = @transform_2, window_bounds = array<i64: 1000, 128>}, {transform_indices = @transform_3, window_bounds = array<i64: 1000, 1>}, {transform_indices = @transform_4, window_bounds = array<i64: 1000, 1>}]} {
    %get3A = arith.constant 0 : index
    %get3A_0 = arith.constant 0 : index
    %get3A_1 = arith.constant 0 : index
    %get3A_2 = vector.load %arg1[%get3A, %get3A_0, %get3A_1] : memref<2x1000x128xf32, #tpu.memory_space<vmem>>, vector<1x1000x1xf32>
    %get3A_3 = vector.shape_cast %get3A_2 : vector<1x1000x1xf32> to vector<1000x1xf32>
    %get3A_4 = arith.constant 1 : index
    %get3A_5 = arith.constant 0 : index
    %get3A_6 = arith.constant 0 : index
    %get3A_7 = vector.load %arg1[%get3A_4, %get3A_5, %get3A_6] : memref<2x1000x128xf32, #tpu.memory_space<vmem>>, vector<1x1000x1xf32>
    %get3A_8 = vector.shape_cast %get3A_7 : vector<1x1000x1xf32> to vector<1000x1xf32>
    %add3A = arith.addf %get3A_3, %get3A_8 : vector<1000x1xf32>
    %get3A_9 = arith.constant 0 : index
    %get3A_10 = arith.constant 0 : index
    %get3A_11 = arith.constant 127 : index
    %get3A_12 = vector.load %arg1[%get3A_9, %get3A_10, %get3A_11] : memref<2x1000x128xf32, #tpu.memory_space<vmem>>, vector<1x1000x1xf32>
    %get3A_13 = vector.shape_cast %get3A_12 : vector<1x1000x1xf32> to vector<1000x1xf32>
    %get3A_14 = arith.constant 1 : index
    %get3A_15 = arith.constant 0 : index
    %get3A_16 = arith.constant 127 : index
    %get3A_17 = vector.load %arg1[%get3A_14, %get3A_15, %get3A_16] : memref<2x1000x128xf32, #tpu.memory_space<vmem>>, vector<1x1000x1xf32>
    %get3A_18 = vector.shape_cast %get3A_17 : vector<1x1000x1xf32> to vector<1000x1xf32>
    %add3A_19 = arith.addf %get3A_13, %get3A_18 : vector<1000x1xf32>
    %max3A = arith.constant 1.000000e+00 : f32
    %max3A_20 = vector.broadcast %max3A : f32 to vector<1000x1xf32>
    %max3A_21 = arith.maximumf %add3A, %max3A_20 : vector<1000x1xf32>
    %rsqrt3A = math.rsqrt %max3A_21 : vector<1000x1xf32>
    %max3A_22 = arith.constant 1.000000e+00 : f32
    %max3A_23 = vector.broadcast %max3A_22 : f32 to vector<1000x1xf32>
    %max3A_24 = arith.maximumf %add3A_19, %max3A_23 : vector<1000x1xf32>
    %rsqrt3A_25 = math.rsqrt %max3A_24 : vector<1000x1xf32>
    %swap3A = arith.constant 0 : index
    %swap3A_26 = arith.constant 0 : index
    %swap3A_27 = vector.load %arg4[%swap3A, %swap3A_26] : memref<1000x1xf32, #tpu.memory_space<vmem>>, vector<1000x1xf32>
    tpu.vector_store %arg4[%swap3A, %swap3A_26], %rsqrt3A {strides = array<i32>} : memref<1000x1xf32, #tpu.memory_space<vmem>>, vector<1000x1xf32>,
    %swap3A_28 = arith.constant 0 : index
    %swap3A_29 = arith.constant 0 : index
    %swap3A_30 = vector.load %arg5[%swap3A_28, %swap3A_29] : memref<1000x1xf32, #tpu.memory_space<vmem>>, vector<1000x1xf32>
    tpu.vector_store %arg5[%swap3A_28, %swap3A_29], %rsqrt3A_25 {strides = array<i32>} : memref<1000x1xf32, #tpu.memory_space<vmem>>, vector<1000x1xf32>,
    %get3A_31 = arith.constant 0 : index
    %get3A_32 = arith.constant 0 : index
    %get3A_33 = vector.load %arg2[%get3A_31, %get3A_32] : memref<1000x128xf32, #tpu.memory_space<vmem>>, vector<1000x128xf32>
    %mul3A = vector.broadcast %rsqrt3A : vector<1000x1xf32> to vector<1000x128xf32>
    %mul3A_34 = arith.mulf %get3A_33, %mul3A : vector<1000x128xf32>
    %swap3A_35 = arith.constant 0 : index
    %swap3A_36 = arith.constant 0 : index
    %swap3A_37 = vector.load %arg3[%swap3A_35, %swap3A_36] : memref<1000x128xf32, #tpu.memory_space<vmem>>, vector<1000x128xf32>
    tpu.vector_store %arg3[%swap3A_35, %swap3A_36], %mul3A_34 {strides = array<i32>} : memref<1000x128xf32, #tpu.memory_space<vmem>>, vector<1000x128xf32>,
    return
  }
  func.func @transform_0(%arg0: i32) -> (i32, i32, i32) {
    %c0_i32 = arith.constant 0 : i32
    %c0_i32_0 = arith.constant 0 : i32
    %c0_i32_1 = arith.constant 0 : i32
    return %c0_i32, %arg0, %c0_i32_0 : i32, i32, i32
  }
  func.func @transform_1(%arg0: i32) -> (i32, i32) {
    %c0_i32 = arith.constant 0 : i32
    %c0_i32_0 = arith.constant 0 : i32
    return %arg0, %c0_i32 : i32, i32
  }
  func.func @transform_2(%arg0: i32) -> (i32, i32) {
    %c0_i32 = arith.constant 0 : i32
    %c0_i32_0 = arith.constant 0 : i32
    return %arg0, %c0_i32 : i32, i32
  }
  func.func @transform_3(%arg0: i32) -> (i32, i32) {
    %c0_i32 = arith.constant 0 : i32
    %c0_i32_0 = arith.constant 0 : i32
    return %arg0, %c0_i32 : i32, i32
  }
  func.func @transform_4(%arg0: i32) -> (i32, i32) {
    %c0_i32 = arith.constant 0 : i32
    %c0_i32_0 = arith.constant 0 : i32
    return %arg0, %c0_i32 : i32, i32
  }
}

module attributes {stable_mosaic.version = 14 : i64} {
  func.func @_layer_body(%arg0: i32, %arg1: memref<2x1000x128xf32, #tpu.memory_space<vmem>>, %arg2: memref<1000x1xf32, #tpu.memory_space<vmem>>, %arg3: memref<1000x1xf32, #tpu.memory_space<vmem>>, %arg4: memref<128x128xf32, #tpu.memory_space<vmem>>, %arg5: memref<1x128xf32, #tpu.memory_space<vmem>>, %arg6: memref<1000x128xf32, #tpu.memory_space<vmem>>, %arg7: memref<1x128xf32, #tpu.memory_space<vmem>>, %arg8: memref<1x128xf32, #tpu.memory_space<vmem>>, %arg9: memref<1x128xf32, #tpu.memory_space<vmem>>, %arg10: memref<1x128xf32, #tpu.memory_space<vmem>>) attributes {dimension_semantics = [#tpu.dimension_semantics<arbitrary>], iteration_bounds = array<i64: 10>, scalar_prefetch = 0 : i64, scratch_operands = 2 : i64, tpu.core_type = #tpu.core_type<tc>, window_params = [{transform_indices = @transform_0, window_bounds = array<i64: 2, 1000, 128>}, {transform_indices = @transform_1, window_bounds = array<i64: 1000, 1>}, {transform_indices = @transform_2, window_bounds = array<i64: 1000, 1>}, {pipeline_mode = #tpu.pipeline_mode<synchronous>, transform_indices = @transform_3, window_bounds = array<i64: 128, 128>}, {pipeline_mode = #tpu.pipeline_mode<synchronous>, transform_indices = @transform_4, window_bounds = array<i64: 1, 128>}, {transform_indices = @transform_5, window_bounds = array<i64: 1000, 128>}, {pipeline_mode = #tpu.pipeline_mode<synchronous>, transform_indices = @transform_6, window_bounds = array<i64: 1, 128>}, {pipeline_mode = #tpu.pipeline_mode<synchronous>, transform_indices = @transform_7, window_bounds = array<i64: 1, 128>}]} {
    %get3A = arith.constant 0 : index
    %get3A_0 = arith.constant 0 : index
    %get3A_1 = arith.constant 0 : index
    %get3A_2 = vector.load %arg1[%get3A, %get3A_0, %get3A_1] : memref<2x1000x128xf32, #tpu.memory_space<vmem>>, vector<1x1000x128xf32>
    %get3A_3 = vector.shape_cast %get3A_2 : vector<1x1000x128xf32> to vector<1000x128xf32>
    %get3A_4 = arith.constant 1 : index
    %get3A_5 = arith.constant 0 : index
    %get3A_6 = arith.constant 0 : index
    %get3A_7 = vector.load %arg1[%get3A_4, %get3A_5, %get3A_6] : memref<2x1000x128xf32, #tpu.memory_space<vmem>>, vector<1x1000x128xf32>
    %get3A_8 = vector.shape_cast %get3A_7 : vector<1x1000x128xf32> to vector<1000x128xf32>
    %add3A = arith.addf %get3A_3, %get3A_8 : vector<1000x128xf32>
    %get3A_9 = arith.constant 0 : index
    %get3A_10 = arith.constant 0 : index
    %get3A_11 = vector.load %arg2[%get3A_9, %get3A_10] : memref<1000x1xf32, #tpu.memory_space<vmem>>, vector<1000x1xf32>
    %mul3A = vector.broadcast %get3A_11 : vector<1000x1xf32> to vector<1000x128xf32>
    %mul3A_12 = arith.mulf %add3A, %mul3A : vector<1000x128xf32>
    %get3A_13 = arith.constant 0 : index
    %get3A_14 = arith.constant 0 : index
    %get3A_15 = vector.load %arg4[%get3A_13, %get3A_14] : memref<128x128xf32, #tpu.memory_space<vmem>>, vector<128x128xf32>
    %dot_general3A = arith.constant dense<0.000000e+00> : vector<1000x128xf32>
    %dot_general3A_16 = tpu.matmul %mul3A_12, %get3A_15, %dot_general3A {dimension_numbers = #tpu.dot_dimension_numbers<[1], [0], [0], [1], [0, 0, 1, 1], [], []>, transpose_lhs_hint = false} : vector<1000x128xf32>, vector<128x128xf32>, vector<1000x128xf32> -> vector<1000x128xf32>
    %get3A_17 = arith.constant 0 : index
    %get3A_18 = arith.constant 0 : index
    %get3A_19 = vector.load %arg5[%get3A_17, %get3A_18] : memref<1x128xf32, #tpu.memory_space<vmem>>, vector<1x128xf32>
    %add3A_20 = vector.broadcast %get3A_19 : vector<1x128xf32> to vector<1000x128xf32>
    %add3A_21 = arith.addf %dot_general3A_16, %add3A_20 : vector<1000x128xf32>
    %max3A = arith.constant 0.000000e+00 : f32
    %max3A_22 = vector.broadcast %max3A : f32 to vector<1000x128xf32>
    %max3A_23 = arith.maximumf %add3A_21, %max3A_22 : vector<1000x128xf32>
    %get3A_24 = arith.constant 0 : index
    %get3A_25 = arith.constant 0 : index
    %get3A_26 = vector.load %arg3[%get3A_24, %get3A_25] : memref<1000x1xf32, #tpu.memory_space<vmem>>, vector<1000x1xf32>
    %mul3A_27 = vector.broadcast %get3A_26 : vector<1000x1xf32> to vector<1000x128xf32>
    %mul3A_28 = arith.mulf %max3A_23, %mul3A_27 : vector<1000x128xf32>
    %swap3A = arith.constant 0 : index
    %swap3A_29 = arith.constant 0 : index
    %swap3A_30 = vector.load %arg6[%swap3A, %swap3A_29] : memref<1000x128xf32, #tpu.memory_space<vmem>>, vector<1000x128xf32>
    tpu.vector_store %arg6[%swap3A, %swap3A_29], %mul3A_28 {strides = array<i32>} : memref<1000x128xf32, #tpu.memory_space<vmem>>, vector<1000x128xf32>,
    %reduce_sum3A = arith.constant dense<0.000000e+00> : vector<128xf32>
    %reduce_sum3A_31 = vector.multi_reduction <add>, %max3A_23, %reduce_sum3A [0] : vector<1000x128xf32> to vector<128xf32>
    %broadcast_in_dim3A = vector.shape_cast %reduce_sum3A_31 : vector<128xf32> to vector<1x128xf32>
    %reduce_max3A = arith.constant dense<0xFF800000> : vector<128xf32>
    %reduce_max3A_32 = vector.multi_reduction <maximumf>, %max3A_23, %reduce_max3A [0] : vector<1000x128xf32> to vector<128xf32>
    %broadcast_in_dim3A_33 = vector.shape_cast %reduce_max3A_32 : vector<128xf32> to vector<1x128xf32>
    %eq3A = arith.constant 0 : i32
    %eq3A_34 = arith.cmpi eq, %arg0, %eq3A : i32
    %convert_element_type3A = arith.extui %eq3A_34 : i1 to i32
    %cond3A = arith.constant 0 : i32
    %cond3A_35 = arith.cmpi ne, %convert_element_type3A, %cond3A : i32
    scf.if %cond3A_35 {
      %swap3A_45 = arith.constant 0 : index
      %swap3A_46 = arith.constant 0 : index
      %swap3A_47 = vector.load %arg9[%swap3A_45, %swap3A_46] : memref<1x128xf32, #tpu.memory_space<vmem>>, vector<1x128xf32>
      tpu.vector_store %arg9[%swap3A_45, %swap3A_46], %broadcast_in_dim3A {strides = array<i32>} : memref<1x128xf32, #tpu.memory_space<vmem>>, vector<1x128xf32>,
      %swap3A_48 = arith.constant 0 : index
      %swap3A_49 = arith.constant 0 : index
      %swap3A_50 = vector.load %arg10[%swap3A_48, %swap3A_49] : memref<1x128xf32, #tpu.memory_space<vmem>>, vector<1x128xf32>
      tpu.vector_store %arg10[%swap3A_48, %swap3A_49], %broadcast_in_dim3A_33 {strides = array<i32>} : memref<1x128xf32, #tpu.memory_space<vmem>>, vector<1x128xf32>,
    } else {
    }
    %gt3A = arith.constant 0 : i32
    %gt3A_36 = arith.cmpi sgt, %arg0, %gt3A : i32
    %convert_element_type3A_37 = arith.extui %gt3A_36 : i1 to i32
    %cond3A_38 = arith.constant 0 : i32
    %cond3A_39 = arith.cmpi ne, %convert_element_type3A_37, %cond3A_38 : i32
    scf.if %cond3A_39 {
      %get3A_45 = arith.constant 0 : index
      %get3A_46 = arith.constant 0 : index
      %get3A_47 = vector.load %arg9[%get3A_45, %get3A_46] : memref<1x128xf32, #tpu.memory_space<vmem>>, vector<1x128xf32>
      %add3A_48 = arith.addf %get3A_47, %broadcast_in_dim3A : vector<1x128xf32>
      %swap3A_49 = arith.constant 0 : index
      %swap3A_50 = arith.constant 0 : index
      %swap3A_51 = vector.load %arg9[%swap3A_49, %swap3A_50] : memref<1x128xf32, #tpu.memory_space<vmem>>, vector<1x128xf32>
      tpu.vector_store %arg9[%swap3A_49, %swap3A_50], %add3A_48 {strides = array<i32>} : memref<1x128xf32, #tpu.memory_space<vmem>>, vector<1x128xf32>,
      %get3A_52 = arith.constant 0 : index
      %get3A_53 = arith.constant 0 : index
      %get3A_54 = vector.load %arg10[%get3A_52, %get3A_53] : memref<1x128xf32, #tpu.memory_space<vmem>>, vector<1x128xf32>
      %max3A_55 = arith.maximumf %get3A_54, %broadcast_in_dim3A_33 : vector<1x128xf32>
      %swap3A_56 = arith.constant 0 : index
      %swap3A_57 = arith.constant 0 : index
      %swap3A_58 = vector.load %arg10[%swap3A_56, %swap3A_57] : memref<1x128xf32, #tpu.memory_space<vmem>>, vector<1x128xf32>
      tpu.vector_store %arg10[%swap3A_56, %swap3A_57], %max3A_55 {strides = array<i32>} : memref<1x128xf32, #tpu.memory_space<vmem>>, vector<1x128xf32>,
    } else {
    }
    %eq3A_40 = arith.constant 9 : i32
    %eq3A_41 = arith.cmpi eq, %arg0, %eq3A_40 : i32
    %convert_element_type3A_42 = arith.extui %eq3A_41 : i1 to i32
    %cond3A_43 = arith.constant 0 : i32
    %cond3A_44 = arith.cmpi ne, %convert_element_type3A_42, %cond3A_43 : i32
    scf.if %cond3A_44 {
      %get3A_45 = arith.constant 0 : index
      %get3A_46 = arith.constant 0 : index
      %get3A_47 = vector.load %arg9[%get3A_45, %get3A_46] : memref<1x128xf32, #tpu.memory_space<vmem>>, vector<1x128xf32>
      %swap3A_48 = arith.constant 0 : index
      %swap3A_49 = arith.constant 0 : index
      %swap3A_50 = vector.load %arg7[%swap3A_48, %swap3A_49] : memref<1x128xf32, #tpu.memory_space<vmem>>, vector<1x128xf32>
      tpu.vector_store %arg7[%swap3A_48, %swap3A_49], %get3A_47 {strides = array<i32>} : memref<1x128xf32, #tpu.memory_space<vmem>>, vector<1x128xf32>,
      %get3A_51 = arith.constant 0 : index
      %get3A_52 = arith.constant 0 : index
      %get3A_53 = vector.load %arg10[%get3A_51, %get3A_52] : memref<1x128xf32, #tpu.memory_space<vmem>>, vector<1x128xf32>
      %swap3A_54 = arith.constant 0 : index
      %swap3A_55 = arith.constant 0 : index
      %swap3A_56 = vector.load %arg8[%swap3A_54, %swap3A_55] : memref<1x128xf32, #tpu.memory_space<vmem>>, vector<1x128xf32>
      tpu.vector_store %arg8[%swap3A_54, %swap3A_55], %get3A_53 {strides = array<i32>} : memref<1x128xf32, #tpu.memory_space<vmem>>, vector<1x128xf32>,
    } else {
    }
    return
  }
  func.func @transform_0(%arg0: i32) -> (i32, i32, i32) {
    %c0_i32 = arith.constant 0 : i32
    %c0_i32_0 = arith.constant 0 : i32
    %c0_i32_1 = arith.constant 0 : i32
    return %c0_i32, %arg0, %c0_i32_0 : i32, i32, i32
  }
  func.func @transform_1(%arg0: i32) -> (i32, i32) {
    %c0_i32 = arith.constant 0 : i32
    %c0_i32_0 = arith.constant 0 : i32
    return %arg0, %c0_i32 : i32, i32
  }
  func.func @transform_2(%arg0: i32) -> (i32, i32) {
    %c0_i32 = arith.constant 0 : i32
    %c0_i32_0 = arith.constant 0 : i32
    return %arg0, %c0_i32 : i32, i32
  }
  func.func @transform_3(%arg0: i32) -> (i32, i32) {
    %c0_i32 = arith.constant 0 : i32
    %c0_i32_0 = arith.constant 0 : i32
    %c0_i32_1 = arith.constant 0 : i32
    return %c0_i32, %c0_i32_0 : i32, i32
  }
  func.func @transform_4(%arg0: i32) -> (i32, i32) {
    %c0_i32 = arith.constant 0 : i32
    %c0_i32_0 = arith.constant 0 : i32
    %c0_i32_1 = arith.constant 0 : i32
    return %c0_i32, %c0_i32_0 : i32, i32
  }
  func.func @transform_5(%arg0: i32) -> (i32, i32) {
    %c0_i32 = arith.constant 0 : i32
    %c0_i32_0 = arith.constant 0 : i32
    return %arg0, %c0_i32 : i32, i32
  }
  func.func @transform_6(%arg0: i32) -> (i32, i32) {
    %c0_i32 = arith.constant 0 : i32
    %c0_i32_0 = arith.constant 0 : i32
    %c0_i32_1 = arith.constant 0 : i32
    return %c0_i32, %c0_i32_0 : i32, i32
  }
  func.func @transform_7(%arg0: i32) -> (i32, i32) {
    %c0_i32 = arith.constant 0 : i32
    %c0_i32_0 = arith.constant 0 : i32
    %c0_i32_1 = arith.constant 0 : i32
    return %c0_i32, %c0_i32_0 : i32, i32
  }
}

module attributes {stable_mosaic.version = 14 : i64} {
  func.func @_layer_body(%arg0: i32, %arg1: memref<2x1000x128xf32, #tpu.memory_space<vmem>>, %arg2: memref<1000x1xf32, #tpu.memory_space<vmem>>, %arg3: memref<1000x1xf32, #tpu.memory_space<vmem>>, %arg4: memref<128x128xf32, #tpu.memory_space<vmem>>, %arg5: memref<1x128xf32, #tpu.memory_space<vmem>>, %arg6: memref<1000x128xf32, #tpu.memory_space<vmem>>, %arg7: memref<1x128xf32, #tpu.memory_space<vmem>>, %arg8: memref<1x128xf32, #tpu.memory_space<vmem>>, %arg9: memref<1x128xf32, #tpu.memory_space<vmem>>, %arg10: memref<1x128xf32, #tpu.memory_space<vmem>>) attributes {dimension_semantics = [#tpu.dimension_semantics<arbitrary>], iteration_bounds = array<i64: 10>, scalar_prefetch = 0 : i64, scratch_operands = 2 : i64, tpu.core_type = #tpu.core_type<tc>, window_params = [{transform_indices = @transform_0, window_bounds = array<i64: 2, 1000, 128>}, {transform_indices = @transform_1, window_bounds = array<i64: 1000, 1>}, {transform_indices = @transform_2, window_bounds = array<i64: 1000, 1>}, {pipeline_mode = #tpu.pipeline_mode<synchronous>, transform_indices = @transform_3, window_bounds = array<i64: 128, 128>}, {pipeline_mode = #tpu.pipeline_mode<synchronous>, transform_indices = @transform_4, window_bounds = array<i64: 1, 128>}, {transform_indices = @transform_5, window_bounds = array<i64: 1000, 128>}, {pipeline_mode = #tpu.pipeline_mode<synchronous>, transform_indices = @transform_6, window_bounds = array<i64: 1, 128>}, {pipeline_mode = #tpu.pipeline_mode<synchronous>, transform_indices = @transform_7, window_bounds = array<i64: 1, 128>}]} {
    %get3A = arith.constant 0 : index
    %get3A_0 = arith.constant 0 : index
    %get3A_1 = arith.constant 0 : index
    %get3A_2 = vector.load %arg1[%get3A, %get3A_0, %get3A_1] : memref<2x1000x128xf32, #tpu.memory_space<vmem>>, vector<1x1000x128xf32>
    %get3A_3 = vector.shape_cast %get3A_2 : vector<1x1000x128xf32> to vector<1000x128xf32>
    %get3A_4 = arith.constant 1 : index
    %get3A_5 = arith.constant 0 : index
    %get3A_6 = arith.constant 0 : index
    %get3A_7 = vector.load %arg1[%get3A_4, %get3A_5, %get3A_6] : memref<2x1000x128xf32, #tpu.memory_space<vmem>>, vector<1x1000x128xf32>
    %get3A_8 = vector.shape_cast %get3A_7 : vector<1x1000x128xf32> to vector<1000x128xf32>
    %add3A = arith.addf %get3A_3, %get3A_8 : vector<1000x128xf32>
    %get3A_9 = arith.constant 0 : index
    %get3A_10 = arith.constant 0 : index
    %get3A_11 = vector.load %arg2[%get3A_9, %get3A_10] : memref<1000x1xf32, #tpu.memory_space<vmem>>, vector<1000x1xf32>
    %mul3A = vector.broadcast %get3A_11 : vector<1000x1xf32> to vector<1000x128xf32>
    %mul3A_12 = arith.mulf %add3A, %mul3A : vector<1000x128xf32>
    %get3A_13 = arith.constant 0 : index
    %get3A_14 = arith.constant 0 : index
    %get3A_15 = vector.load %arg4[%get3A_13, %get3A_14] : memref<128x128xf32, #tpu.memory_space<vmem>>, vector<128x128xf32>
    %dot_general3A = arith.constant dense<0.000000e+00> : vector<1000x128xf32>
    %dot_general3A_16 = tpu.matmul %mul3A_12, %get3A_15, %dot_general3A {dimension_numbers = #tpu.dot_dimension_numbers<[1], [0], [0], [1], [0, 0, 1, 1], [], []>, transpose_lhs_hint = false} : vector<1000x128xf32>, vector<128x128xf32>, vector<1000x128xf32> -> vector<1000x128xf32>
    %get3A_17 = arith.constant 0 : index
    %get3A_18 = arith.constant 0 : index
    %get3A_19 = vector.load %arg5[%get3A_17, %get3A_18] : memref<1x128xf32, #tpu.memory_space<vmem>>, vector<1x128xf32>
    %add3A_20 = vector.broadcast %get3A_19 : vector<1x128xf32> to vector<1000x128xf32>
    %add3A_21 = arith.addf %dot_general3A_16, %add3A_20 : vector<1000x128xf32>
    %max3A = arith.constant 0.000000e+00 : f32
    %max3A_22 = vector.broadcast %max3A : f32 to vector<1000x128xf32>
    %max3A_23 = arith.maximumf %add3A_21, %max3A_22 : vector<1000x128xf32>
    %get3A_24 = arith.constant 0 : index
    %get3A_25 = arith.constant 0 : index
    %get3A_26 = vector.load %arg3[%get3A_24, %get3A_25] : memref<1000x1xf32, #tpu.memory_space<vmem>>, vector<1000x1xf32>
    %mul3A_27 = vector.broadcast %get3A_26 : vector<1000x1xf32> to vector<1000x128xf32>
    %mul3A_28 = arith.mulf %max3A_23, %mul3A_27 : vector<1000x128xf32>
    %swap3A = arith.constant 0 : index
    %swap3A_29 = arith.constant 0 : index
    %swap3A_30 = vector.load %arg6[%swap3A, %swap3A_29] : memref<1000x128xf32, #tpu.memory_space<vmem>>, vector<1000x128xf32>
    tpu.vector_store %arg6[%swap3A, %swap3A_29], %mul3A_28 {strides = array<i32>} : memref<1000x128xf32, #tpu.memory_space<vmem>>, vector<1000x128xf32>,
    %reduce_sum3A = arith.constant dense<0.000000e+00> : vector<128xf32>
    %reduce_sum3A_31 = vector.multi_reduction <add>, %max3A_23, %reduce_sum3A [0] : vector<1000x128xf32> to vector<128xf32>
    %broadcast_in_dim3A = vector.shape_cast %reduce_sum3A_31 : vector<128xf32> to vector<1x128xf32>
    %reduce_max3A = arith.constant dense<0xFF800000> : vector<128xf32>
    %reduce_max3A_32 = vector.multi_reduction <maximumf>, %max3A_23, %reduce_max3A [0] : vector<1000x128xf32> to vector<128xf32>
    %broadcast_in_dim3A_33 = vector.shape_cast %reduce_max3A_32 : vector<128xf32> to vector<1x128xf32>
    %eq3A = arith.constant 0 : i32
    %eq3A_34 = arith.cmpi eq, %arg0, %eq3A : i32
    %convert_element_type3A = arith.extui %eq3A_34 : i1 to i32
    %cond3A = arith.constant 0 : i32
    %cond3A_35 = arith.cmpi ne, %convert_element_type3A, %cond3A : i32
    scf.if %cond3A_35 {
      %swap3A_45 = arith.constant 0 : index
      %swap3A_46 = arith.constant 0 : index
      %swap3A_47 = vector.load %arg9[%swap3A_45, %swap3A_46] : memref<1x128xf32, #tpu.memory_space<vmem>>, vector<1x128xf32>
      tpu.vector_store %arg9[%swap3A_45, %swap3A_46], %broadcast_in_dim3A {strides = array<i32>} : memref<1x128xf32, #tpu.memory_space<vmem>>, vector<1x128xf32>,
      %swap3A_48 = arith.constant 0 : index
      %swap3A_49 = arith.constant 0 : index
      %swap3A_50 = vector.load %arg10[%swap3A_48, %swap3A_49] : memref<1x128xf32, #tpu.memory_space<vmem>>, vector<1x128xf32>
      tpu.vector_store %arg10[%swap3A_48, %swap3A_49], %broadcast_in_dim3A_33 {strides = array<i32>} : memref<1x128xf32, #tpu.memory_space<vmem>>, vector<1x128xf32>,
    } else {
    }
    %gt3A = arith.constant 0 : i32
    %gt3A_36 = arith.cmpi sgt, %arg0, %gt3A : i32
    %convert_element_type3A_37 = arith.extui %gt3A_36 : i1 to i32
    %cond3A_38 = arith.constant 0 : i32
    %cond3A_39 = arith.cmpi ne, %convert_element_type3A_37, %cond3A_38 : i32
    scf.if %cond3A_39 {
      %get3A_45 = arith.constant 0 : index
      %get3A_46 = arith.constant 0 : index
      %get3A_47 = vector.load %arg9[%get3A_45, %get3A_46] : memref<1x128xf32, #tpu.memory_space<vmem>>, vector<1x128xf32>
      %add3A_48 = arith.addf %get3A_47, %broadcast_in_dim3A : vector<1x128xf32>
      %swap3A_49 = arith.constant 0 : index
      %swap3A_50 = arith.constant 0 : index
      %swap3A_51 = vector.load %arg9[%swap3A_49, %swap3A_50] : memref<1x128xf32, #tpu.memory_space<vmem>>, vector<1x128xf32>
      tpu.vector_store %arg9[%swap3A_49, %swap3A_50], %add3A_48 {strides = array<i32>} : memref<1x128xf32, #tpu.memory_space<vmem>>, vector<1x128xf32>,
      %get3A_52 = arith.constant 0 : index
      %get3A_53 = arith.constant 0 : index
      %get3A_54 = vector.load %arg10[%get3A_52, %get3A_53] : memref<1x128xf32, #tpu.memory_space<vmem>>, vector<1x128xf32>
      %max3A_55 = arith.maximumf %get3A_54, %broadcast_in_dim3A_33 : vector<1x128xf32>
      %swap3A_56 = arith.constant 0 : index
      %swap3A_57 = arith.constant 0 : index
      %swap3A_58 = vector.load %arg10[%swap3A_56, %swap3A_57] : memref<1x128xf32, #tpu.memory_space<vmem>>, vector<1x128xf32>
      tpu.vector_store %arg10[%swap3A_56, %swap3A_57], %max3A_55 {strides = array<i32>} : memref<1x128xf32, #tpu.memory_space<vmem>>, vector<1x128xf32>,
    } else {
    }
    %eq3A_40 = arith.constant 9 : i32
    %eq3A_41 = arith.cmpi eq, %arg0, %eq3A_40 : i32
    %convert_element_type3A_42 = arith.extui %eq3A_41 : i1 to i32
    %cond3A_43 = arith.constant 0 : i32
    %cond3A_44 = arith.cmpi ne, %convert_element_type3A_42, %cond3A_43 : i32
    scf.if %cond3A_44 {
      %get3A_45 = arith.constant 0 : index
      %get3A_46 = arith.constant 0 : index
      %get3A_47 = vector.load %arg9[%get3A_45, %get3A_46] : memref<1x128xf32, #tpu.memory_space<vmem>>, vector<1x128xf32>
      %swap3A_48 = arith.constant 0 : index
      %swap3A_49 = arith.constant 0 : index
      %swap3A_50 = vector.load %arg7[%swap3A_48, %swap3A_49] : memref<1x128xf32, #tpu.memory_space<vmem>>, vector<1x128xf32>
      tpu.vector_store %arg7[%swap3A_48, %swap3A_49], %get3A_47 {strides = array<i32>} : memref<1x128xf32, #tpu.memory_space<vmem>>, vector<1x128xf32>,
      %get3A_51 = arith.constant 0 : index
      %get3A_52 = arith.constant 0 : index
      %get3A_53 = vector.load %arg10[%get3A_51, %get3A_52] : memref<1x128xf32, #tpu.memory_space<vmem>>, vector<1x128xf32>
      %swap3A_54 = arith.constant 0 : index
      %swap3A_55 = arith.constant 0 : index
      %swap3A_56 = vector.load %arg8[%swap3A_54, %swap3A_55] : memref<1x128xf32, #tpu.memory_space<vmem>>, vector<1x128xf32>
      tpu.vector_store %arg8[%swap3A_54, %swap3A_55], %get3A_53 {strides = array<i32>} : memref<1x128xf32, #tpu.memory_space<vmem>>, vector<1x128xf32>,
    } else {
    }
    return
  }
  func.func @transform_0(%arg0: i32) -> (i32, i32, i32) {
    %c0_i32 = arith.constant 0 : i32
    %c0_i32_0 = arith.constant 0 : i32
    %c0_i32_1 = arith.constant 0 : i32
    return %c0_i32, %arg0, %c0_i32_0 : i32, i32, i32
  }
  func.func @transform_1(%arg0: i32) -> (i32, i32) {
    %c0_i32 = arith.constant 0 : i32
    %c0_i32_0 = arith.constant 0 : i32
    return %arg0, %c0_i32 : i32, i32
  }
  func.func @transform_2(%arg0: i32) -> (i32, i32) {
    %c0_i32 = arith.constant 0 : i32
    %c0_i32_0 = arith.constant 0 : i32
    return %arg0, %c0_i32 : i32, i32
  }
  func.func @transform_3(%arg0: i32) -> (i32, i32) {
    %c0_i32 = arith.constant 0 : i32
    %c0_i32_0 = arith.constant 0 : i32
    %c0_i32_1 = arith.constant 0 : i32
    return %c0_i32, %c0_i32_0 : i32, i32
  }
  func.func @transform_4(%arg0: i32) -> (i32, i32) {
    %c0_i32 = arith.constant 0 : i32
    %c0_i32_0 = arith.constant 0 : i32
    %c0_i32_1 = arith.constant 0 : i32
    return %c0_i32, %c0_i32_0 : i32, i32
  }
  func.func @transform_5(%arg0: i32) -> (i32, i32) {
    %c0_i32 = arith.constant 0 : i32
    %c0_i32_0 = arith.constant 0 : i32
    return %arg0, %c0_i32 : i32, i32
  }
  func.func @transform_6(%arg0: i32) -> (i32, i32) {
    %c0_i32 = arith.constant 0 : i32
    %c0_i32_0 = arith.constant 0 : i32
    %c0_i32_1 = arith.constant 0 : i32
    return %c0_i32, %c0_i32_0 : i32, i32
  }
  func.func @transform_7(%arg0: i32) -> (i32, i32) {
    %c0_i32 = arith.constant 0 : i32
    %c0_i32_0 = arith.constant 0 : i32
    %c0_i32_1 = arith.constant 0 : i32
    return %c0_i32, %c0_i32_0 : i32, i32
  }
}

module attributes {stable_mosaic.version = 14 : i64} {
  func.func @_head_body(%arg0: memref<1x64xf32, #tpu.memory_space<vmem>>, %arg1: memref<64x64xf32, #tpu.memory_space<vmem>>, %arg2: memref<1x128xf32, #tpu.memory_space<vmem>>, %arg3: memref<1x128xf32, #tpu.memory_space<vmem>>, %arg4: memref<1x128xf32, #tpu.memory_space<vmem>>, %arg5: memref<1x128xf32, #tpu.memory_space<vmem>>, %arg6: memref<1x128xf32, #tpu.memory_space<vmem>>, %arg7: memref<1x128xf32, #tpu.memory_space<vmem>>, %arg8: memref<64x128xf32, #tpu.memory_space<vmem>>, %arg9: memref<128x128xf32, #tpu.memory_space<vmem>>, %arg10: memref<128x128xf32, #tpu.memory_space<vmem>>, %arg11: memref<1x128xf32, #tpu.memory_space<vmem>>, %arg12: memref<128x64xf32, #tpu.memory_space<vmem>>, %arg13: memref<1x64xf32, #tpu.memory_space<vmem>>, %arg14: memref<64x1xf32, #tpu.memory_space<vmem>>, %arg15: memref<1x1xf32, #tpu.memory_space<vmem>>) attributes {dimension_semantics = [], scalar_prefetch = 0 : i64, scratch_operands = 0 : i64, tpu.core_type = #tpu.core_type<tc>} {
    %get3A = arith.constant 0 : index
    %get3A_0 = arith.constant 0 : index
    %get3A_1 = vector.load %arg0[%get3A, %get3A_0] : memref<1x64xf32, #tpu.memory_space<vmem>>, vector<1x64xf32>
    %get3A_2 = arith.constant 0 : index
    %get3A_3 = arith.constant 0 : index
    %get3A_4 = vector.load %arg1[%get3A_2, %get3A_3] : memref<64x64xf32, #tpu.memory_space<vmem>>, vector<64x64xf32>
    %dot_general3A = arith.constant dense<0.000000e+00> : vector<1x64xf32>
    %dot_general3A_5 = tpu.matmul %get3A_1, %get3A_4, %dot_general3A {dimension_numbers = #tpu.dot_dimension_numbers<[1], [0], [0], [1], [0, 0, 1, 1], [], []>, transpose_lhs_hint = false} : vector<1x64xf32>, vector<64x64xf32>, vector<1x64xf32> -> vector<1x64xf32>
    %max3A = arith.constant 0.000000e+00 : f32
    %max3A_6 = vector.broadcast %max3A : f32 to vector<1x64xf32>
    %max3A_7 = arith.maximumf %dot_general3A_5, %max3A_6 : vector<1x64xf32>
    %get3A_8 = arith.constant 0 : index
    %get3A_9 = arith.constant 0 : index
    %get3A_10 = vector.load %arg2[%get3A_8, %get3A_9] : memref<1x128xf32, #tpu.memory_space<vmem>>, vector<1x128xf32>
    %div3A = arith.constant 1.000000e+04 : f32
    %div3A_11 = vector.broadcast %div3A : f32 to vector<1x128xf32>
    %div3A_12 = arith.divf %get3A_10, %div3A_11 : vector<1x128xf32>
    %max3A_13 = arith.constant 0.000000e+00 : f32
    %max3A_14 = vector.broadcast %max3A_13 : f32 to vector<1x128xf32>
    %max3A_15 = arith.maximumf %div3A_12, %max3A_14 : vector<1x128xf32>
    %get3A_16 = arith.constant 0 : index
    %get3A_17 = arith.constant 0 : index
    %get3A_18 = vector.load %arg4[%get3A_16, %get3A_17] : memref<1x128xf32, #tpu.memory_space<vmem>>, vector<1x128xf32>
    %div3A_19 = arith.constant 1.000000e+04 : f32
    %div3A_20 = vector.broadcast %div3A_19 : f32 to vector<1x128xf32>
    %div3A_21 = arith.divf %get3A_18, %div3A_20 : vector<1x128xf32>
    %max3A_22 = arith.constant 0.000000e+00 : f32
    %max3A_23 = vector.broadcast %max3A_22 : f32 to vector<1x128xf32>
    %max3A_24 = arith.maximumf %div3A_21, %max3A_23 : vector<1x128xf32>
    %add3A = arith.addf %max3A_15, %max3A_24 : vector<1x128xf32>
    %get3A_25 = arith.constant 0 : index
    %get3A_26 = arith.constant 0 : index
    %get3A_27 = vector.load %arg6[%get3A_25, %get3A_26] : memref<1x128xf32, #tpu.memory_space<vmem>>, vector<1x128xf32>
    %div3A_28 = arith.constant 1.000000e+04 : f32
    %div3A_29 = vector.broadcast %div3A_28 : f32 to vector<1x128xf32>
    %div3A_30 = arith.divf %get3A_27, %div3A_29 : vector<1x128xf32>
    %max3A_31 = arith.constant 0.000000e+00 : f32
    %max3A_32 = vector.broadcast %max3A_31 : f32 to vector<1x128xf32>
    %max3A_33 = arith.maximumf %div3A_30, %max3A_32 : vector<1x128xf32>
    %add3A_34 = arith.addf %add3A, %max3A_33 : vector<1x128xf32>
    %get3A_35 = arith.constant 0 : index
    %get3A_36 = arith.constant 0 : index
    %get3A_37 = vector.load %arg3[%get3A_35, %get3A_36] : memref<1x128xf32, #tpu.memory_space<vmem>>, vector<1x128xf32>
    %max3A_38 = arith.constant 0.000000e+00 : f32
    %max3A_39 = vector.broadcast %max3A_38 : f32 to vector<1x128xf32>
    %max3A_40 = arith.maximumf %get3A_37, %max3A_39 : vector<1x128xf32>
    %get3A_41 = arith.constant 0 : index
    %get3A_42 = arith.constant 0 : index
    %get3A_43 = vector.load %arg5[%get3A_41, %get3A_42] : memref<1x128xf32, #tpu.memory_space<vmem>>, vector<1x128xf32>
    %max3A_44 = arith.constant 0.000000e+00 : f32
    %max3A_45 = vector.broadcast %max3A_44 : f32 to vector<1x128xf32>
    %max3A_46 = arith.maximumf %get3A_43, %max3A_45 : vector<1x128xf32>
    %add3A_47 = arith.addf %max3A_40, %max3A_46 : vector<1x128xf32>
    %get3A_48 = arith.constant 0 : index
    %get3A_49 = arith.constant 0 : index
    %get3A_50 = vector.load %arg7[%get3A_48, %get3A_49] : memref<1x128xf32, #tpu.memory_space<vmem>>, vector<1x128xf32>
    %max3A_51 = arith.constant 0.000000e+00 : f32
    %max3A_52 = vector.broadcast %max3A_51 : f32 to vector<1x128xf32>
    %max3A_53 = arith.maximumf %get3A_50, %max3A_52 : vector<1x128xf32>
    %add3A_54 = arith.addf %add3A_47, %max3A_53 : vector<1x128xf32>
    %get3A_55 = arith.constant 0 : index
    %get3A_56 = arith.constant 0 : index
    %get3A_57 = vector.load %arg8[%get3A_55, %get3A_56] : memref<64x128xf32, #tpu.memory_space<vmem>>, vector<64x128xf32>
    %dot_general3A_58 = arith.constant dense<0.000000e+00> : vector<1x128xf32>
    %dot_general3A_59 = tpu.matmul %max3A_7, %get3A_57, %dot_general3A_58 {dimension_numbers = #tpu.dot_dimension_numbers<[1], [0], [0], [1], [0, 0, 1, 1], [], []>, transpose_lhs_hint = false} : vector<1x64xf32>, vector<64x128xf32>, vector<1x128xf32> -> vector<1x128xf32>
    %get3A_60 = arith.constant 0 : index
    %get3A_61 = arith.constant 0 : index
    %get3A_62 = vector.load %arg9[%get3A_60, %get3A_61] : memref<128x128xf32, #tpu.memory_space<vmem>>, vector<128x128xf32>
    %dot_general3A_63 = arith.constant dense<0.000000e+00> : vector<1x128xf32>
    %dot_general3A_64 = tpu.matmul %add3A_34, %get3A_62, %dot_general3A_63 {dimension_numbers = #tpu.dot_dimension_numbers<[1], [0], [0], [1], [0, 0, 1, 1], [], []>, transpose_lhs_hint = false} : vector<1x128xf32>, vector<128x128xf32>, vector<1x128xf32> -> vector<1x128xf32>
    %add3A_65 = arith.addf %dot_general3A_59, %dot_general3A_64 : vector<1x128xf32>
    %get3A_66 = arith.constant 0 : index
    %get3A_67 = arith.constant 0 : index
    %get3A_68 = vector.load %arg10[%get3A_66, %get3A_67] : memref<128x128xf32, #tpu.memory_space<vmem>>, vector<128x128xf32>
    %dot_general3A_69 = arith.constant dense<0.000000e+00> : vector<1x128xf32>
    %dot_general3A_70 = tpu.matmul %add3A_54, %get3A_68, %dot_general3A_69 {dimension_numbers = #tpu.dot_dimension_numbers<[1], [0], [0], [1], [0, 0, 1, 1], [], []>, transpose_lhs_hint = false} : vector<1x128xf32>, vector<128x128xf32>, vector<1x128xf32> -> vector<1x128xf32>
    %add3A_71 = arith.addf %add3A_65, %dot_general3A_70 : vector<1x128xf32>
    %get3A_72 = arith.constant 0 : index
    %get3A_73 = arith.constant 0 : index
    %get3A_74 = vector.load %arg11[%get3A_72, %get3A_73] : memref<1x128xf32, #tpu.memory_space<vmem>>, vector<1x128xf32>
    %add3A_75 = arith.addf %add3A_71, %get3A_74 : vector<1x128xf32>
    %max3A_76 = arith.constant 0.000000e+00 : f32
    %max3A_77 = vector.broadcast %max3A_76 : f32 to vector<1x128xf32>
    %max3A_78 = arith.maximumf %add3A_75, %max3A_77 : vector<1x128xf32>
    %get3A_79 = arith.constant 0 : index
    %get3A_80 = arith.constant 0 : index
    %get3A_81 = vector.load %arg12[%get3A_79, %get3A_80] : memref<128x64xf32, #tpu.memory_space<vmem>>, vector<128x64xf32>
    %dot_general3A_82 = arith.constant dense<0.000000e+00> : vector<1x64xf32>
    %dot_general3A_83 = tpu.matmul %max3A_78, %get3A_81, %dot_general3A_82 {dimension_numbers = #tpu.dot_dimension_numbers<[1], [0], [0], [1], [0, 0, 1, 1], [], []>, transpose_lhs_hint = false} : vector<1x128xf32>, vector<128x64xf32>, vector<1x64xf32> -> vector<1x64xf32>
    %get3A_84 = arith.constant 0 : index
    %get3A_85 = arith.constant 0 : index
    %get3A_86 = vector.load %arg13[%get3A_84, %get3A_85] : memref<1x64xf32, #tpu.memory_space<vmem>>, vector<1x64xf32>
    %add3A_87 = arith.addf %dot_general3A_83, %get3A_86 : vector<1x64xf32>
    %max3A_88 = arith.constant 0.000000e+00 : f32
    %max3A_89 = vector.broadcast %max3A_88 : f32 to vector<1x64xf32>
    %max3A_90 = arith.maximumf %add3A_87, %max3A_89 : vector<1x64xf32>
    %get3A_91 = arith.constant 0 : index
    %get3A_92 = arith.constant 0 : index
    %get3A_93 = vector.load %arg14[%get3A_91, %get3A_92] : memref<64x1xf32, #tpu.memory_space<vmem>>, vector<64x1xf32>
    %dot_general3A_94 = arith.constant dense<0.000000e+00> : vector<1x1xf32>
    %dot_general3A_95 = tpu.matmul %max3A_90, %get3A_93, %dot_general3A_94 {dimension_numbers = #tpu.dot_dimension_numbers<[1], [0], [0], [1], [0, 0, 1, 1], [], []>, precision = #tpu.contract_precision<fp32>, transpose_lhs_hint = false} : vector<1x64xf32>, vector<64x1xf32>, vector<1x1xf32> -> vector<1x1xf32>
    %swap3A = arith.constant 0 : index
    %swap3A_96 = arith.constant 0 : index
    %swap3A_97 = vector.load %arg15[%swap3A, %swap3A_96] : memref<1x1xf32, #tpu.memory_space<vmem>>, vector<1x1xf32>
    tpu.vector_store %arg15[%swap3A, %swap3A_96], %dot_general3A_95 {strides = array<i32>} : memref<1x1xf32, #tpu.memory_space<vmem>>, vector<1x1xf32>,
    return
  }
}

</mosaic_0001>

<sc_bundles>
// kernel: kernel.11.cloned.1.call-start
scs
__scs_entry_jumppad:
0x0: {  	(pc) =	sbr.rel $0x88, $3  }
0x1: {  	(tag) =	ssettag $0x0;
	lr =	simm.s32 $0x1  }
0x2: {  	[smem:$0x3F92] =	sst lr;
	_ =	strace $0xD0000000  }
0x3: {  	_ = 	snop  }
0x4: {  	_ = 	snop  }
0x5: {  	_ = 	snop  }
0x6: {  	_ = 	snop  }
0x7: {  	_ = 	snop  }
__scs_overlays_trampoline_lowered:
0x8: {  	[smem:$0x3FA1] =	sst s0  }
0x9: {  	[smem:$0x3FA2] =	sst s1  }
0xa: {  	[smem:$0x3FA3] =	sst s2  }
0xb: {  	[smem:$0x3FA4] =	sst s3  }
0xc: {  	[smem:$0x3FA5] =	sst s4  }
0xd: {  	[smem:$0x3FA6] =	sst s5  }
0xe: {  	[smem:$0x3FA7] =	sst s6  }
0xf: {  	[smem:$0x3FA8] =	sst s7  }
0x10: {  	[smem:$0x3FA9] =	sst s8  }
0x11: {  	[smem:$0x3FAA] =	sst s9;
	s0 =	simm.s32 @!p0 $0x0  }
0x12: {  	s1 =	sld [smem:$0x3F90];
	s0 =	simm.s32 @p0 $0x1  }
0x13: {  	[smem:$0x3FAB] =	sst s0;
	s0 =	simm.s32 @!p1 $0x0  }
0x14: {  	s2 =	sld [smem:$0x3F8F];
	s0 =	simm.s32 @p1 $0x1  }
0x15: {  	[smem:$0x3FAC] =	sst s0;
	s0 =	simm.s32 @!p2 $0x0  }
0x16: {  	s3 =	sld [smem:$0x3FDB];
	s0 =	simm.s32 @p2 $0x1  }
0x17: {  	s4 =	simm.s32 $0x1BF5;
	[smem:$0x3FAE] =	sst s0  }
0x18: {  	s0 =	sld [smem:$0x3F91];
	_ =	swait.ge [sflag:s4], $0x0  }
0x19: {  	s7 =	sld [smem:$0x3F92]  }
0x1a: {  	s8 =	sadd.s32 $0xFFFFE003, lr  }
0x1b: {  	s9 =	sadd.s32 $0xFFFFFEF7, lr;
	s5 =	simm.s32 $0xFFFFFFFF;
	p2 =	slt.u32 s8, $0xFFFFF086  }
0x1c: {  	p1 =	slt.u32 s9, $0xF7A;
	s5 =	simm.s32 @!p2 $0x0  }
0x1d: {  	s5 =	simm.s32 @p1 $0x1;
	p0 =	seq.s32 s7, s2  }
0x1e: {  	s7 =	smul.u32 @!p0 $0xF7A, s2;
	p2 =	seq.s32 @!p0 s5, $0x0  }
0x1f: {  	s9 =	smul.u32 $0xF7A, s1;
	s8 =	simm.s32 @!p0 $0x1BF5;
	p2 =	por !p2, p0  }
0x20: {  	[sflag:s8] =	ssyncset.s32 @!p0 $0xFFFFF086;
	s6 =	sadd.s32 @!p0 s3, s7;
	s7 =	simm.s32 @!p0 $0x108  }
0x21: {  	s3 =	sadd.s32 s3, s9;
	s6 =	sadd.s32 @!p0 $0x88, s6;
	s7 =	simm.s32 @p2 $0x1082  }
0x22: {  	[simem:s7], [sflag:s8] =	dma.local @!p0 [hbm:s6], $0xF7A  }
0x23: {  	s9 =	sor.u32 $0xD0000000, s2;
	s6 =	simm.s32 $0x108;
	_ =	swait.ge @!p0 [sflag:s8], $0x0  }
0x24: {  	s3 =	sadd.s32 $0x88, s3;
	s6 =	simm.s32 @!p1 $0x1082;
	[sflag:s4] =	ssyncset.s32 $0xFFFFF086  }
0x25: {  	[simem:s6], [sflag:s4] =	dma.local [hbm:s3], $0xF7A  }
0x26: {  	[smem:$0x3F92] =	sst s1;
	(tag) =	ssettag s2;
	_ =	strace s9  }
0x27: {  	s1 =	sld [smem:$0x3FA2]  }
0x28: {  	s2 =	sld [smem:$0x3FA3]  }
0x29: {  	s4 =	sld [smem:$0x3FA5]  }
0x2a: {  	p0 =	seq.s32 s5, $0x0;
	s5 =	sld [smem:$0x3FA6]  }
0x2b: {  	s6 =	sld [smem:$0x3FA7]  }
0x2c: {  	s7 =	sld [smem:$0x3FA8]  }
0x2d: {  	s3 =	simm.s32 $0x108;
	s8 =	sld [smem:$0x3FA9]  }
0x2e: {  	s3 =	simm.s32 @!p0 $0x1082;
	s9 =	sld [smem:$0x3FAA]  }
0x2f: {  	lr =	sadd.s32 s0, s3;
	s0 =	sld [smem:$0x3FA1]  }
0x30: {  	s3 =	sld [smem:$0x3FA4]  }
0x31: {  	[smem:$0x3FAD] =	sst s10  }
0x32: {  	s10 =	sld [smem:$0x3FAB];
	_ =	sdelay $0x3  }
0x33: {  	p0 =	seq.s32 s10, $0x1;
	s10 =	sld [smem:$0x3FAD];
	_ =	sdelay $0x3  }
0x34: {  	[smem:$0x3FAD] =	sst s10  }
0x35: {  	s10 =	sld [smem:$0x3FAC];
	_ =	sdelay $0x3  }
0x36: {  	p1 =	seq.s32 s10, $0x1;
	s10 =	sld [smem:$0x3FAD];
	_ =	sdelay $0x3  }
0x37: {  	[smem:$0x3FAD] =	sst s10  }
0x38: {  	s10 =	sld [smem:$0x3FAE]  }
0x39: {  	_ = 	snop;
	(pc) =	sbr.ind lr, $3  }
0x3a: {  	_ = 	snop  }
0x3b: {  	_ = 	snop  }
0x3c: {  	p2 =	seq.s32 s10, $0x1;
	s10 =	sld [smem:$0x3FAD]  }
0x3d: {  	_ =	shalt  }
0x3e: {  	_ =	shalt  }
0x3f: {  	_ =	shalt  }
0x40: {  	_ =	shalt  }
0x41: {  	_ =	shalt  }
0x42: {  	_ =	shalt  }
0x43: {  	_ =	shalt  }
0x44: {  	_ =	shalt  }
0x45: {  	_ =	shalt  }
0x46: {  	_ =	shalt  }
0x47: {  	_ =	shalt  }
0x48: {  	_ =	shalt  }
0x49: {  	_ =	shalt  }
0x4a: {  	_ =	shalt  }
0x4b: {  	_ =	shalt  }
0x4c: {  	_ =	shalt  }
0x4d: {  	_ =	shalt  }
0x4e: {  	_ =	shalt  }
0x4f: {  	_ =	shalt  }
0x50: {  	_ =	shalt  }
0x51: {  	_ =	shalt  }
0x52: {  	_ =	shalt  }
0x53: {  	_ =	shalt  }
0x54: {  	_ =	shalt  }
0x55: {  	_ =	shalt  }
0x56: {  	_ =	shalt  }
0x57: {  	_ =	shalt  }
0x58: {  	_ =	shalt  }
0x59: {  	_ =	shalt  }
0x5a: {  	_ =	shalt  }
0x5b: {  	_ =	shalt  }
0x5c: {  	_ =	shalt  }
0x5d: {  	_ =	shalt  }
0x5e: {  	_ =	shalt  }
0x5f: {  	_ =	shalt  }
0x60: {  	_ =	shalt  }
0x61: {  	_ =	shalt  }
0x62: {  	_ =	shalt  }
0x63: {  	_ =	shalt  }
0x64: {  	_ =	shalt  }
0x65: {  	_ =	shalt  }
0x66: {  	_ =	shalt  }
0x67: {  	_ =	shalt  }
0x68: {  	_ =	shalt  }
0x69: {  	_ =	shalt  }
0x6a: {  	_ =	shalt  }
0x6b: {  	_ =	shalt  }
0x6c: {  	_ =	shalt  }
0x6d: {  	_ =	shalt  }
0x6e: {  	_ =	shalt  }
0x6f: {  	_ =	shalt  }
0x70: {  	_ =	shalt  }
0x71: {  	_ =	shalt  }
0x72: {  	_ =	shalt  }
0x73: {  	_ =	shalt  }
0x74: {  	_ =	shalt  }
0x75: {  	_ =	shalt  }
0x76: {  	_ =	shalt  }
0x77: {  	_ =	shalt  }
0x78: {  	_ =	shalt  }
0x79: {  	_ =	shalt  }
0x7a: {  	_ =	shalt  }
0x7b: {  	_ =	shalt  }
0x7c: {  	_ =	shalt  }
0x7d: {  	_ =	shalt  }
0x7e: {  	_ =	shalt  }
0x7f: {  	_ =	shalt  }
0x80: {  	_ =	shalt  }
0x81: {  	_ =	shalt  }
0x82: {  	_ =	shalt  }
0x83: {  	_ =	shalt  }
0x84: {  	_ =	shalt  }
0x85: {  	_ =	shalt  }
0x86: {  	_ =	shalt  }
0x87: {  	_ =	shalt  }
.Lfunc_end0:
.L_simem_size_0:
called_computation_lowered:
.L_overlay_start_0:
0x88: {  	s2 =	sld [smem:$0x3FD9]  }
0x89: {  	s3 =	sld [smem:$0x3FFE];
	_ =	sdelay $0x1  }
0x8a: {  	s1 =	srdreg.scid  }
0x8b: {  	s0 =	sand.u32 $0x1, s1  }
0x8c: {  	s16 =	sshll.u32 s0, $0xA;
	s2 =	sadd.s32 s3, s2  }
0x8d: {  	s2 =	sadd.s32 s2, s16  }
0x8e: {  	[smem:$0x3FB9] =	sst s2  }
0x8f: {  	_ = 	snop  }
0x90: {  	(tm) =	ssettm $0x1  }
0x91: {  	s17 =	sld [smem:$0x3FFB];
	_ =	sdelay $0x3  }
0x92: {  	_ =	strace s17  }
0x93: {  	s2 =	sld [smem:$0x3FFC];
	_ =	sdelay $0x3  }
0x94: {  	_ =	strace s2  }
0x95: {  	s2 =	sld [smem:$0x3FFD];
	_ =	sdelay $0x3  }
0x96: {  	_ =	strace s2  }
0x97: {  	_ =	strace $0x8FFFFFFF  }
0x98: {  	s18 =	sld [smem:$0x3FDB];
	_ =	sdelay $0x1  }
0x99: {  	s19 =	simm.s32 $_scs_section_size  }
0x9a: {  	s4 =	simm.s32 $_size__tile_overlayer_lowered;
	s5 =	simm.s32 $_tile_overlayer_lowered  }
0x9b: {  	s22 =	simm.s32 $0x1BFF;
	s21 =	sshll.u32 s5, $0x1;
	s2 =	sadd.s32 s19, s18  }
0x9c: {  	s6 =	simm.s32 $0x0;
	s20 =	sshll.u32 s4, $0x1;
	s4 =	sadd.s32 s21, s2  }
0x9d: {  	[timem:s6], [sflag:s22] =	dma.local [hbm:s4], s20  }
0x9e: {  	_ =	swait.ge [sflag:s22], s20  }
0x9f: {  	s3 =	ssub.s32 $0x0, s20;
	[sflag:s22] =	ssyncset.done $0x0  }
0xa0: {  	[sflag:s22] =	ssyncadd.s32 s3;
	_ =	sdelay $0x1  }
0xa1: {  	s23 =	simm.s32 $0x1B8B  }
0xa2: {  	_ =	swait.ge [sflag:s23], $0x1  }
0xa3: {  	[sflag:s23] =	ssyncset.done $0x0  }
0xa4: {  	s25 =	simm.s32 $0x1B8E;
	s24 =	sld [smem:$0x3FFE];
	[sflag:s23] =	ssyncadd.s32 $0xFFFFFFFF  }
0xa5: {  	s26 =	simm.s32 $execute0_lowered;
	[smem:$0x3FD2] =	sst s25  }
0xa6: {  	s4 =	sshll.u32 s26, $0x1;
	_ =	strace $0x80000046;
	[dreg:$0x1] =	wrdreg $0xFFFFFFFF  }
0xa7: {  	s28 =	simm.s32 $_size_execute0_lowered;
	s2 =	sadd.s32 s2, s4;
	[dreg:$0x0] =	wrdreg $0x0  }
0xa8: {  	s4 =	sshll.u32 s28, $0x1;
	[dreg:$0x2] =	wrdreg s2  }
0xa9: {  	[dreg:$0x3] =	wrdreg s4  }
0xaa: {  	[dreg:$0x4] =	wrdreg $0xC0  }
0xab: {  	_ =	task [dreg:s6], $0x5FFFF  }
0xac: {  	[dreg:$0x1] =	wrdreg $0xFFFFFFFF  }
0xad: {  	[dreg:$0x0] =	wrdreg $0x60  }
0xae: {  	[dreg:$0x2] =	wrdreg s24  }
0xaf: {  	[dreg:$0x3] =	wrdreg $0x90000  }
0xb0: {  	[dreg:$0x4] =	wrdreg $0x9  }
0xb1: {  	_ =	task.clear_ibuf [dreg:s6], $0x5FFFF;
	_ =	strace $0x90000046  }
0xb2: {  	s29 =	simm.s32 $0x9;
	_ =	strace $0x80000048  }
0xb3: {  	_ =	swait.ge [sflag:s29], $0x1  }
0xb4: {  	[sflag:s29] =	ssyncadd.s32 $0xFFFFFFFF  }
0xb5: {  	_ =	strace $0x90000048  }
0xb6: {  	_ =	sfence  }
0xb7: {  	s30 =	sld [smem:$0x0];
	_ =	sdelay $0x2  }
0xb8: {  	s31 =	sshll.u32 s1, $0xD;
	s1 =	sshrl.u32 s1, $0x2  }
0xb9: {  	s3 =	sand.u32 $0x4000, s31;
	s1 =	sadd.s32 s1, s30  }
0xba: {  	s0 =	sor.u32 s3, s0;
	s1 =	sshll.u32 s1, $0x11  }
0xbb: {  	s0 =	sor.u32 s1, s0  }
0xbc: {  	s0 =	sadd.s32 $0x8F2B, s0  }
0xbd: {  	[sflag:s0] =	ssyncadd.remote.s32 $0x1  }
0xbe: {  	_ =	sfence.sel $0xFFFF  }
0xbf: {  	[dreg:$0x0] =	wrdreg $0xFFFFFFFF;
	(pc) =	sbr.abs _section_cstart, $3  }
0xc0: {  	[dreg:$0x1] =	wrdreg $0xFFFFFFFF  }
0xc1: {  	_ =	task.clear_ibuf [dreg:s6], $0x2FFFF;
	_ =	strace $0x9FFFFFFF  }
0xc2: {  	(tm) =	ssettm $0x7FFFFFFF  }
0xc3: {  	_ =	shalt  }
tec
execute0_lowered:
.L_overlay_start_1:
0x0: {  	(tag) =	ssettag $0x1  }
0x1: {  	s0 =	srdreg.scid;
	s7 =	rddreg [dreg:$0x0]  }
0x2: {  	s2 =	rddreg [dreg:$0x1];
	s3 =	simm.s32 $0x0;
	s15 =	simm.s32 $0x80  }
0x3: {  	s16 =	simm.s32 $0x100;
	s17 =	simm.s32 $0x180;
	s18 =	simm.s32 $0x1  }
0x4: {  	s19 =	simm.s32 $0x2880;
	s20 =	simm.s32 $0x2900;
	s21 =	simm.s32 $0x2980  }
0x5: {  	s5 =	sand.u32 $0x1, s0;
	s0 =	stileid.u32;
	[smem:$0x7FF] =	sst s3  }
0x6: {  	s6 =	sadd.s32 $0x22C00, s7;
	s1 =	sshll.u32 s5, $0x4;
	s9 =	smul.u32 $0x27800, s5  }
0x7: {  	s10 =	ssub.s32 $0x2, s5;
	s11 =	smul.u32 $0x4F000, s0;
	s5 =	sadd.s32 $0x22400, s7  }
0x8: {  	s23 =	smul.u32 $0x2780, s0;
	s13 =	sshll.u32 s0, $0x6;
	s4 =	sor.u32 s0, s1  }
0x9: {  	s1 =	rddreg [dreg:$0x2];
	_ =	strace $0x80000047;
	s12 =	sshrl.u32 s10, $0x1  }
0xa: {  	s13 =	sor.u32 $0x1C02, s13;
	s4 =	smul.u32 $0x500, s4;
	s9 =	sadd.s32 s9, s7  }
0xb: {  	s10 =	ssub.s32 s10, s12;
	s11 =	sshrl.u32 s11, $0x2;
	s12 =	simm.s32 $0x5000  }
0xc: {  	s14 =	sadd.s32 s11, s2;
	s22 =	sadd.s32 $0x25400, s9;
	s9 =	smax.u32 s10, $0x1  }
0xd: {  	s10 =	simm.s32 $0x2;
	s11 =	simm.s32 $0x2800;
	s8 =	sadd.s32 s4, s7  }
0xe: {  	s4 =	sadd.s32 $0x21C00, s7;
	s14 =	sshrl.u32 s14, $0x3;
	s22 =	sadd.s32 s23, s22  }
0xf: {  	s23 =	simm.s32 $0x0;
	s7 =	sadd.s32 $0x3C00, s8;
	s8 =	sadd.s32 $0x17C00, s8  }
.LBB2_1:
0x10: {  	[tilespmem:s3], [sflag:$0x2] =	stream.linear.gather [hbm4b:s7+s3], $0x2800, $0x38;
	[tilespmem:$0x1CC00] =	vst v63  }
0x11: {  	_ =	swait.ge [sflag:s10], $0x2800  }
0x12: {  	[sflag:s10] =	ssyncset.done $0x0  }
0x13: {  	[sflag:s10] =	ssyncadd.s32 $0xFFFFD800  }
0x14: {  	[tilespmem:s11], [sflag:$0x2] =	stream.linear.gather [hbm4b:s8+s3], $0x2800, $0x38;
	[tilespmem:$0x1CC00] =	vst v63  }
0x15: {  	_ =	swait.ge [sflag:s10], $0x2800  }
0x16: {  	[sflag:s10] =	ssyncset.done $0x0  }
0x17: {  	[sflag:s10] =	ssyncadd.s32 $0xFFFFD800  }
0x18: {  	[tilespmem:s12], [sflag:$0x2] =	stream.linear.gather [hbm4b:s4+s3], $0x4000, $0x38;
	[tilespmem:$0x1CC00] =	vst v63  }
0x19: {  	_ =	swait.ge [sflag:s10], $0x4000  }
0x1a: {  	[sflag:s10] =	ssyncset.done $0x0  }
0x1b: {  	[sflag:s10] =	ssyncadd.s32 $0xFFFFC000  }
0x1c: {  	[spmem:s14], [sflag:s13] =	dma.local [hbm:s6], $0x2780  }
0x1d: {  	_ =	swait.ge [sflag:s10], $0x2780  }
0x1e: {  	[sflag:s10] =	ssyncset.done $0x0  }
0x1f: {  	[sflag:s10] =	ssyncadd.s32 $0xFFFFD880  }
0x20: {  	[bflag:$0x0] =	sbarrier.arrive $0xFFFF  }
0x21: {  	[spmem:s2] =	stream.indirect.scatter.add.f32 [tilespmem:s12], [sflag:$0x1], $0x80, s3, s15, $0xb8;
	[tilespmem:$0x1CC00] =	vst v63  }
0x22: {  	_ = 	snop  }
0x23: {  	[spmem:s2] =	stream.indirect.scatter.add.f32 [tilespmem:s12], [sflag:$0x1], $0x80, s15, s15, $0xb8;
	[tilespmem:$0x1CC00] =	vst v63  }
0x24: {  	_ = 	snop  }
0x25: {  	[spmem:s2] =	stream.indirect.scatter.add.f32 [tilespmem:s12], [sflag:$0x1], $0x80, s16, s15, $0xb8;
	[tilespmem:$0x1CC00] =	vst v63  }
0x26: {  	_ = 	snop  }
0x27: {  	[spmem:s2] =	stream.indirect.scatter.add.f32 [tilespmem:s12], [sflag:$0x1], $0x80, s17, s15, $0xb8;
	[tilespmem:$0x1CC00] =	vst v63  }
0x28: {  	s24 =	simm.s32 $0x200  }
0x29: {  	[spmem:s2] =	stream.indirect.scatter.add.f32 [tilespmem:s12], [sflag:$0x1], $0x80, s24, s15, $0xb8;
	[tilespmem:$0x1CC00] =	vst v63  }
0x2a: {  	_ =	swait.ge [sflag:s18], $0x4000  }
0x2b: {  	s24 =	simm.s32 $0xA00;
	[sflag:s18] =	ssyncset.done $0x0  }
.LBB2_2:
0x2c: {  	s25 =	sshra.s32 s24, $0x2;
	[sflag:s18] =	ssyncadd.s32 $0xFFFFC000;
	p0 =	sne.s32 s24, $0x9E00  }
0x2d: {  	[spmem:s2] =	stream.indirect.scatter.add.f32 [tilespmem:s12], [sflag:$0x1], $0x80, s25, s15, $0xb8;
	[tilespmem:$0x1CC00] =	vst v63  }
.Ltmp0:
0x2e: {  	_ = 	snop;
	(pc) =	sbr.rel @p0 .LBB2_2-.Ltmp0, $4  }
0x2f: {  	_ = 	snop  }
0x30: {  	s24 =	sadd.s32 $0x200, s24  }
0x31: {  	_ =	swait.ge [sflag:s18], $0x4000  }
0x32: {  	[sflag:s18] =	ssyncset.done $0x0  }
0x33: {  	[sflag:s18] =	ssyncadd.s32 $0xFFFFC000  }
0x34: {  	_ =	swait.ge [sflag:s18], $0x4000  }
0x35: {  	[sflag:s18] =	ssyncset.done $0x0  }
0x36: {  	[sflag:s18] =	ssyncadd.s32 $0xFFFFC000  }
0x37: {  	_ =	swait.ge [sflag:s18], $0x4000  }
0x38: {  	[sflag:s18] =	ssyncset.done $0x0  }
0x39: {  	[sflag:s18] =	ssyncadd.s32 $0xFFFFC000  }
0x3a: {  	_ =	swait.ge [sflag:s18], $0x4000  }
0x3b: {  	[sflag:s18] =	ssyncset.done $0x0  }
0x3c: {  	[sflag:s18] =	ssyncadd.s32 $0xFFFFC000  }
0x3d: {  	_ =	swait.ge [sflag:s18], $0x4000  }
0x3e: {  	[sflag:s18] =	ssyncset.done $0x0  }
0x3f: {  	[sflag:s18] =	ssyncadd.s32 $0xFFFFC000  }
0x40: {  	[tilespmem:s12], [sflag:$0x2] =	stream.linear.gather [hbm4b:s5+s3], $0x4000, $0x38;
	[tilespmem:$0x1CC00] =	vst v63  }
0x41: {  	_ =	swait.ge [sflag:s10], $0x4000  }
0x42: {  	[sflag:s10] =	ssyncset.done $0x0  }
0x43: {  	[sflag:s10] =	ssyncadd.s32 $0xFFFFC000  }
0x44: {  	[spmem:s2] =	stream.indirect.scatter.add.f32 [tilespmem:s12], [sflag:$0x1], $0x80, s11, s15, $0xb8;
	[tilespmem:$0x1CC00] =	vst v63  }
0x45: {  	_ = 	snop  }
0x46: {  	[spmem:s2] =	stream.indirect.scatter.add.f32 [tilespmem:s12], [sflag:$0x1], $0x80, s19, s15, $0xb8;
	[tilespmem:$0x1CC00] =	vst v63  }
0x47: {  	_ = 	snop  }
0x48: {  	[spmem:s2] =	stream.indirect.scatter.add.f32 [tilespmem:s12], [sflag:$0x1], $0x80, s20, s15, $0xb8;
	[tilespmem:$0x1CC00] =	vst v63  }
0x49: {  	_ = 	snop  }
0x4a: {  	[spmem:s2] =	stream.indirect.scatter.add.f32 [tilespmem:s12], [sflag:$0x1], $0x80, s21, s15, $0xb8;
	[tilespmem:$0x1CC00] =	vst v63  }
0x4b: {  	s24 =	simm.s32 $0x2A00  }
0x4c: {  	[spmem:s2] =	stream.indirect.scatter.add.f32 [tilespmem:s12], [sflag:$0x1], $0x80, s24, s15, $0xb8;
	[tilespmem:$0x1CC00] =	vst v63  }
0x4d: {  	s24 =	simm.s32 $0xA00;
	_ =	swait.ge [sflag:s18], $0x4000  }
.LBB2_4:
0x4e: {  	s25 =	sshra.s32 s24, $0x2;
	[sflag:s18] =	ssyncset.done $0x0;
	p0 =	sne.s32 s24, $0x9E00  }
.Ltmp1:
0x4f: {  	s25 =	sadd.s32 $0x2800, s25;
	[sflag:s18] =	ssyncadd.s32 $0xFFFFC000;
	(pc) =	sbr.rel @p0 .LBB2_4-.Ltmp1, $3  }
0x50: {  	[spmem:s2] =	stream.indirect.scatter.add.f32 [tilespmem:s12], [sflag:$0x1], $0x80, s25, s15, $0xb8;
	[tilespmem:$0x1CC00] =	vst v63  }
0x51: {  	s24 =	sadd.s32 $0x200, s24;
	_ =	sdelay $0x1  }
0x52: {  	_ =	swait.ge [sflag:s18], $0x4000  }
0x53: {  	[sflag:s18] =	ssyncset.done $0x0  }
0x54: {  	[sflag:s18] =	ssyncadd.s32 $0xFFFFC000  }
0x55: {  	_ =	swait.ge [sflag:s18], $0x4000  }
0x56: {  	[sflag:s18] =	ssyncset.done $0x0  }
0x57: {  	[sflag:s18] =	ssyncadd.s32 $0xFFFFC000  }
0x58: {  	_ =	swait.ge [sflag:s18], $0x4000  }
0x59: {  	[sflag:s18] =	ssyncset.done $0x0  }
0x5a: {  	[sflag:s18] =	ssyncadd.s32 $0xFFFFC000  }
0x5b: {  	_ =	swait.ge [sflag:s18], $0x4000  }
0x5c: {  	[sflag:s18] =	ssyncset.done $0x0  }
0x5d: {  	[sflag:s18] =	ssyncadd.s32 $0xFFFFC000  }
0x5e: {  	_ =	swait.ge [sflag:s18], $0x4000  }
0x5f: {  	s23 =	sadd.s32 $0x1, s23;
	[sflag:s18] =	ssyncset.done $0x0  }
0x60: {  	p0 =	sne.s32 s23, s9;
	[sflag:s18] =	ssyncadd.s32 $0xFFFFC000  }
.Ltmp2:
0x61: {  	[bflag:$0x0] =	sbarrier.arrive $0xFFFF;
	(pc) =	sbr.rel @p0 .LBB2_1-.Ltmp2, $4  }
0x62: {  	[hbm:s22], [sflag:s13] =	dma.local [spmem:s14], $0x2780  }
0x63: {  	_ =	swait.ge [sflag:s10], $0x2780  }
0x64: {  	[sflag:s10] =	ssyncset.done $0x0  }
0x65: {  	[sflag:s10] =	ssyncadd.s32 $0xFFFFD880  }
0x66: {  	_ =	sfence.sel $0x180000  }
0x67: {  	[bflag:$0x0] =	sbarrier.arrive $0xFFFF  }
0x68: {  	p0 =	sne.s32 s0, $0x0;
	_ =	strace $0x90000047  }
0x69: {  	s0 =	sadd.s32 @!p0 $0x100000, s1;
	[bflag:$0x2] =	sbarrier.arrive $0xFFFF  }
0x6a: {  	[sflag:s0] =	ssyncadd.tile.s32 @!p0 $0x1;
	_ =	shalt  }
.Lfunc_end2:
_tile_overlayer_lowered:
.L_overlay_start_2:
0x6b: {  	(tag) =	ssettag $0x2  }
0x6c: {  	s0 =	rddreg [dreg:$0x0];
	s2 =	stileid.u32  }
0x6d: {  	s1 =	rddreg [dreg:$0x1];
	p0 =	sne.s32 s2, $0x0  }
0x6e: {  	s3 =	rddreg [dreg:$0x2];
	[bflag:$0x3] =	sbarrier.arrive $0xFFFF;
	s2 =	simm.s32 @!p0 $0x1C02  }
0x6f: {  	[timem:s3], [sflag:s2] =	dma.local @!p0 [hbm:s0], s1  }
0x70: {  	s0 =	simm.s32 @!p0 $0x2  }
0x71: {  	_ =	swait.ge @!p0 [sflag:s0], s1  }
0x72: {  	s1 =	ssub.s32 @!p0 $0x0, s1;
	[sflag:s0] =	ssyncset.done @!p0 $0x0  }
0x73: {  	[sflag:s0] =	ssyncadd.s32 @!p0 s1  }
0x74: {  	[bflag:$0x3] =	sbarrier.arrive $0xFFFF  }
0x75: {  	_ =	shalt  }

// kernel: kernel.14.cloned.1.call-start
scs
__scs_entry_jumppad:
0x0: {  	(pc) =	sbr.rel $0x88, $3  }
0x1: {  	(tag) =	ssettag $0x0;
	lr =	simm.s32 $0x1  }
0x2: {  	[smem:$0x3F92] =	sst lr;
	_ =	strace $0xD0000000  }
0x3: {  	_ = 	snop  }
0x4: {  	_ = 	snop  }
0x5: {  	_ = 	snop  }
0x6: {  	_ = 	snop  }
0x7: {  	_ = 	snop  }
__scs_overlays_trampoline_lowered:
0x8: {  	[smem:$0x3FA1] =	sst s0  }
0x9: {  	[smem:$0x3FA2] =	sst s1  }
0xa: {  	[smem:$0x3FA3] =	sst s2  }
0xb: {  	[smem:$0x3FA4] =	sst s3  }
0xc: {  	[smem:$0x3FA5] =	sst s4  }
0xd: {  	[smem:$0x3FA6] =	sst s5  }
0xe: {  	[smem:$0x3FA7] =	sst s6  }
0xf: {  	[smem:$0x3FA8] =	sst s7  }
0x10: {  	[smem:$0x3FA9] =	sst s8  }
0x11: {  	[smem:$0x3FAA] =	sst s9;
	s0 =	simm.s32 @!p0 $0x0  }
0x12: {  	s1 =	sld [smem:$0x3F90];
	s0 =	simm.s32 @p0 $0x1  }
0x13: {  	[smem:$0x3FAB] =	sst s0;
	s0 =	simm.s32 @!p1 $0x0  }
0x14: {  	s2 =	sld [smem:$0x3F8F];
	s0 =	simm.s32 @p1 $0x1  }
0x15: {  	[smem:$0x3FAC] =	sst s0;
	s0 =	simm.s32 @!p2 $0x0  }
0x16: {  	s3 =	sld [smem:$0x3FDB];
	s0 =	simm.s32 @p2 $0x1  }
0x17: {  	s4 =	simm.s32 $0x1BF5;
	[smem:$0x3FAE] =	sst s0  }
0x18: {  	s0 =	sld [smem:$0x3F91];
	_ =	swait.ge [sflag:s4], $0x0  }
0x19: {  	s7 =	sld [smem:$0x3F92]  }
0x1a: {  	s8 =	sadd.s32 $0xFFFFE003, lr  }
0x1b: {  	s9 =	sadd.s32 $0xFFFFFEF7, lr;
	s5 =	simm.s32 $0xFFFFFFFF;
	p2 =	slt.u32 s8, $0xFFFFF086  }
0x1c: {  	p1 =	slt.u32 s9, $0xF7A;
	s5 =	simm.s32 @!p2 $0x0  }
0x1d: {  	s5 =	simm.s32 @p1 $0x1;
	p0 =	seq.s32 s7, s2  }
0x1e: {  	s7 =	smul.u32 @!p0 $0xF7A, s2;
	p2 =	seq.s32 @!p0 s5, $0x0  }
0x1f: {  	s9 =	smul.u32 $0xF7A, s1;
	s8 =	simm.s32 @!p0 $0x1BF5;
	p2 =	por !p2, p0  }
0x20: {  	[sflag:s8] =	ssyncset.s32 @!p0 $0xFFFFF086;
	s6 =	sadd.s32 @!p0 s3, s7;
	s7 =	simm.s32 @!p0 $0x108  }
0x21: {  	s3 =	sadd.s32 s3, s9;
	s6 =	sadd.s32 @!p0 $0x88, s6;
	s7 =	simm.s32 @p2 $0x1082  }
0x22: {  	[simem:s7], [sflag:s8] =	dma.local @!p0 [hbm:s6], $0xF7A  }
0x23: {  	s9 =	sor.u32 $0xD0000000, s2;
	s6 =	simm.s32 $0x108;
	_ =	swait.ge @!p0 [sflag:s8], $0x0  }
0x24: {  	s3 =	sadd.s32 $0x88, s3;
	s6 =	simm.s32 @!p1 $0x1082;
	[sflag:s4] =	ssyncset.s32 $0xFFFFF086  }
0x25: {  	[simem:s6], [sflag:s4] =	dma.local [hbm:s3], $0xF7A  }
0x26: {  	[smem:$0x3F92] =	sst s1;
	(tag) =	ssettag s2;
	_ =	strace s9  }
0x27: {  	s1 =	sld [smem:$0x3FA2]  }
0x28: {  	s2 =	sld [smem:$0x3FA3]  }
0x29: {  	s4 =	sld [smem:$0x3FA5]  }
0x2a: {  	p0 =	seq.s32 s5, $0x0;
	s5 =	sld [smem:$0x3FA6]  }
0x2b: {  	s6 =	sld [smem:$0x3FA7]  }
0x2c: {  	s7 =	sld [smem:$0x3FA8]  }
0x2d: {  	s3 =	simm.s32 $0x108;
	s8 =	sld [smem:$0x3FA9]  }
0x2e: {  	s3 =	simm.s32 @!p0 $0x1082;
	s9 =	sld [smem:$0x3FAA]  }
0x2f: {  	lr =	sadd.s32 s0, s3;
	s0 =	sld [smem:$0x3FA1]  }
0x30: {  	s3 =	sld [smem:$0x3FA4]  }
0x31: {  	[smem:$0x3FAD] =	sst s10  }
0x32: {  	s10 =	sld [smem:$0x3FAB];
	_ =	sdelay $0x3  }
0x33: {  	p0 =	seq.s32 s10, $0x1;
	s10 =	sld [smem:$0x3FAD];
	_ =	sdelay $0x3  }
0x34: {  	[smem:$0x3FAD] =	sst s10  }
0x35: {  	s10 =	sld [smem:$0x3FAC];
	_ =	sdelay $0x3  }
0x36: {  	p1 =	seq.s32 s10, $0x1;
	s10 =	sld [smem:$0x3FAD];
	_ =	sdelay $0x3  }
0x37: {  	[smem:$0x3FAD] =	sst s10  }
0x38: {  	s10 =	sld [smem:$0x3FAE]  }
0x39: {  	_ = 	snop;
	(pc) =	sbr.ind lr, $3  }
0x3a: {  	_ = 	snop  }
0x3b: {  	_ = 	snop  }
0x3c: {  	p2 =	seq.s32 s10, $0x1;
	s10 =	sld [smem:$0x3FAD]  }
0x3d: {  	_ =	shalt  }
0x3e: {  	_ =	shalt  }
0x3f: {  	_ =	shalt  }
0x40: {  	_ =	shalt  }
0x41: {  	_ =	shalt  }
0x42: {  	_ =	shalt  }
0x43: {  	_ =	shalt  }
0x44: {  	_ =	shalt  }
0x45: {  	_ =	shalt  }
0x46: {  	_ =	shalt  }
0x47: {  	_ =	shalt  }
0x48: {  	_ =	shalt  }
0x49: {  	_ =	shalt  }
0x4a: {  	_ =	shalt  }
0x4b: {  	_ =	shalt  }
0x4c: {  	_ =	shalt  }
0x4d: {  	_ =	shalt  }
0x4e: {  	_ =	shalt  }
0x4f: {  	_ =	shalt  }
0x50: {  	_ =	shalt  }
0x51: {  	_ =	shalt  }
0x52: {  	_ =	shalt  }
0x53: {  	_ =	shalt  }
0x54: {  	_ =	shalt  }
0x55: {  	_ =	shalt  }
0x56: {  	_ =	shalt  }
0x57: {  	_ =	shalt  }
0x58: {  	_ =	shalt  }
0x59: {  	_ =	shalt  }
0x5a: {  	_ =	shalt  }
0x5b: {  	_ =	shalt  }
0x5c: {  	_ =	shalt  }
0x5d: {  	_ =	shalt  }
0x5e: {  	_ =	shalt  }
0x5f: {  	_ =	shalt  }
0x60: {  	_ =	shalt  }
0x61: {  	_ =	shalt  }
0x62: {  	_ =	shalt  }
0x63: {  	_ =	shalt  }
0x64: {  	_ =	shalt  }
0x65: {  	_ =	shalt  }
0x66: {  	_ =	shalt  }
0x67: {  	_ =	shalt  }
0x68: {  	_ =	shalt  }
0x69: {  	_ =	shalt  }
0x6a: {  	_ =	shalt  }
0x6b: {  	_ =	shalt  }
0x6c: {  	_ =	shalt  }
0x6d: {  	_ =	shalt  }
0x6e: {  	_ =	shalt  }
0x6f: {  	_ =	shalt  }
0x70: {  	_ =	shalt  }
0x71: {  	_ =	shalt  }
0x72: {  	_ =	shalt  }
0x73: {  	_ =	shalt  }
0x74: {  	_ =	shalt  }
0x75: {  	_ =	shalt  }
0x76: {  	_ =	shalt  }
0x77: {  	_ =	shalt  }
0x78: {  	_ =	shalt  }
0x79: {  	_ =	shalt  }
0x7a: {  	_ =	shalt  }
0x7b: {  	_ =	shalt  }
0x7c: {  	_ =	shalt  }
0x7d: {  	_ =	shalt  }
0x7e: {  	_ =	shalt  }
0x7f: {  	_ =	shalt  }
0x80: {  	_ =	shalt  }
0x81: {  	_ =	shalt  }
0x82: {  	_ =	shalt  }
0x83: {  	_ =	shalt  }
0x84: {  	_ =	shalt  }
0x85: {  	_ =	shalt  }
0x86: {  	_ =	shalt  }
0x87: {  	_ =	shalt  }
.Lfunc_end0:
.L_simem_size_0:
called_computation.1_lowered:
.L_overlay_start_0:
0x88: {  	s2 =	sld [smem:$0x3FD9]  }
0x89: {  	s3 =	sld [smem:$0x3FFE];
	_ =	sdelay $0x1  }
0x8a: {  	s1 =	srdreg.scid  }
0x8b: {  	s0 =	sand.u32 $0x1, s1  }
0x8c: {  	s16 =	sshll.u32 s0, $0xA;
	s2 =	sadd.s32 s3, s2  }
0x8d: {  	s2 =	sadd.s32 s2, s16  }
0x8e: {  	[smem:$0x3FB9] =	sst s2  }
0x8f: {  	_ = 	snop  }
0x90: {  	(tm) =	ssettm $0x1  }
0x91: {  	s17 =	sld [smem:$0x3FFB];
	_ =	sdelay $0x3  }
0x92: {  	_ =	strace s17  }
0x93: {  	s2 =	sld [smem:$0x3FFC];
	_ =	sdelay $0x3  }
0x94: {  	_ =	strace s2  }
0x95: {  	s2 =	sld [smem:$0x3FFD];
	_ =	sdelay $0x3  }
0x96: {  	_ =	strace s2  }
0x97: {  	_ =	strace $0x8FFFFFFF  }
0x98: {  	s18 =	sld [smem:$0x3FDB];
	_ =	sdelay $0x1  }
0x99: {  	s19 =	simm.s32 $_scs_section_size  }
0x9a: {  	s4 =	simm.s32 $_size__tile_overlayer_lowered;
	s5 =	simm.s32 $_tile_overlayer_lowered  }
0x9b: {  	s22 =	simm.s32 $0x1BFF;
	s21 =	sshll.u32 s5, $0x1;
	s2 =	sadd.s32 s19, s18  }
0x9c: {  	s6 =	simm.s32 $0x0;
	s20 =	sshll.u32 s4, $0x1;
	s4 =	sadd.s32 s21, s2  }
0x9d: {  	[timem:s6], [sflag:s22] =	dma.local [hbm:s4], s20  }
0x9e: {  	_ =	swait.ge [sflag:s22], s20  }
0x9f: {  	s3 =	ssub.s32 $0x0, s20;
	[sflag:s22] =	ssyncset.done $0x0  }
0xa0: {  	[sflag:s22] =	ssyncadd.s32 s3;
	_ =	sdelay $0x1  }
0xa1: {  	s23 =	simm.s32 $0x1B8B  }
0xa2: {  	_ =	swait.ge [sflag:s23], $0x1  }
0xa3: {  	[sflag:s23] =	ssyncset.done $0x0  }
0xa4: {  	s25 =	simm.s32 $0x1B8E;
	s24 =	sld [smem:$0x3FFE];
	[sflag:s23] =	ssyncadd.s32 $0xFFFFFFFF  }
0xa5: {  	s26 =	simm.s32 $execute0_lowered;
	[smem:$0x3FD2] =	sst s25  }
0xa6: {  	s4 =	sshll.u32 s26, $0x1;
	_ =	strace $0x80000049;
	[dreg:$0x1] =	wrdreg $0xFFFFFFFF  }
0xa7: {  	s28 =	simm.s32 $_size_execute0_lowered;
	s2 =	sadd.s32 s2, s4;
	[dreg:$0x0] =	wrdreg $0x0  }
0xa8: {  	s4 =	sshll.u32 s28, $0x1;
	[dreg:$0x2] =	wrdreg s2  }
0xa9: {  	[dreg:$0x3] =	wrdreg s4  }
0xaa: {  	[dreg:$0x4] =	wrdreg $0xC0  }
0xab: {  	_ =	task [dreg:s6], $0x5FFFF  }
0xac: {  	[dreg:$0x1] =	wrdreg $0xFFFFFFFF  }
0xad: {  	[dreg:$0x0] =	wrdreg $0x60  }
0xae: {  	[dreg:$0x2] =	wrdreg s24  }
0xaf: {  	[dreg:$0x3] =	wrdreg $0xA8000  }
0xb0: {  	[dreg:$0x4] =	wrdreg $0x9  }
0xb1: {  	_ =	task.clear_ibuf [dreg:s6], $0x5FFFF;
	_ =	strace $0x90000049  }
0xb2: {  	s29 =	simm.s32 $0x9;
	_ =	strace $0x8000004B  }
0xb3: {  	_ =	swait.ge [sflag:s29], $0x1  }
0xb4: {  	[sflag:s29] =	ssyncadd.s32 $0xFFFFFFFF  }
0xb5: {  	_ =	strace $0x9000004B  }
0xb6: {  	_ =	sfence  }
0xb7: {  	s30 =	sld [smem:$0x0];
	_ =	sdelay $0x2  }
0xb8: {  	s31 =	sshll.u32 s1, $0xD;
	s1 =	sshrl.u32 s1, $0x2  }
0xb9: {  	s3 =	sand.u32 $0x4000, s31;
	s1 =	sadd.s32 s1, s30  }
0xba: {  	s0 =	sor.u32 s3, s0;
	s1 =	sshll.u32 s1, $0x11  }
0xbb: {  	s0 =	sor.u32 s1, s0  }
0xbc: {  	s0 =	sadd.s32 $0x8F2B, s0  }
0xbd: {  	[sflag:s0] =	ssyncadd.remote.s32 $0x1  }
0xbe: {  	_ =	sfence.sel $0xFFFF  }
0xbf: {  	[dreg:$0x0] =	wrdreg $0xFFFFFFFF;
	(pc) =	sbr.abs _section_cstart, $3  }
0xc0: {  	[dreg:$0x1] =	wrdreg $0xFFFFFFFF  }
0xc1: {  	_ =	task.clear_ibuf [dreg:s6], $0x2FFFF;
	_ =	strace $0x9FFFFFFF  }
0xc2: {  	(tm) =	ssettm $0x7FFFFFFF  }
0xc3: {  	_ =	shalt  }
tec
execute0_lowered:
.L_overlay_start_1:
0x0: {  	(tag) =	ssettag $0x1  }
0x1: {  	s6 =	rddreg [dreg:$0x0]  }
0x2: {  	s0 =	srdreg.scid;
	s2 =	rddreg [dreg:$0x1]  }
0x3: {  	s1 =	stileid.u32;
	s3 =	simm.s32 $0x0;
	s13 =	simm.s32 $0x80  }
0x4: {  	s14 =	simm.s32 $0x1;
	s5 =	sand.u32 $0x1, s0;
	s0 =	rddreg [dreg:$0x2]  }
0x5: {  	s15 =	simm.s32 $0x2;
	[smem:$0x7FF] =	sst s3;
	s10 =	smul.u32 $0x4F000, s1  }
0x6: {  	s31 =	sshll.u32 s1, $0x6;
	s17 =	smul.u32 $0x2780, s1;
	s4 =	sshll.u32 s5, $0x4  }
0x7: {  	_ =	strace $0x8000004A;
	s8 =	smul.u32 $0x27800, s5;
	s28 =	ssub.s32 $0x2, s5  }
0x8: {  	s5 =	sadd.s32 $0x22C00, s6;
	s4 =	sor.u32 s1, s4;
	s29 =	sshrl.u32 s28, $0x1  }
0x9: {  	s30 =	sshrl.u32 s10, $0x2;
	s7 =	smul.u32 $0x500, s4;
	s4 =	sadd.s32 $0x25400, s6  }
.Ltmp0:
0xa: {  	s11 =	sadd.s32 s8, s6;
	s10 =	sadd.s32 s30, s2;
	(pc) =	sbr.rel .LBB2_1-.Ltmp0, $4  }
0xb: {  	s12 =	ssub.s32 s28, s29;
	s16 =	sadd.s32 $0x4C600, s11;
	s10 =	sshrl.u32 s10, $0x3  }
0xc: {  	s11 =	simm.s32 $0x3;
	s9 =	sadd.s32 s7, s6;
	s6 =	sor.u32 $0x1C03, s31  }
0xd: {  	s16 =	sadd.s32 s17, s16;
	s17 =	simm.s32 $0x0;
	s7 =	sadd.s32 $0xDC00, s9  }
0xe: {  	s8 =	sadd.s32 $0x17C00, s9;
	s9 =	smax.u32 s12, $0x1;
	s12 =	simm.s32 $0x2800  }
.LBB2_13:
0xf: {  	_ =	swait.ge [sflag:s15], $0x4000  }
0x10: {  	[sflag:s15] =	ssyncset.done $0x0  }
0x11: {  	[sflag:s15] =	ssyncadd.s32 $0xFFFFC000  }
0x12: {  	_ =	swait.ge [sflag:s15], $0x4000  }
0x13: {  	s17 =	sadd.s32 $0x1, s17;
	[sflag:s15] =	ssyncset.done $0x0  }
0x14: {  	p0 =	sne.s32 s17, s9;
	[sflag:s15] =	ssyncadd.s32 $0xFFFFC000  }
.Ltmp1:
0x15: {  	[bflag:$0x0] =	sbarrier.arrive $0xFFFF;
	(pc) =	sbr.rel @!p0 .LBB2_14-.Ltmp1, $4  }
0x16: {  	[hbm:s16], [sflag:s6] =	dma.local [spmem:s10], $0x2780  }
0x17: {  	_ =	swait.ge [sflag:s11], $0x2780  }
0x18: {  	[sflag:s11] =	ssyncset.done $0x0  }
0x19: {  	[sflag:s11] =	ssyncadd.s32 $0xFFFFD880  }
.LBB2_1:
0x1a: {  	[spmem:s10], [sflag:s6] =	dma.local [hbm:s5], $0x2780  }
0x1b: {  	_ =	swait.ge [sflag:s11], $0x2780  }
0x1c: {  	[sflag:s11] =	ssyncset.done $0x0  }
0x1d: {  	[sflag:s11] =	ssyncadd.s32 $0xFFFFD880  }
0x1e: {  	[bflag:$0x0] =	sbarrier.arrive $0xFFFF  }
0x1f: {  	[tilespmem:s3], [sflag:$0x3] =	stream.linear.gather [hbm4b:s7+s3], $0x1400, $0x38;
	[tilespmem:$0x1E400] =	vst v63  }
0x20: {  	_ =	swait.ge [sflag:s11], $0x1400  }
0x21: {  	[sflag:s11] =	ssyncset.done $0x0  }
0x22: {  	s18 =	simm.s32 $0x1400;
	[sflag:s11] =	ssyncadd.s32 $0xFFFFEC00  }
0x23: {  	[tilespmem:s18], [sflag:$0x3] =	stream.linear.gather [hbm4b:s8+s3], $0x1400, $0x38;
	[tilespmem:$0x1E400] =	vst v63  }
.Ltmp2:
0x24: {  	_ = 	snop;
	(pc) =	sbr.rel .LBB2_2-.Ltmp2, $4  }
0x25: {  	_ =	swait.ge [sflag:s11], $0x1400  }
0x26: {  	s19 =	simm.s32 $0x0;
	[sflag:s11] =	ssyncset.done $0x0  }
0x27: {  	s20 =	simm.s32 $0x80;
	s21 =	simm.s32 $0x0;
	[sflag:s11] =	ssyncadd.s32 $0xFFFFEC00  }
0x28: {  	[tilespmem:s12], [sflag:$0x1] =	stream.indirect.gather [hbm4b:s4+s13], $0x80, s3, s13, $0xb8;
	[tilespmem:$0x1E400] =	vst v63  }
.LBB2_5:
0x29: {  	s23 =	sshll.u32 s22, $0x7  }
0x2a: {  	s23 =	ssub.s32 $0x6800, s23  }
0x2b: {  	[tilespmem:s23], [sflag:$0x1] =	stream.indirect.gather [hbm4b:s4+s13], $0x80, s20, s13, $0xb8;
	[tilespmem:$0x1E400] =	vst v63  }
.LBB2_6:
0x2c: {  	s21 =	sadd.s32 $0x1, s21  }
0x2d: {  	p0 =	sne.s32 s21, $0x28  }
.Ltmp3:
0x2e: {  	_ =	swait.ge [sflag:s14], $0x4000;
	(pc) =	sbr.rel @!p0 .LBB2_7-.Ltmp3, $4  }
0x2f: {  	s22 =	sshll.u32 s22, $0x7;
	[sflag:s14] =	ssyncset.done $0x0  }
0x30: {  	s22 =	sadd.s32 $0x2800, s22;
	[sflag:s14] =	ssyncadd.s32 $0xFFFFC000  }
0x31: {  	[spmem:s2] =	stream.indirect.scatter.add.f32 [tilespmem:s22], [sflag:$0x2], $0x80, s18, s13, $0xb8;
	[tilespmem:$0x1E400] =	vst v63  }
0x32: {  	s20 =	sadd.s32 $0x80, s20;
	s19 =	sadd.s32 $0x80, s19;
	s18 =	sadd.s32 $0x80, s18  }
.LBB2_2:
0x33: {  	p0 =	seq.s32 s21, $0x0  }
.Ltmp4:
0x34: {  	_ = 	snop;
	(pc) =	sbr.rel @p0 .LBB2_5-.Ltmp4, $2  }
0x35: {  	_ =	sdelay $0x2  }
0x36: {  	s22 =	sand.u32 $0x80, s19  }
0x37: {  	p0 =	seq.s32 s21, $0x27  }
.Ltmp5:
0x38: {  	_ = 	snop;
	(pc) =	sbr.rel @p0 .LBB2_6-.Ltmp5, $1  }
0x39: {  	_ =	sdelay $0x3  }
.Ltmp6:
0x3a: {  	(pc) =	sbr.rel .LBB2_5-.Ltmp6, $4  }
0x3b: {  	_ = 	snop  }
0x3c: {  	_ =	swait.ge [sflag:s15], $0x4000  }
0x3d: {  	[sflag:s15] =	ssyncset.done $0x0  }
0x3e: {  	[sflag:s15] =	ssyncadd.s32 $0xFFFFC000  }
.LBB2_7:
0x3f: {  	_ =	swait.ge [sflag:s15], $0x4000  }
0x40: {  	[sflag:s15] =	ssyncset.done $0x0  }
0x41: {  	[sflag:s15] =	ssyncadd.s32 $0xFFFFC000  }
0x42: {  	_ =	swait.ge [sflag:s15], $0x4000  }
0x43: {  	[sflag:s15] =	ssyncset.done $0x0  }
0x44: {  	s19 =	sadd.s32 $0x280, s7;
	s18 =	simm.s32 $0x0;
	[sflag:s15] =	ssyncadd.s32 $0xFFFFC000  }
0x45: {  	[tilespmem:s18], [sflag:$0x3] =	stream.linear.gather [hbm4b:s19+s18], $0x1400, $0x38;
	[tilespmem:$0x1E400] =	vst v63  }
0x46: {  	_ =	swait.ge [sflag:s11], $0x1400  }
0x47: {  	[sflag:s11] =	ssyncset.done $0x0  }
0x48: {  	s20 =	sadd.s32 $0x280, s8;
	s19 =	simm.s32 $0x1400;
	[sflag:s11] =	ssyncadd.s32 $0xFFFFEC00  }
0x49: {  	[tilespmem:s19], [sflag:$0x3] =	stream.linear.gather [hbm4b:s20+s18], $0x1400, $0x38;
	[tilespmem:$0x1E400] =	vst v63  }
.Ltmp7:
0x4a: {  	_ = 	snop;
	(pc) =	sbr.rel .LBB2_8-.Ltmp7, $4  }
0x4b: {  	_ =	swait.ge [sflag:s11], $0x1400  }
0x4c: {  	[sflag:s11] =	ssyncset.done $0x0  }
0x4d: {  	s21 =	simm.s32 $0x0;
	s20 =	simm.s32 $0x80;
	[sflag:s11] =	ssyncadd.s32 $0xFFFFEC00  }
0x4e: {  	[tilespmem:s12], [sflag:$0x1] =	stream.indirect.gather [hbm4b:s4+s20], $0x80, s18, s20, $0xb8;
	[tilespmem:$0x1E400] =	vst v63  }
.LBB2_11:
0x4f: {  	s23 =	sshll.u32 s22, $0x7  }
0x50: {  	s23 =	ssub.s32 $0x6800, s23  }
0x51: {  	[tilespmem:s23], [sflag:$0x1] =	stream.indirect.gather [hbm4b:s4+s13], $0x80, s20, s13, $0xb8;
	[tilespmem:$0x1E400] =	vst v63  }
.LBB2_12:
0x52: {  	s21 =	sadd.s32 $0x1, s21  }
0x53: {  	p0 =	sne.s32 s21, $0x28  }
.Ltmp8:
0x54: {  	_ =	swait.ge [sflag:s14], $0x4000;
	(pc) =	sbr.rel @!p0 .LBB2_13-.Ltmp8, $4  }
0x55: {  	s22 =	sshll.u32 s22, $0x7;
	[sflag:s14] =	ssyncset.done $0x0  }
0x56: {  	s22 =	sadd.s32 $0x2800, s22;
	[sflag:s14] =	ssyncadd.s32 $0xFFFFC000  }
0x57: {  	[spmem:s2] =	stream.indirect.scatter.add.f32 [tilespmem:s22], [sflag:$0x2], $0x80, s19, s13, $0xb8;
	[tilespmem:$0x1E400] =	vst v63  }
0x58: {  	s20 =	sadd.s32 $0x80, s20;
	s18 =	sadd.s32 $0x80, s18;
	s19 =	sadd.s32 $0x80, s19  }
.LBB2_8:
0x59: {  	p0 =	seq.s32 s21, $0x0  }
.Ltmp9:
0x5a: {  	_ = 	snop;
	(pc) =	sbr.rel @p0 .LBB2_11-.Ltmp9, $2  }
0x5b: {  	_ =	sdelay $0x2  }
0x5c: {  	s22 =	sand.u32 $0x80, s18  }
0x5d: {  	p0 =	seq.s32 s21, $0x27  }
.Ltmp10:
0x5e: {  	_ = 	snop;
	(pc) =	sbr.rel @p0 .LBB2_12-.Ltmp10, $1  }
0x5f: {  	_ =	sdelay $0x3  }
.Ltmp11:
0x60: {  	(pc) =	sbr.rel .LBB2_11-.Ltmp11, $4  }
0x61: {  	_ = 	snop  }
0x62: {  	_ =	swait.ge [sflag:s15], $0x4000  }
0x63: {  	[sflag:s15] =	ssyncset.done $0x0  }
0x64: {  	[sflag:s15] =	ssyncadd.s32 $0xFFFFC000  }
.LBB2_14:
0x65: {  	_ =	sfence.sel $0x180000  }
0x66: {  	[bflag:$0x0] =	sbarrier.arrive $0xFFFF  }
0x67: {  	p0 =	sne.s32 s1, $0x0;
	_ =	strace $0x9000004A  }
0x68: {  	s0 =	sadd.s32 @!p0 $0x100000, s0;
	[bflag:$0x2] =	sbarrier.arrive $0xFFFF  }
0x69: {  	[sflag:s0] =	ssyncadd.tile.s32 @!p0 $0x1;
	_ =	shalt  }
.Lfunc_end2:
_tile_overlayer_lowered:
.L_overlay_start_2:
0x6a: {  	(tag) =	ssettag $0x2  }
0x6b: {  	s0 =	rddreg [dreg:$0x0];
	s2 =	stileid.u32  }
0x6c: {  	s1 =	rddreg [dreg:$0x1];
	p0 =	sne.s32 s2, $0x0  }
0x6d: {  	s3 =	rddreg [dreg:$0x2];
	[bflag:$0x3] =	sbarrier.arrive $0xFFFF;
	s2 =	simm.s32 @!p0 $0x1C03  }
0x6e: {  	[timem:s3], [sflag:s2] =	dma.local @!p0 [hbm:s0], s1  }
0x6f: {  	s0 =	simm.s32 @!p0 $0x3  }
0x70: {  	_ =	swait.ge @!p0 [sflag:s0], s1  }
0x71: {  	s1 =	ssub.s32 @!p0 $0x0, s1;
	[sflag:s0] =	ssyncset.done @!p0 $0x0  }
0x72: {  	[sflag:s0] =	ssyncadd.s32 @!p0 s1  }
0x73: {  	[bflag:$0x3] =	sbarrier.arrive $0xFFFF  }
0x74: {  	_ =	shalt  }

// kernel: kernel.17.cloned.1.call-start
scs
__scs_entry_jumppad:
0x0: {  	(pc) =	sbr.rel $0x88, $3  }
0x1: {  	(tag) =	ssettag $0x0;
	lr =	simm.s32 $0x1  }
0x2: {  	[smem:$0x3F92] =	sst lr;
	_ =	strace $0xD0000000  }
0x3: {  	_ = 	snop  }
0x4: {  	_ = 	snop  }
0x5: {  	_ = 	snop  }
0x6: {  	_ = 	snop  }
0x7: {  	_ = 	snop  }
__scs_overlays_trampoline_lowered:
0x8: {  	[smem:$0x3FA1] =	sst s0  }
0x9: {  	[smem:$0x3FA2] =	sst s1  }
0xa: {  	[smem:$0x3FA3] =	sst s2  }
0xb: {  	[smem:$0x3FA4] =	sst s3  }
0xc: {  	[smem:$0x3FA5] =	sst s4  }
0xd: {  	[smem:$0x3FA6] =	sst s5  }
0xe: {  	[smem:$0x3FA7] =	sst s6  }
0xf: {  	[smem:$0x3FA8] =	sst s7  }
0x10: {  	[smem:$0x3FA9] =	sst s8  }
0x11: {  	[smem:$0x3FAA] =	sst s9;
	s0 =	simm.s32 @!p0 $0x0  }
0x12: {  	s1 =	sld [smem:$0x3F90];
	s0 =	simm.s32 @p0 $0x1  }
0x13: {  	[smem:$0x3FAB] =	sst s0;
	s0 =	simm.s32 @!p1 $0x0  }
0x14: {  	s2 =	sld [smem:$0x3F8F];
	s0 =	simm.s32 @p1 $0x1  }
0x15: {  	[smem:$0x3FAC] =	sst s0;
	s0 =	simm.s32 @!p2 $0x0  }
0x16: {  	s3 =	sld [smem:$0x3FDB];
	s0 =	simm.s32 @p2 $0x1  }
0x17: {  	s4 =	simm.s32 $0x1BF5;
	[smem:$0x3FAE] =	sst s0  }
0x18: {  	s0 =	sld [smem:$0x3F91];
	_ =	swait.ge [sflag:s4], $0x0  }
0x19: {  	s7 =	sld [smem:$0x3F92]  }
0x1a: {  	s8 =	sadd.s32 $0xFFFFE003, lr  }
0x1b: {  	s9 =	sadd.s32 $0xFFFFFEF7, lr;
	s5 =	simm.s32 $0xFFFFFFFF;
	p2 =	slt.u32 s8, $0xFFFFF086  }
0x1c: {  	p1 =	slt.u32 s9, $0xF7A;
	s5 =	simm.s32 @!p2 $0x0  }
0x1d: {  	s5 =	simm.s32 @p1 $0x1;
	p0 =	seq.s32 s7, s2  }
0x1e: {  	s7 =	smul.u32 @!p0 $0xF7A, s2;
	p2 =	seq.s32 @!p0 s5, $0x0  }
0x1f: {  	s9 =	smul.u32 $0xF7A, s1;
	s8 =	simm.s32 @!p0 $0x1BF5;
	p2 =	por !p2, p0  }
0x20: {  	[sflag:s8] =	ssyncset.s32 @!p0 $0xFFFFF086;
	s6 =	sadd.s32 @!p0 s3, s7;
	s7 =	simm.s32 @!p0 $0x108  }
0x21: {  	s3 =	sadd.s32 s3, s9;
	s6 =	sadd.s32 @!p0 $0x88, s6;
	s7 =	simm.s32 @p2 $0x1082  }
0x22: {  	[simem:s7], [sflag:s8] =	dma.local @!p0 [hbm:s6], $0xF7A  }
0x23: {  	s9 =	sor.u32 $0xD0000000, s2;
	s6 =	simm.s32 $0x108;
	_ =	swait.ge @!p0 [sflag:s8], $0x0  }
0x24: {  	s3 =	sadd.s32 $0x88, s3;
	s6 =	simm.s32 @!p1 $0x1082;
	[sflag:s4] =	ssyncset.s32 $0xFFFFF086  }
0x25: {  	[simem:s6], [sflag:s4] =	dma.local [hbm:s3], $0xF7A  }
0x26: {  	[smem:$0x3F92] =	sst s1;
	(tag) =	ssettag s2;
	_ =	strace s9  }
0x27: {  	s1 =	sld [smem:$0x3FA2]  }
0x28: {  	s2 =	sld [smem:$0x3FA3]  }
0x29: {  	s4 =	sld [smem:$0x3FA5]  }
0x2a: {  	p0 =	seq.s32 s5, $0x0;
	s5 =	sld [smem:$0x3FA6]  }
0x2b: {  	s6 =	sld [smem:$0x3FA7]  }
0x2c: {  	s7 =	sld [smem:$0x3FA8]  }
0x2d: {  	s3 =	simm.s32 $0x108;
	s8 =	sld [smem:$0x3FA9]  }
0x2e: {  	s3 =	simm.s32 @!p0 $0x1082;
	s9 =	sld [smem:$0x3FAA]  }
0x2f: {  	lr =	sadd.s32 s0, s3;
	s0 =	sld [smem:$0x3FA1]  }
0x30: {  	s3 =	sld [smem:$0x3FA4]  }
0x31: {  	[smem:$0x3FAD] =	sst s10  }
0x32: {  	s10 =	sld [smem:$0x3FAB];
	_ =	sdelay $0x3  }
0x33: {  	p0 =	seq.s32 s10, $0x1;
	s10 =	sld [smem:$0x3FAD];
	_ =	sdelay $0x3  }
0x34: {  	[smem:$0x3FAD] =	sst s10  }
0x35: {  	s10 =	sld [smem:$0x3FAC];
	_ =	sdelay $0x3  }
0x36: {  	p1 =	seq.s32 s10, $0x1;
	s10 =	sld [smem:$0x3FAD];
	_ =	sdelay $0x3  }
0x37: {  	[smem:$0x3FAD] =	sst s10  }
0x38: {  	s10 =	sld [smem:$0x3FAE]  }
0x39: {  	_ = 	snop;
	(pc) =	sbr.ind lr, $3  }
0x3a: {  	_ = 	snop  }
0x3b: {  	_ = 	snop  }
0x3c: {  	p2 =	seq.s32 s10, $0x1;
	s10 =	sld [smem:$0x3FAD]  }
0x3d: {  	_ =	shalt  }
0x3e: {  	_ =	shalt  }
0x3f: {  	_ =	shalt  }
0x40: {  	_ =	shalt  }
0x41: {  	_ =	shalt  }
0x42: {  	_ =	shalt  }
0x43: {  	_ =	shalt  }
0x44: {  	_ =	shalt  }
0x45: {  	_ =	shalt  }
0x46: {  	_ =	shalt  }
0x47: {  	_ =	shalt  }
0x48: {  	_ =	shalt  }
0x49: {  	_ =	shalt  }
0x4a: {  	_ =	shalt  }
0x4b: {  	_ =	shalt  }
0x4c: {  	_ =	shalt  }
0x4d: {  	_ =	shalt  }
0x4e: {  	_ =	shalt  }
0x4f: {  	_ =	shalt  }
0x50: {  	_ =	shalt  }
0x51: {  	_ =	shalt  }
0x52: {  	_ =	shalt  }
0x53: {  	_ =	shalt  }
0x54: {  	_ =	shalt  }
0x55: {  	_ =	shalt  }
0x56: {  	_ =	shalt  }
0x57: {  	_ =	shalt  }
0x58: {  	_ =	shalt  }
0x59: {  	_ =	shalt  }
0x5a: {  	_ =	shalt  }
0x5b: {  	_ =	shalt  }
0x5c: {  	_ =	shalt  }
0x5d: {  	_ =	shalt  }
0x5e: {  	_ =	shalt  }
0x5f: {  	_ =	shalt  }
0x60: {  	_ =	shalt  }
0x61: {  	_ =	shalt  }
0x62: {  	_ =	shalt  }
0x63: {  	_ =	shalt  }
0x64: {  	_ =	shalt  }
0x65: {  	_ =	shalt  }
0x66: {  	_ =	shalt  }
0x67: {  	_ =	shalt  }
0x68: {  	_ =	shalt  }
0x69: {  	_ =	shalt  }
0x6a: {  	_ =	shalt  }
0x6b: {  	_ =	shalt  }
0x6c: {  	_ =	shalt  }
0x6d: {  	_ =	shalt  }
0x6e: {  	_ =	shalt  }
0x6f: {  	_ =	shalt  }
0x70: {  	_ =	shalt  }
0x71: {  	_ =	shalt  }
0x72: {  	_ =	shalt  }
0x73: {  	_ =	shalt  }
0x74: {  	_ =	shalt  }
0x75: {  	_ =	shalt  }
0x76: {  	_ =	shalt  }
0x77: {  	_ =	shalt  }
0x78: {  	_ =	shalt  }
0x79: {  	_ =	shalt  }
0x7a: {  	_ =	shalt  }
0x7b: {  	_ =	shalt  }
0x7c: {  	_ =	shalt  }
0x7d: {  	_ =	shalt  }
0x7e: {  	_ =	shalt  }
0x7f: {  	_ =	shalt  }
0x80: {  	_ =	shalt  }
0x81: {  	_ =	shalt  }
0x82: {  	_ =	shalt  }
0x83: {  	_ =	shalt  }
0x84: {  	_ =	shalt  }
0x85: {  	_ =	shalt  }
0x86: {  	_ =	shalt  }
0x87: {  	_ =	shalt  }
.Lfunc_end0:
.L_simem_size_0:
called_computation.2_lowered:
.L_overlay_start_0:
0x88: {  	s2 =	sld [smem:$0x3FD9]  }
0x89: {  	s3 =	sld [smem:$0x3FFE];
	_ =	sdelay $0x1  }
0x8a: {  	s1 =	srdreg.scid  }
0x8b: {  	s0 =	sand.u32 $0x1, s1  }
0x8c: {  	s16 =	sshll.u32 s0, $0xA;
	s2 =	sadd.s32 s3, s2  }
0x8d: {  	s2 =	sadd.s32 s2, s16  }
0x8e: {  	[smem:$0x3FB9] =	sst s2  }
0x8f: {  	_ = 	snop  }
0x90: {  	(tm) =	ssettm $0x1  }
0x91: {  	s17 =	sld [smem:$0x3FFB];
	_ =	sdelay $0x3  }
0x92: {  	_ =	strace s17  }
0x93: {  	s2 =	sld [smem:$0x3FFC];
	_ =	sdelay $0x3  }
0x94: {  	_ =	strace s2  }
0x95: {  	s2 =	sld [smem:$0x3FFD];
	_ =	sdelay $0x3  }
0x96: {  	_ =	strace s2  }
0x97: {  	_ =	strace $0x8FFFFFFF  }
0x98: {  	s18 =	sld [smem:$0x3FDB];
	_ =	sdelay $0x1  }
0x99: {  	s19 =	simm.s32 $_scs_section_size  }
0x9a: {  	s4 =	simm.s32 $_size__tile_overlayer_lowered;
	s5 =	simm.s32 $_tile_overlayer_lowered  }
0x9b: {  	s22 =	simm.s32 $0x1BFF;
	s21 =	sshll.u32 s5, $0x1;
	s2 =	sadd.s32 s19, s18  }
0x9c: {  	s6 =	simm.s32 $0x0;
	s20 =	sshll.u32 s4, $0x1;
	s4 =	sadd.s32 s21, s2  }
0x9d: {  	[timem:s6], [sflag:s22] =	dma.local [hbm:s4], s20  }
0x9e: {  	_ =	swait.ge [sflag:s22], s20  }
0x9f: {  	s3 =	ssub.s32 $0x0, s20;
	[sflag:s22] =	ssyncset.done $0x0  }
0xa0: {  	[sflag:s22] =	ssyncadd.s32 s3;
	_ =	sdelay $0x1  }
0xa1: {  	s23 =	simm.s32 $0x1B8B  }
0xa2: {  	_ =	swait.ge [sflag:s23], $0x1  }
0xa3: {  	[sflag:s23] =	ssyncset.done $0x0  }
0xa4: {  	s25 =	simm.s32 $0x1B8E;
	s24 =	sld [smem:$0x3FFE];
	[sflag:s23] =	ssyncadd.s32 $0xFFFFFFFF  }
0xa5: {  	s26 =	simm.s32 $execute0_lowered;
	[smem:$0x3FD2] =	sst s25  }
0xa6: {  	s4 =	sshll.u32 s26, $0x1;
	_ =	strace $0x8000004C;
	[dreg:$0x1] =	wrdreg $0xFFFFFFFF  }
0xa7: {  	s28 =	simm.s32 $_size_execute0_lowered;
	s2 =	sadd.s32 s2, s4;
	[dreg:$0x0] =	wrdreg $0x0  }
0xa8: {  	s4 =	sshll.u32 s28, $0x1;
	[dreg:$0x2] =	wrdreg s2  }
0xa9: {  	[dreg:$0x3] =	wrdreg s4  }
0xaa: {  	[dreg:$0x4] =	wrdreg $0xC0  }
0xab: {  	_ =	task [dreg:s6], $0x5FFFF  }
0xac: {  	[dreg:$0x1] =	wrdreg $0xFFFFFFFF  }
0xad: {  	[dreg:$0x0] =	wrdreg $0x60  }
0xae: {  	[dreg:$0x2] =	wrdreg s24  }
0xaf: {  	[dreg:$0x3] =	wrdreg $0xA8000  }
0xb0: {  	[dreg:$0x4] =	wrdreg $0x9  }
0xb1: {  	_ =	task.clear_ibuf [dreg:s6], $0x5FFFF;
	_ =	strace $0x9000004C  }
0xb2: {  	s29 =	simm.s32 $0x9;
	_ =	strace $0x8000004E  }
0xb3: {  	_ =	swait.ge [sflag:s29], $0x1  }
0xb4: {  	[sflag:s29] =	ssyncadd.s32 $0xFFFFFFFF  }
0xb5: {  	_ =	strace $0x9000004E  }
0xb6: {  	_ =	sfence  }
0xb7: {  	s30 =	sld [smem:$0x0];
	_ =	sdelay $0x2  }
0xb8: {  	s31 =	sshll.u32 s1, $0xD;
	s1 =	sshrl.u32 s1, $0x2  }
0xb9: {  	s3 =	sand.u32 $0x4000, s31;
	s1 =	sadd.s32 s1, s30  }
0xba: {  	s0 =	sor.u32 s3, s0;
	s1 =	sshll.u32 s1, $0x11  }
0xbb: {  	s0 =	sor.u32 s1, s0  }
0xbc: {  	s0 =	sadd.s32 $0x8F2B, s0  }
0xbd: {  	[sflag:s0] =	ssyncadd.remote.s32 $0x1  }
0xbe: {  	_ =	sfence.sel $0xFFFF  }
0xbf: {  	[dreg:$0x0] =	wrdreg $0xFFFFFFFF;
	(pc) =	sbr.abs _section_cstart, $3  }
0xc0: {  	[dreg:$0x1] =	wrdreg $0xFFFFFFFF  }
0xc1: {  	_ =	task.clear_ibuf [dreg:s6], $0x2FFFF;
	_ =	strace $0x9FFFFFFF  }
0xc2: {  	(tm) =	ssettm $0x7FFFFFFF  }
0xc3: {  	_ =	shalt  }
tec
execute0_lowered:
.L_overlay_start_1:
0x0: {  	(tag) =	ssettag $0x1  }
0x1: {  	s6 =	rddreg [dreg:$0x0]  }
0x2: {  	s0 =	srdreg.scid;
	s2 =	rddreg [dreg:$0x1]  }
0x3: {  	s1 =	stileid.u32;
	s3 =	simm.s32 $0x0;
	s13 =	simm.s32 $0x80  }
0x4: {  	s14 =	simm.s32 $0x1;
	s5 =	sand.u32 $0x1, s0;
	s0 =	rddreg [dreg:$0x2]  }
0x5: {  	s15 =	simm.s32 $0x2;
	[smem:$0x7FF] =	sst s3;
	s10 =	smul.u32 $0x4F000, s1  }
0x6: {  	s31 =	sshll.u32 s1, $0x6;
	s17 =	smul.u32 $0x2780, s1;
	s4 =	sshll.u32 s5, $0x4  }
0x7: {  	_ =	strace $0x8000004D;
	s8 =	smul.u32 $0x27800, s5;
	s28 =	ssub.s32 $0x2, s5  }
0x8: {  	s5 =	sadd.s32 $0x22C00, s6;
	s4 =	sor.u32 s1, s4;
	s29 =	sshrl.u32 s28, $0x1  }
0x9: {  	s30 =	sshrl.u32 s10, $0x2;
	s7 =	smul.u32 $0x500, s4;
	s4 =	sadd.s32 $0x25400, s6  }
.Ltmp0:
0xa: {  	s11 =	sadd.s32 s8, s6;
	s10 =	sadd.s32 s30, s2;
	(pc) =	sbr.rel .LBB2_1-.Ltmp0, $4  }
0xb: {  	s12 =	ssub.s32 s28, s29;
	s16 =	sadd.s32 $0x4C600, s11;
	s10 =	sshrl.u32 s10, $0x3  }
0xc: {  	s11 =	simm.s32 $0x3;
	s9 =	sadd.s32 s7, s6;
	s6 =	sor.u32 $0x1C03, s31  }
0xd: {  	s16 =	sadd.s32 s17, s16;
	s17 =	simm.s32 $0x0;
	s7 =	sadd.s32 $0xDC00, s9  }
0xe: {  	s8 =	sadd.s32 $0x17C00, s9;
	s9 =	smax.u32 s12, $0x1;
	s12 =	simm.s32 $0x2800  }
.LBB2_13:
0xf: {  	_ =	swait.ge [sflag:s15], $0x4000  }
0x10: {  	[sflag:s15] =	ssyncset.done $0x0  }
0x11: {  	[sflag:s15] =	ssyncadd.s32 $0xFFFFC000  }
0x12: {  	_ =	swait.ge [sflag:s15], $0x4000  }
0x13: {  	s17 =	sadd.s32 $0x1, s17;
	[sflag:s15] =	ssyncset.done $0x0  }
0x14: {  	p0 =	sne.s32 s17, s9;
	[sflag:s15] =	ssyncadd.s32 $0xFFFFC000  }
.Ltmp1:
0x15: {  	[bflag:$0x0] =	sbarrier.arrive $0xFFFF;
	(pc) =	sbr.rel @!p0 .LBB2_14-.Ltmp1, $4  }
0x16: {  	[hbm:s16], [sflag:s6] =	dma.local [spmem:s10], $0x2780  }
0x17: {  	_ =	swait.ge [sflag:s11], $0x2780  }
0x18: {  	[sflag:s11] =	ssyncset.done $0x0  }
0x19: {  	[sflag:s11] =	ssyncadd.s32 $0xFFFFD880  }
.LBB2_1:
0x1a: {  	[spmem:s10], [sflag:s6] =	dma.local [hbm:s5], $0x2780  }
0x1b: {  	_ =	swait.ge [sflag:s11], $0x2780  }
0x1c: {  	[sflag:s11] =	ssyncset.done $0x0  }
0x1d: {  	[sflag:s11] =	ssyncadd.s32 $0xFFFFD880  }
0x1e: {  	[bflag:$0x0] =	sbarrier.arrive $0xFFFF  }
0x1f: {  	[tilespmem:s3], [sflag:$0x3] =	stream.linear.gather [hbm4b:s7+s3], $0x1400, $0x38;
	[tilespmem:$0x1E400] =	vst v63  }
0x20: {  	_ =	swait.ge [sflag:s11], $0x1400  }
0x21: {  	[sflag:s11] =	ssyncset.done $0x0  }
0x22: {  	s18 =	simm.s32 $0x1400;
	[sflag:s11] =	ssyncadd.s32 $0xFFFFEC00  }
0x23: {  	[tilespmem:s18], [sflag:$0x3] =	stream.linear.gather [hbm4b:s8+s3], $0x1400, $0x38;
	[tilespmem:$0x1E400] =	vst v63  }
.Ltmp2:
0x24: {  	_ = 	snop;
	(pc) =	sbr.rel .LBB2_2-.Ltmp2, $4  }
0x25: {  	_ =	swait.ge [sflag:s11], $0x1400  }
0x26: {  	s19 =	simm.s32 $0x0;
	[sflag:s11] =	ssyncset.done $0x0  }
0x27: {  	s20 =	simm.s32 $0x80;
	s21 =	simm.s32 $0x0;
	[sflag:s11] =	ssyncadd.s32 $0xFFFFEC00  }
0x28: {  	[tilespmem:s12], [sflag:$0x1] =	stream.indirect.gather [hbm4b:s4+s13], $0x80, s3, s13, $0xb8;
	[tilespmem:$0x1E400] =	vst v63  }
.LBB2_5:
0x29: {  	s23 =	sshll.u32 s22, $0x7  }
0x2a: {  	s23 =	ssub.s32 $0x6800, s23  }
0x2b: {  	[tilespmem:s23], [sflag:$0x1] =	stream.indirect.gather [hbm4b:s4+s13], $0x80, s20, s13, $0xb8;
	[tilespmem:$0x1E400] =	vst v63  }
.LBB2_6:
0x2c: {  	s21 =	sadd.s32 $0x1, s21  }
0x2d: {  	p0 =	sne.s32 s21, $0x28  }
.Ltmp3:
0x2e: {  	_ =	swait.ge [sflag:s14], $0x4000;
	(pc) =	sbr.rel @!p0 .LBB2_7-.Ltmp3, $4  }
0x2f: {  	s22 =	sshll.u32 s22, $0x7;
	[sflag:s14] =	ssyncset.done $0x0  }
0x30: {  	s22 =	sadd.s32 $0x2800, s22;
	[sflag:s14] =	ssyncadd.s32 $0xFFFFC000  }
0x31: {  	[spmem:s2] =	stream.indirect.scatter.add.f32 [tilespmem:s22], [sflag:$0x2], $0x80, s18, s13, $0xb8;
	[tilespmem:$0x1E400] =	vst v63  }
0x32: {  	s20 =	sadd.s32 $0x80, s20;
	s19 =	sadd.s32 $0x80, s19;
	s18 =	sadd.s32 $0x80, s18  }
.LBB2_2:
0x33: {  	p0 =	seq.s32 s21, $0x0  }
.Ltmp4:
0x34: {  	_ = 	snop;
	(pc) =	sbr.rel @p0 .LBB2_5-.Ltmp4, $2  }
0x35: {  	_ =	sdelay $0x2  }
0x36: {  	s22 =	sand.u32 $0x80, s19  }
0x37: {  	p0 =	seq.s32 s21, $0x27  }
.Ltmp5:
0x38: {  	_ = 	snop;
	(pc) =	sbr.rel @p0 .LBB2_6-.Ltmp5, $1  }
0x39: {  	_ =	sdelay $0x3  }
.Ltmp6:
0x3a: {  	(pc) =	sbr.rel .LBB2_5-.Ltmp6, $4  }
0x3b: {  	_ = 	snop  }
0x3c: {  	_ =	swait.ge [sflag:s15], $0x4000  }
0x3d: {  	[sflag:s15] =	ssyncset.done $0x0  }
0x3e: {  	[sflag:s15] =	ssyncadd.s32 $0xFFFFC000  }
.LBB2_7:
0x3f: {  	_ =	swait.ge [sflag:s15], $0x4000  }
0x40: {  	[sflag:s15] =	ssyncset.done $0x0  }
0x41: {  	[sflag:s15] =	ssyncadd.s32 $0xFFFFC000  }
0x42: {  	_ =	swait.ge [sflag:s15], $0x4000  }
0x43: {  	[sflag:s15] =	ssyncset.done $0x0  }
0x44: {  	s19 =	sadd.s32 $0x280, s7;
	s18 =	simm.s32 $0x0;
	[sflag:s15] =	ssyncadd.s32 $0xFFFFC000  }
0x45: {  	[tilespmem:s18], [sflag:$0x3] =	stream.linear.gather [hbm4b:s19+s18], $0x1400, $0x38;
	[tilespmem:$0x1E400] =	vst v63  }
0x46: {  	_ =	swait.ge [sflag:s11], $0x1400  }
0x47: {  	[sflag:s11] =	ssyncset.done $0x0  }
0x48: {  	s20 =	sadd.s32 $0x280, s8;
	s19 =	simm.s32 $0x1400;
	[sflag:s11] =	ssyncadd.s32 $0xFFFFEC00  }
0x49: {  	[tilespmem:s19], [sflag:$0x3] =	stream.linear.gather [hbm4b:s20+s18], $0x1400, $0x38;
	[tilespmem:$0x1E400] =	vst v63  }
.Ltmp7:
0x4a: {  	_ = 	snop;
	(pc) =	sbr.rel .LBB2_8-.Ltmp7, $4  }
0x4b: {  	_ =	swait.ge [sflag:s11], $0x1400  }
0x4c: {  	[sflag:s11] =	ssyncset.done $0x0  }
0x4d: {  	s21 =	simm.s32 $0x0;
	s20 =	simm.s32 $0x80;
	[sflag:s11] =	ssyncadd.s32 $0xFFFFEC00  }
0x4e: {  	[tilespmem:s12], [sflag:$0x1] =	stream.indirect.gather [hbm4b:s4+s20], $0x80, s18, s20, $0xb8;
	[tilespmem:$0x1E400] =	vst v63  }
.LBB2_11:
0x4f: {  	s23 =	sshll.u32 s22, $0x7  }
0x50: {  	s23 =	ssub.s32 $0x6800, s23  }
0x51: {  	[tilespmem:s23], [sflag:$0x1] =	stream.indirect.gather [hbm4b:s4+s13], $0x80, s20, s13, $0xb8;
	[tilespmem:$0x1E400] =	vst v63  }
.LBB2_12:
0x52: {  	s21 =	sadd.s32 $0x1, s21  }
0x53: {  	p0 =	sne.s32 s21, $0x28  }
.Ltmp8:
0x54: {  	_ =	swait.ge [sflag:s14], $0x4000;
	(pc) =	sbr.rel @!p0 .LBB2_13-.Ltmp8, $4  }
0x55: {  	s22 =	sshll.u32 s22, $0x7;
	[sflag:s14] =	ssyncset.done $0x0  }
0x56: {  	s22 =	sadd.s32 $0x2800, s22;
	[sflag:s14] =	ssyncadd.s32 $0xFFFFC000  }
0x57: {  	[spmem:s2] =	stream.indirect.scatter.add.f32 [tilespmem:s22], [sflag:$0x2], $0x80, s19, s13, $0xb8;
	[tilespmem:$0x1E400] =	vst v63  }
0x58: {  	s20 =	sadd.s32 $0x80, s20;
	s18 =	sadd.s32 $0x80, s18;
	s19 =	sadd.s32 $0x80, s19  }
.LBB2_8:
0x59: {  	p0 =	seq.s32 s21, $0x0  }
.Ltmp9:
0x5a: {  	_ = 	snop;
	(pc) =	sbr.rel @p0 .LBB2_11-.Ltmp9, $2  }
0x5b: {  	_ =	sdelay $0x2  }
0x5c: {  	s22 =	sand.u32 $0x80, s18  }
0x5d: {  	p0 =	seq.s32 s21, $0x27  }
.Ltmp10:
0x5e: {  	_ = 	snop;
	(pc) =	sbr.rel @p0 .LBB2_12-.Ltmp10, $1  }
0x5f: {  	_ =	sdelay $0x3  }
.Ltmp11:
0x60: {  	(pc) =	sbr.rel .LBB2_11-.Ltmp11, $4  }
0x61: {  	_ = 	snop  }
0x62: {  	_ =	swait.ge [sflag:s15], $0x4000  }
0x63: {  	[sflag:s15] =	ssyncset.done $0x0  }
0x64: {  	[sflag:s15] =	ssyncadd.s32 $0xFFFFC000  }
.LBB2_14:
0x65: {  	_ =	sfence.sel $0x180000  }
0x66: {  	[bflag:$0x0] =	sbarrier.arrive $0xFFFF  }
0x67: {  	p0 =	sne.s32 s1, $0x0;
	_ =	strace $0x9000004D  }
0x68: {  	s0 =	sadd.s32 @!p0 $0x100000, s0;
	[bflag:$0x2] =	sbarrier.arrive $0xFFFF  }
0x69: {  	[sflag:s0] =	ssyncadd.tile.s32 @!p0 $0x1;
	_ =	shalt  }
.Lfunc_end2:
_tile_overlayer_lowered:
.L_overlay_start_2:
0x6a: {  	(tag) =	ssettag $0x2  }
0x6b: {  	s0 =	rddreg [dreg:$0x0];
	s2 =	stileid.u32  }
0x6c: {  	s1 =	rddreg [dreg:$0x1];
	p0 =	sne.s32 s2, $0x0  }
0x6d: {  	s3 =	rddreg [dreg:$0x2];
	[bflag:$0x3] =	sbarrier.arrive $0xFFFF;
	s2 =	simm.s32 @!p0 $0x1C03  }
0x6e: {  	[timem:s3], [sflag:s2] =	dma.local @!p0 [hbm:s0], s1  }
0x6f: {  	s0 =	simm.s32 @!p0 $0x3  }
0x70: {  	_ =	swait.ge @!p0 [sflag:s0], s1  }
0x71: {  	s1 =	ssub.s32 @!p0 $0x0, s1;
	[sflag:s0] =	ssyncset.done @!p0 $0x0  }
0x72: {  	[sflag:s0] =	ssyncadd.s32 @!p0 s1  }
0x73: {  	[bflag:$0x3] =	sbarrier.arrive $0xFFFF  }
0x74: {  	_ =	shalt  }

// kernel: kernel.20.cloned.1.call-start
scs
__scs_entry_jumppad:
0x0: {  	(pc) =	sbr.rel $0x88, $3  }
0x1: {  	(tag) =	ssettag $0x0;
	lr =	simm.s32 $0x1  }
0x2: {  	[smem:$0x3F92] =	sst lr;
	_ =	strace $0xD0000000  }
0x3: {  	_ = 	snop  }
0x4: {  	_ = 	snop  }
0x5: {  	_ = 	snop  }
0x6: {  	_ = 	snop  }
0x7: {  	_ = 	snop  }
__scs_overlays_trampoline_lowered:
0x8: {  	[smem:$0x3FA1] =	sst s0  }
0x9: {  	[smem:$0x3FA2] =	sst s1  }
0xa: {  	[smem:$0x3FA3] =	sst s2  }
0xb: {  	[smem:$0x3FA4] =	sst s3  }
0xc: {  	[smem:$0x3FA5] =	sst s4  }
0xd: {  	[smem:$0x3FA6] =	sst s5  }
0xe: {  	[smem:$0x3FA7] =	sst s6  }
0xf: {  	[smem:$0x3FA8] =	sst s7  }
0x10: {  	[smem:$0x3FA9] =	sst s8  }
0x11: {  	[smem:$0x3FAA] =	sst s9;
	s0 =	simm.s32 @!p0 $0x0  }
0x12: {  	s1 =	sld [smem:$0x3F90];
	s0 =	simm.s32 @p0 $0x1  }
0x13: {  	[smem:$0x3FAB] =	sst s0;
	s0 =	simm.s32 @!p1 $0x0  }
0x14: {  	s2 =	sld [smem:$0x3F8F];
	s0 =	simm.s32 @p1 $0x1  }
0x15: {  	[smem:$0x3FAC] =	sst s0;
	s0 =	simm.s32 @!p2 $0x0  }
0x16: {  	s3 =	sld [smem:$0x3FDB];
	s0 =	simm.s32 @p2 $0x1  }
0x17: {  	s4 =	simm.s32 $0x1BF5;
	[smem:$0x3FAE] =	sst s0  }
0x18: {  	s0 =	sld [smem:$0x3F91];
	_ =	swait.ge [sflag:s4], $0x0  }
0x19: {  	s7 =	sld [smem:$0x3F92]  }
0x1a: {  	s8 =	sadd.s32 $0xFFFFE003, lr  }
0x1b: {  	s9 =	sadd.s32 $0xFFFFFEF7, lr;
	s5 =	simm.s32 $0xFFFFFFFF;
	p2 =	slt.u32 s8, $0xFFFFF086  }
0x1c: {  	p1 =	slt.u32 s9, $0xF7A;
	s5 =	simm.s32 @!p2 $0x0  }
0x1d: {  	s5 =	simm.s32 @p1 $0x1;
	p0 =	seq.s32 s7, s2  }
0x1e: {  	s7 =	smul.u32 @!p0 $0xF7A, s2;
	p2 =	seq.s32 @!p0 s5, $0x0  }
0x1f: {  	s9 =	smul.u32 $0xF7A, s1;
	s8 =	simm.s32 @!p0 $0x1BF5;
	p2 =	por !p2, p0  }
0x20: {  	[sflag:s8] =	ssyncset.s32 @!p0 $0xFFFFF086;
	s6 =	sadd.s32 @!p0 s3, s7;
	s7 =	simm.s32 @!p0 $0x108  }
0x21: {  	s3 =	sadd.s32 s3, s9;
	s6 =	sadd.s32 @!p0 $0x88, s6;
	s7 =	simm.s32 @p2 $0x1082  }
0x22: {  	[simem:s7], [sflag:s8] =	dma.local @!p0 [hbm:s6], $0xF7A  }
0x23: {  	s9 =	sor.u32 $0xD0000000, s2;
	s6 =	simm.s32 $0x108;
	_ =	swait.ge @!p0 [sflag:s8], $0x0  }
0x24: {  	s3 =	sadd.s32 $0x88, s3;
	s6 =	simm.s32 @!p1 $0x1082;
	[sflag:s4] =	ssyncset.s32 $0xFFFFF086  }
0x25: {  	[simem:s6], [sflag:s4] =	dma.local [hbm:s3], $0xF7A  }
0x26: {  	[smem:$0x3F92] =	sst s1;
	(tag) =	ssettag s2;
	_ =	strace s9  }
0x27: {  	s1 =	sld [smem:$0x3FA2]  }
0x28: {  	s2 =	sld [smem:$0x3FA3]  }
0x29: {  	s4 =	sld [smem:$0x3FA5]  }
0x2a: {  	p0 =	seq.s32 s5, $0x0;
	s5 =	sld [smem:$0x3FA6]  }
0x2b: {  	s6 =	sld [smem:$0x3FA7]  }
0x2c: {  	s7 =	sld [smem:$0x3FA8]  }
0x2d: {  	s3 =	simm.s32 $0x108;
	s8 =	sld [smem:$0x3FA9]  }
0x2e: {  	s3 =	simm.s32 @!p0 $0x1082;
	s9 =	sld [smem:$0x3FAA]  }
0x2f: {  	lr =	sadd.s32 s0, s3;
	s0 =	sld [smem:$0x3FA1]  }
0x30: {  	s3 =	sld [smem:$0x3FA4]  }
0x31: {  	[smem:$0x3FAD] =	sst s10  }
0x32: {  	s10 =	sld [smem:$0x3FAB];
	_ =	sdelay $0x3  }
0x33: {  	p0 =	seq.s32 s10, $0x1;
	s10 =	sld [smem:$0x3FAD];
	_ =	sdelay $0x3  }
0x34: {  	[smem:$0x3FAD] =	sst s10  }
0x35: {  	s10 =	sld [smem:$0x3FAC];
	_ =	sdelay $0x3  }
0x36: {  	p1 =	seq.s32 s10, $0x1;
	s10 =	sld [smem:$0x3FAD];
	_ =	sdelay $0x3  }
0x37: {  	[smem:$0x3FAD] =	sst s10  }
0x38: {  	s10 =	sld [smem:$0x3FAE]  }
0x39: {  	_ = 	snop;
	(pc) =	sbr.ind lr, $3  }
0x3a: {  	_ = 	snop  }
0x3b: {  	_ = 	snop  }
0x3c: {  	p2 =	seq.s32 s10, $0x1;
	s10 =	sld [smem:$0x3FAD]  }
0x3d: {  	_ =	shalt  }
0x3e: {  	_ =	shalt  }
0x3f: {  	_ =	shalt  }
0x40: {  	_ =	shalt  }
0x41: {  	_ =	shalt  }
0x42: {  	_ =	shalt  }
0x43: {  	_ =	shalt  }
0x44: {  	_ =	shalt  }
0x45: {  	_ =	shalt  }
0x46: {  	_ =	shalt  }
0x47: {  	_ =	shalt  }
0x48: {  	_ =	shalt  }
0x49: {  	_ =	shalt  }
0x4a: {  	_ =	shalt  }
0x4b: {  	_ =	shalt  }
0x4c: {  	_ =	shalt  }
0x4d: {  	_ =	shalt  }
0x4e: {  	_ =	shalt  }
0x4f: {  	_ =	shalt  }
0x50: {  	_ =	shalt  }
0x51: {  	_ =	shalt  }
0x52: {  	_ =	shalt  }
0x53: {  	_ =	shalt  }
0x54: {  	_ =	shalt  }
0x55: {  	_ =	shalt  }
0x56: {  	_ =	shalt  }
0x57: {  	_ =	shalt  }
0x58: {  	_ =	shalt  }
0x59: {  	_ =	shalt  }
0x5a: {  	_ =	shalt  }
0x5b: {  	_ =	shalt  }
0x5c: {  	_ =	shalt  }
0x5d: {  	_ =	shalt  }
0x5e: {  	_ =	shalt  }
0x5f: {  	_ =	shalt  }
0x60: {  	_ =	shalt  }
0x61: {  	_ =	shalt  }
0x62: {  	_ =	shalt  }
0x63: {  	_ =	shalt  }
0x64: {  	_ =	shalt  }
0x65: {  	_ =	shalt  }
0x66: {  	_ =	shalt  }
0x67: {  	_ =	shalt  }
0x68: {  	_ =	shalt  }
0x69: {  	_ =	shalt  }
0x6a: {  	_ =	shalt  }
0x6b: {  	_ =	shalt  }
0x6c: {  	_ =	shalt  }
0x6d: {  	_ =	shalt  }
0x6e: {  	_ =	shalt  }
0x6f: {  	_ =	shalt  }
0x70: {  	_ =	shalt  }
0x71: {  	_ =	shalt  }
0x72: {  	_ =	shalt  }
0x73: {  	_ =	shalt  }
0x74: {  	_ =	shalt  }
0x75: {  	_ =	shalt  }
0x76: {  	_ =	shalt  }
0x77: {  	_ =	shalt  }
0x78: {  	_ =	shalt  }
0x79: {  	_ =	shalt  }
0x7a: {  	_ =	shalt  }
0x7b: {  	_ =	shalt  }
0x7c: {  	_ =	shalt  }
0x7d: {  	_ =	shalt  }
0x7e: {  	_ =	shalt  }
0x7f: {  	_ =	shalt  }
0x80: {  	_ =	shalt  }
0x81: {  	_ =	shalt  }
0x82: {  	_ =	shalt  }
0x83: {  	_ =	shalt  }
0x84: {  	_ =	shalt  }
0x85: {  	_ =	shalt  }
0x86: {  	_ =	shalt  }
0x87: {  	_ =	shalt  }
.Lfunc_end0:
.L_simem_size_0:
called_computation.3_lowered:
.L_overlay_start_0:
0x88: {  	s2 =	sld [smem:$0x3FD9]  }
0x89: {  	s3 =	sld [smem:$0x3FFE];
	_ =	sdelay $0x1  }
0x8a: {  	s1 =	srdreg.scid  }
0x8b: {  	s0 =	sand.u32 $0x1, s1  }
0x8c: {  	s16 =	sshll.u32 s0, $0xA;
	s2 =	sadd.s32 s3, s2  }
0x8d: {  	s2 =	sadd.s32 s2, s16  }
0x8e: {  	[smem:$0x3FB9] =	sst s2  }
0x8f: {  	_ = 	snop  }
0x90: {  	(tm) =	ssettm $0x1  }
0x91: {  	s17 =	sld [smem:$0x3FFB];
	_ =	sdelay $0x3  }
0x92: {  	_ =	strace s17  }
0x93: {  	s2 =	sld [smem:$0x3FFC];
	_ =	sdelay $0x3  }
0x94: {  	_ =	strace s2  }
0x95: {  	s2 =	sld [smem:$0x3FFD];
	_ =	sdelay $0x3  }
0x96: {  	_ =	strace s2  }
0x97: {  	_ =	strace $0x8FFFFFFF  }
0x98: {  	s18 =	sld [smem:$0x3FDB];
	_ =	sdelay $0x1  }
0x99: {  	s19 =	simm.s32 $_scs_section_size  }
0x9a: {  	s4 =	simm.s32 $_size__tile_overlayer_lowered;
	s5 =	simm.s32 $_tile_overlayer_lowered  }
0x9b: {  	s22 =	simm.s32 $0x1BFF;
	s21 =	sshll.u32 s5, $0x1;
	s2 =	sadd.s32 s19, s18  }
0x9c: {  	s6 =	simm.s32 $0x0;
	s20 =	sshll.u32 s4, $0x1;
	s4 =	sadd.s32 s21, s2  }
0x9d: {  	[timem:s6], [sflag:s22] =	dma.local [hbm:s4], s20  }
0x9e: {  	_ =	swait.ge [sflag:s22], s20  }
0x9f: {  	s3 =	ssub.s32 $0x0, s20;
	[sflag:s22] =	ssyncset.done $0x0  }
0xa0: {  	[sflag:s22] =	ssyncadd.s32 s3;
	_ =	sdelay $0x1  }
0xa1: {  	s23 =	simm.s32 $0x1B8B  }
0xa2: {  	_ =	swait.ge [sflag:s23], $0x1  }
0xa3: {  	[sflag:s23] =	ssyncset.done $0x0  }
0xa4: {  	s25 =	simm.s32 $0x1B8E;
	s24 =	sld [smem:$0x3FFE];
	[sflag:s23] =	ssyncadd.s32 $0xFFFFFFFF  }
0xa5: {  	s26 =	simm.s32 $execute0_lowered;
	[smem:$0x3FD2] =	sst s25  }
0xa6: {  	s4 =	sshll.u32 s26, $0x1;
	_ =	strace $0x8000004F;
	[dreg:$0x1] =	wrdreg $0xFFFFFFFF  }
0xa7: {  	s28 =	simm.s32 $_size_execute0_lowered;
	s2 =	sadd.s32 s2, s4;
	[dreg:$0x0] =	wrdreg $0x0  }
0xa8: {  	s4 =	sshll.u32 s28, $0x1;
	[dreg:$0x2] =	wrdreg s2  }
0xa9: {  	[dreg:$0x3] =	wrdreg s4  }
0xaa: {  	[dreg:$0x4] =	wrdreg $0xC0  }
0xab: {  	_ =	task [dreg:s6], $0x5FFFF  }
0xac: {  	[dreg:$0x1] =	wrdreg $0xFFFFFFFF  }
0xad: {  	[dreg:$0x0] =	wrdreg $0x60  }
0xae: {  	[dreg:$0x2] =	wrdreg s24  }
0xaf: {  	[dreg:$0x3] =	wrdreg $0xA8000  }
0xb0: {  	[dreg:$0x4] =	wrdreg $0x9  }
0xb1: {  	_ =	task.clear_ibuf [dreg:s6], $0x5FFFF;
	_ =	strace $0x9000004F  }
0xb2: {  	s29 =	simm.s32 $0x9;
	_ =	strace $0x80000051  }
0xb3: {  	_ =	swait.ge [sflag:s29], $0x1  }
0xb4: {  	[sflag:s29] =	ssyncadd.s32 $0xFFFFFFFF  }
0xb5: {  	_ =	strace $0x90000051  }
0xb6: {  	_ =	sfence  }
0xb7: {  	s30 =	sld [smem:$0x0];
	_ =	sdelay $0x2  }
0xb8: {  	s31 =	sshll.u32 s1, $0xD;
	s1 =	sshrl.u32 s1, $0x2  }
0xb9: {  	s3 =	sand.u32 $0x4000, s31;
	s1 =	sadd.s32 s1, s30  }
0xba: {  	s0 =	sor.u32 s3, s0;
	s1 =	sshll.u32 s1, $0x11  }
0xbb: {  	s0 =	sor.u32 s1, s0  }
0xbc: {  	s0 =	sadd.s32 $0x8F2B, s0  }
0xbd: {  	[sflag:s0] =	ssyncadd.remote.s32 $0x1  }
0xbe: {  	_ =	sfence.sel $0xFFFF  }
0xbf: {  	[dreg:$0x0] =	wrdreg $0xFFFFFFFF;
	(pc) =	sbr.abs _section_cstart, $3  }
0xc0: {  	[dreg:$0x1] =	wrdreg $0xFFFFFFFF  }
0xc1: {  	_ =	task.clear_ibuf [dreg:s6], $0x2FFFF;
	_ =	strace $0x9FFFFFFF  }
0xc2: {  	(tm) =	ssettm $0x7FFFFFFF  }
0xc3: {  	_ =	shalt  }
tec
execute0_lowered:
.L_overlay_start_1:
0x0: {  	(tag) =	ssettag $0x1  }
0x1: {  	s6 =	rddreg [dreg:$0x0]  }
0x2: {  	s0 =	srdreg.scid;
	s2 =	rddreg [dreg:$0x1]  }
0x3: {  	s1 =	stileid.u32;
	s3 =	simm.s32 $0x0;
	s13 =	simm.s32 $0x80  }
0x4: {  	s14 =	simm.s32 $0x1;
	s5 =	sand.u32 $0x1, s0;
	s0 =	rddreg [dreg:$0x2]  }
0x5: {  	s15 =	simm.s32 $0x2;
	[smem:$0x7FF] =	sst s3;
	s10 =	smul.u32 $0x4F000, s1  }
0x6: {  	s31 =	sshll.u32 s1, $0x6;
	s17 =	smul.u32 $0x2780, s1;
	s4 =	sshll.u32 s5, $0x4  }
0x7: {  	_ =	strace $0x80000050;
	s8 =	smul.u32 $0x27800, s5;
	s28 =	ssub.s32 $0x2, s5  }
0x8: {  	s5 =	sadd.s32 $0x22C00, s6;
	s4 =	sor.u32 s1, s4;
	s29 =	sshrl.u32 s28, $0x1  }
0x9: {  	s30 =	sshrl.u32 s10, $0x2;
	s7 =	smul.u32 $0x500, s4;
	s4 =	sadd.s32 $0x25400, s6  }
.Ltmp0:
0xa: {  	s11 =	sadd.s32 s8, s6;
	s10 =	sadd.s32 s30, s2;
	(pc) =	sbr.rel .LBB2_1-.Ltmp0, $4  }
0xb: {  	s12 =	ssub.s32 s28, s29;
	s16 =	sadd.s32 $0x4C600, s11;
	s10 =	sshrl.u32 s10, $0x3  }
0xc: {  	s11 =	simm.s32 $0x3;
	s9 =	sadd.s32 s7, s6;
	s6 =	sor.u32 $0x1C03, s31  }
0xd: {  	s16 =	sadd.s32 s17, s16;
	s17 =	simm.s32 $0x0;
	s7 =	sadd.s32 $0xDC00, s9  }
0xe: {  	s8 =	sadd.s32 $0x17C00, s9;
	s9 =	smax.u32 s12, $0x1;
	s12 =	simm.s32 $0x2800  }
.LBB2_13:
0xf: {  	_ =	swait.ge [sflag:s15], $0x4000  }
0x10: {  	[sflag:s15] =	ssyncset.done $0x0  }
0x11: {  	[sflag:s15] =	ssyncadd.s32 $0xFFFFC000  }
0x12: {  	_ =	swait.ge [sflag:s15], $0x4000  }
0x13: {  	s17 =	sadd.s32 $0x1, s17;
	[sflag:s15] =	ssyncset.done $0x0  }
0x14: {  	p0 =	sne.s32 s17, s9;
	[sflag:s15] =	ssyncadd.s32 $0xFFFFC000  }
.Ltmp1:
0x15: {  	[bflag:$0x0] =	sbarrier.arrive $0xFFFF;
	(pc) =	sbr.rel @!p0 .LBB2_14-.Ltmp1, $4  }
0x16: {  	[hbm:s16], [sflag:s6] =	dma.local [spmem:s10], $0x2780  }
0x17: {  	_ =	swait.ge [sflag:s11], $0x2780  }
0x18: {  	[sflag:s11] =	ssyncset.done $0x0  }
0x19: {  	[sflag:s11] =	ssyncadd.s32 $0xFFFFD880  }
.LBB2_1:
0x1a: {  	[spmem:s10], [sflag:s6] =	dma.local [hbm:s5], $0x2780  }
0x1b: {  	_ =	swait.ge [sflag:s11], $0x2780  }
0x1c: {  	[sflag:s11] =	ssyncset.done $0x0  }
0x1d: {  	[sflag:s11] =	ssyncadd.s32 $0xFFFFD880  }
0x1e: {  	[bflag:$0x0] =	sbarrier.arrive $0xFFFF  }
0x1f: {  	[tilespmem:s3], [sflag:$0x3] =	stream.linear.gather [hbm4b:s7+s3], $0x1400, $0x38;
	[tilespmem:$0x1E400] =	vst v63  }
0x20: {  	_ =	swait.ge [sflag:s11], $0x1400  }
0x21: {  	[sflag:s11] =	ssyncset.done $0x0  }
0x22: {  	s18 =	simm.s32 $0x1400;
	[sflag:s11] =	ssyncadd.s32 $0xFFFFEC00  }
0x23: {  	[tilespmem:s18], [sflag:$0x3] =	stream.linear.gather [hbm4b:s8+s3], $0x1400, $0x38;
	[tilespmem:$0x1E400] =	vst v63  }
.Ltmp2:
0x24: {  	_ = 	snop;
	(pc) =	sbr.rel .LBB2_2-.Ltmp2, $4  }
0x25: {  	_ =	swait.ge [sflag:s11], $0x1400  }
0x26: {  	s19 =	simm.s32 $0x0;
	[sflag:s11] =	ssyncset.done $0x0  }
0x27: {  	s20 =	simm.s32 $0x80;
	s21 =	simm.s32 $0x0;
	[sflag:s11] =	ssyncadd.s32 $0xFFFFEC00  }
0x28: {  	[tilespmem:s12], [sflag:$0x1] =	stream.indirect.gather [hbm4b:s4+s13], $0x80, s3, s13, $0xb8;
	[tilespmem:$0x1E400] =	vst v63  }
.LBB2_5:
0x29: {  	s23 =	sshll.u32 s22, $0x7  }
0x2a: {  	s23 =	ssub.s32 $0x6800, s23  }
0x2b: {  	[tilespmem:s23], [sflag:$0x1] =	stream.indirect.gather [hbm4b:s4+s13], $0x80, s20, s13, $0xb8;
	[tilespmem:$0x1E400] =	vst v63  }
.LBB2_6:
0x2c: {  	s21 =	sadd.s32 $0x1, s21  }
0x2d: {  	p0 =	sne.s32 s21, $0x28  }
.Ltmp3:
0x2e: {  	_ =	swait.ge [sflag:s14], $0x4000;
	(pc) =	sbr.rel @!p0 .LBB2_7-.Ltmp3, $4  }
0x2f: {  	s22 =	sshll.u32 s22, $0x7;
	[sflag:s14] =	ssyncset.done $0x0  }
0x30: {  	s22 =	sadd.s32 $0x2800, s22;
	[sflag:s14] =	ssyncadd.s32 $0xFFFFC000  }
0x31: {  	[spmem:s2] =	stream.indirect.scatter.add.f32 [tilespmem:s22], [sflag:$0x2], $0x80, s18, s13, $0xb8;
	[tilespmem:$0x1E400] =	vst v63  }
0x32: {  	s20 =	sadd.s32 $0x80, s20;
	s19 =	sadd.s32 $0x80, s19;
	s18 =	sadd.s32 $0x80, s18  }
.LBB2_2:
0x33: {  	p0 =	seq.s32 s21, $0x0  }
.Ltmp4:
0x34: {  	_ = 	snop;
	(pc) =	sbr.rel @p0 .LBB2_5-.Ltmp4, $2  }
0x35: {  	_ =	sdelay $0x2  }
0x36: {  	s22 =	sand.u32 $0x80, s19  }
0x37: {  	p0 =	seq.s32 s21, $0x27  }
.Ltmp5:
0x38: {  	_ = 	snop;
	(pc) =	sbr.rel @p0 .LBB2_6-.Ltmp5, $1  }
0x39: {  	_ =	sdelay $0x3  }
.Ltmp6:
0x3a: {  	(pc) =	sbr.rel .LBB2_5-.Ltmp6, $4  }
0x3b: {  	_ = 	snop  }
0x3c: {  	_ =	swait.ge [sflag:s15], $0x4000  }
0x3d: {  	[sflag:s15] =	ssyncset.done $0x0  }
0x3e: {  	[sflag:s15] =	ssyncadd.s32 $0xFFFFC000  }
.LBB2_7:
0x3f: {  	_ =	swait.ge [sflag:s15], $0x4000  }
0x40: {  	[sflag:s15] =	ssyncset.done $0x0  }
0x41: {  	[sflag:s15] =	ssyncadd.s32 $0xFFFFC000  }
0x42: {  	_ =	swait.ge [sflag:s15], $0x4000  }
0x43: {  	[sflag:s15] =	ssyncset.done $0x0  }
0x44: {  	s19 =	sadd.s32 $0x280, s7;
	s18 =	simm.s32 $0x0;
	[sflag:s15] =	ssyncadd.s32 $0xFFFFC000  }
0x45: {  	[tilespmem:s18], [sflag:$0x3] =	stream.linear.gather [hbm4b:s19+s18], $0x1400, $0x38;
	[tilespmem:$0x1E400] =	vst v63  }
0x46: {  	_ =	swait.ge [sflag:s11], $0x1400  }
0x47: {  	[sflag:s11] =	ssyncset.done $0x0  }
0x48: {  	s20 =	sadd.s32 $0x280, s8;
	s19 =	simm.s32 $0x1400;
	[sflag:s11] =	ssyncadd.s32 $0xFFFFEC00  }
0x49: {  	[tilespmem:s19], [sflag:$0x3] =	stream.linear.gather [hbm4b:s20+s18], $0x1400, $0x38;
	[tilespmem:$0x1E400] =	vst v63  }
.Ltmp7:
0x4a: {  	_ = 	snop;
	(pc) =	sbr.rel .LBB2_8-.Ltmp7, $4  }
0x4b: {  	_ =	swait.ge [sflag:s11], $0x1400  }
0x4c: {  	[sflag:s11] =	ssyncset.done $0x0  }
0x4d: {  	s21 =	simm.s32 $0x0;
	s20 =	simm.s32 $0x80;
	[sflag:s11] =	ssyncadd.s32 $0xFFFFEC00  }
0x4e: {  	[tilespmem:s12], [sflag:$0x1] =	stream.indirect.gather [hbm4b:s4+s20], $0x80, s18, s20, $0xb8;
	[tilespmem:$0x1E400] =	vst v63  }
.LBB2_11:
0x4f: {  	s23 =	sshll.u32 s22, $0x7  }
0x50: {  	s23 =	ssub.s32 $0x6800, s23  }
0x51: {  	[tilespmem:s23], [sflag:$0x1] =	stream.indirect.gather [hbm4b:s4+s13], $0x80, s20, s13, $0xb8;
	[tilespmem:$0x1E400] =	vst v63  }
.LBB2_12:
0x52: {  	s21 =	sadd.s32 $0x1, s21  }
0x53: {  	p0 =	sne.s32 s21, $0x28  }
.Ltmp8:
0x54: {  	_ =	swait.ge [sflag:s14], $0x4000;
	(pc) =	sbr.rel @!p0 .LBB2_13-.Ltmp8, $4  }
0x55: {  	s22 =	sshll.u32 s22, $0x7;
	[sflag:s14] =	ssyncset.done $0x0  }
0x56: {  	s22 =	sadd.s32 $0x2800, s22;
	[sflag:s14] =	ssyncadd.s32 $0xFFFFC000  }
0x57: {  	[spmem:s2] =	stream.indirect.scatter.add.f32 [tilespmem:s22], [sflag:$0x2], $0x80, s19, s13, $0xb8;
	[tilespmem:$0x1E400] =	vst v63  }
0x58: {  	s20 =	sadd.s32 $0x80, s20;
	s18 =	sadd.s32 $0x80, s18;
	s19 =	sadd.s32 $0x80, s19  }
.LBB2_8:
0x59: {  	p0 =	seq.s32 s21, $0x0  }
.Ltmp9:
0x5a: {  	_ = 	snop;
	(pc) =	sbr.rel @p0 .LBB2_11-.Ltmp9, $2  }
0x5b: {  	_ =	sdelay $0x2  }
0x5c: {  	s22 =	sand.u32 $0x80, s18  }
0x5d: {  	p0 =	seq.s32 s21, $0x27  }
.Ltmp10:
0x5e: {  	_ = 	snop;
	(pc) =	sbr.rel @p0 .LBB2_12-.Ltmp10, $1  }
0x5f: {  	_ =	sdelay $0x3  }
.Ltmp11:
0x60: {  	(pc) =	sbr.rel .LBB2_11-.Ltmp11, $4  }
0x61: {  	_ = 	snop  }
0x62: {  	_ =	swait.ge [sflag:s15], $0x4000  }
0x63: {  	[sflag:s15] =	ssyncset.done $0x0  }
0x64: {  	[sflag:s15] =	ssyncadd.s32 $0xFFFFC000  }
.LBB2_14:
0x65: {  	_ =	sfence.sel $0x180000  }
0x66: {  	[bflag:$0x0] =	sbarrier.arrive $0xFFFF  }
0x67: {  	p0 =	sne.s32 s1, $0x0;
	_ =	strace $0x90000050  }
0x68: {  	s0 =	sadd.s32 @!p0 $0x100000, s0;
	[bflag:$0x2] =	sbarrier.arrive $0xFFFF  }
0x69: {  	[sflag:s0] =	ssyncadd.tile.s32 @!p0 $0x1;
	_ =	shalt  }
.Lfunc_end2:
_tile_overlayer_lowered:
.L_overlay_start_2:
0x6a: {  	(tag) =	ssettag $0x2  }
0x6b: {  	s0 =	rddreg [dreg:$0x0];
	s2 =	stileid.u32  }
0x6c: {  	s1 =	rddreg [dreg:$0x1];
	p0 =	sne.s32 s2, $0x0  }
0x6d: {  	s3 =	rddreg [dreg:$0x2];
	[bflag:$0x3] =	sbarrier.arrive $0xFFFF;
	s2 =	simm.s32 @!p0 $0x1C03  }
0x6e: {  	[timem:s3], [sflag:s2] =	dma.local @!p0 [hbm:s0], s1  }
0x6f: {  	s0 =	simm.s32 @!p0 $0x3  }
0x70: {  	_ =	swait.ge @!p0 [sflag:s0], s1  }
0x71: {  	s1 =	ssub.s32 @!p0 $0x0, s1;
	[sflag:s0] =	ssyncset.done @!p0 $0x0  }
0x72: {  	[sflag:s0] =	ssyncadd.s32 @!p0 s1  }
0x73: {  	[bflag:$0x3] =	sbarrier.arrive $0xFFFF  }
0x74: {  	_ =	shalt  }

</sc_bundles>
